<compile_context>
chip_gen: v7x
topology: tpu7x:2x2x1
jax: 0.10.2.dev20260603
libtpu: 0.0.44.dev20260713+nightly
codegen_flags: <defaults>
</compile_context>

<pallas_src>
import functools

import jax
import jax.numpy as jnp
from jax import lax
from jax.experimental import pallas as pl
from jax.experimental.pallas import tpu as pltpu
from jax.experimental.pallas import tpu_sc as plsc

_NC = 2
_NS = 16
_K = 128
_NG = 64
_EPS = 1e-5


def _sc_aggregate(h, src_sl, dst_sl, zeros, n, d, n_acc, cpw0, cpw1, cpw_max):
    mesh = plsc.VectorSubcoreMesh(core_axis_name="c", subcore_axis_name="s")
    zs = n_acc // _NS

    def body(h_hbm, src_hbm, dst_hbm, z_hbm, out0, out1,
             is0, is1, dsts_v, rows_v, acc_sh, sem0, sem1, semi0, semi1):
        cid = lax.axis_index("c")
        sid = lax.axis_index("s")
        wid = cid * _NS + sid
        row0 = sid * zs
        nch = jnp.where(cid == 0, cpw0, cpw1)

        pltpu.sync_copy(dst_hbm.at[wid], dsts_v)
        pltpu.sync_copy(z_hbm, acc_sh.at[pl.ds(row0, zs)])
        pltpu.async_copy(src_hbm.at[wid, 0], is0, semi0)
        pltpu.async_copy(src_hbm.at[wid, 1], is1, semi1)
        pltpu.make_async_copy(src_hbm.at[wid, 0], is0, semi0).wait()
        pltpu.async_copy(h_hbm.at[is0], rows_v.at[0], sem0)
        plsc.subcore_barrier()

        def pair(p, carry):
            j = 2 * p
            pltpu.make_async_copy(src_hbm.at[wid, 0], is1, semi1).wait()
            pltpu.async_copy(h_hbm.at[is1], rows_v.at[1], sem1)
            pltpu.make_async_copy(h_hbm.at[is0], rows_v.at[0], sem0).wait()

            @pl.when(j + 2 < nch)
            def _():
                pltpu.async_copy(src_hbm.at[wid, j + 2], is0, semi0)

            pltpu.sync_copy(rows_v.at[0], acc_sh.at[dsts_v.at[j]], add=True)

            @pl.when(j + 2 < nch)
            def _():
                pltpu.make_async_copy(src_hbm.at[wid, 0], is0, semi0).wait()
                pltpu.async_copy(h_hbm.at[is0], rows_v.at[0], sem0)

            pltpu.make_async_copy(h_hbm.at[is1], rows_v.at[1], sem1).wait()

            @pl.when(j + 3 < nch)
            def _():
                pltpu.async_copy(src_hbm.at[wid, j + 3], is1, semi1)

            pltpu.sync_copy(rows_v.at[1], acc_sh.at[dsts_v.at[j + 1]],
                            add=True)
            return carry

        lax.fori_loop(0, nch // 2, pair, 0)
        plsc.subcore_barrier()

        @pl.when(cid == 0)
        def _():
            pltpu.sync_copy(acc_sh.at[pl.ds(row0, zs)], out0.at[pl.ds(row0, zs)])

        @pl.when(cid == 1)
        def _():
            pltpu.sync_copy(acc_sh.at[pl.ds(row0, zs)], out1.at[pl.ds(row0, zs)])

    f = pl.kernel(
        body,
        out_type=(jax.ShapeDtypeStruct((n_acc, d), jnp.float32),
                  jax.ShapeDtypeStruct((n_acc, d), jnp.float32)),
        mesh=mesh,
        scratch_types=[
            pltpu.VMEM((_K,), jnp.int32),
            pltpu.VMEM((_K,), jnp.int32),
            pltpu.VMEM((cpw_max, _K), jnp.int32),
            pltpu.VMEM((2, _K, d), jnp.float32),
            pltpu.VMEM_SHARED((n_acc, d), jnp.float32),
            pltpu.SemaphoreType.DMA,
            pltpu.SemaphoreType.DMA,
            pltpu.SemaphoreType.DMA,
            pltpu.SemaphoreType.DMA,
        ],
    )
    return f(h, src_sl, dst_sl, zeros)


def _mlp_bn(h, p0, p1, w1, b1, w2, b2, g, bt, relu_out, n, d, dh, bs):
    nblk = n // bs

    def body(h_r, p0_r, p1_r, w1_r, b1_r, w2_r, b2_r, g_r, bt_r, out_r,
             zpre, stats):
        i0 = pl.program_id(0)
        b = pl.program_id(1)

        @pl.when(i0 == 0)
        def _():
            @pl.when(b == 0)
            def _():
                stats[...] = jnp.zeros_like(stats)

            z = h_r[...] + p0_r[...] + p1_r[...]
            y = jnp.maximum(
                jnp.dot(z, w1_r[...], preferred_element_type=jnp.float32)
                + b1_r[...], 0.0)
            zo = (jnp.dot(y, w2_r[...], preferred_element_type=jnp.float32)
                  + b2_r[...])
            zpre[pl.ds(b * bs, bs), :] = zo
            stats[0:1, :] += jnp.sum(zo, axis=0, keepdims=True)
            stats[1:2, :] += jnp.sum(zo * zo, axis=0, keepdims=True)

        @pl.when(i0 == 1)
        def _():
            mu = stats[0:1, :] * (1.0 / n)
            var = stats[1:2, :] * (1.0 / n) - mu * mu
            sc = g_r[...] * lax.rsqrt(var + _EPS)
            o = (zpre[pl.ds(b * bs, bs), :] - mu) * sc + bt_r[...]
            if relu_out:
                o = jnp.maximum(o, 0.0)
            out_r[...] = o

    blk = lambda i0, b: (b * (1 - i0), 0)
    fixed = lambda i0, b: (0, 0)
    return pl.pallas_call(
        body,
        grid=(2, nblk),
        in_specs=[
            pl.BlockSpec((bs, d), blk),
            pl.BlockSpec((bs, d), blk),
            pl.BlockSpec((bs, d), blk),
            pl.BlockSpec((d, dh), fixed),
            pl.BlockSpec((1, dh), fixed),
            pl.BlockSpec((dh, d), fixed),
            pl.BlockSpec((1, d), fixed),
            pl.BlockSpec((1, d), fixed),
            pl.BlockSpec((1, d), fixed),
        ],
        out_specs=pl.BlockSpec((bs, d), lambda i0, b: (b, 0)),
        out_shape=jax.ShapeDtypeStruct((n, d), jnp.float32),
        scratch_shapes=[
            pltpu.VMEM((n, d), jnp.float32),
            pltpu.VMEM((8, d), jnp.float32),
        ],
    )(h, p0, p1, w1, b1.reshape(1, dh), w2, b2.reshape(1, d),
      g.reshape(1, d), bt.reshape(1, d))


def _pool(h, bf, p1w, p1b, p2w, p2b, g, bt, n, d, nhid, bs):
    nblk = n // bs

    def body(h_r, bf_r, p1w_r, p1b_r, p2w_r, p2b_r, g_r, bt_r, out_r,
             segs, cnts):
        b = pl.program_id(0)

        @pl.when(b == 0)
        def _():
            segs[...] = jnp.zeros_like(segs)
            cnts[...] = jnp.zeros_like(cnts)

        oh = (bf_r[...] == lax.broadcasted_iota(jnp.int32, (bs, _NG), 1)
              ).astype(jnp.float32)
        dn = (((0,), (0,)), ((), ()))
        segs[...] += lax.dot_general(oh, h_r[...], dn,
                                     preferred_element_type=jnp.float32)
        cnts[...] += lax.dot_general(oh, jnp.ones((bs, d), jnp.float32), dn,
                                     preferred_element_type=jnp.float32)

        @pl.when(b == nblk - 1)
        def _():
            hg = segs[...] / jnp.maximum(cnts[...], 1.0)
            y = jnp.maximum(
                jnp.dot(hg, p1w_r[...], preferred_element_type=jnp.float32)
                + p1b_r[...], 0.0)
            z = (jnp.dot(y, p2w_r[...], preferred_element_type=jnp.float32)
                 + p2b_r[...])
            mu = jnp.mean(z, axis=1, keepdims=True)
            zc = z - mu
            var = jnp.mean(zc * zc, axis=1, keepdims=True)
            out_r[...] = zc * lax.rsqrt(var + _EPS) * g_r[...] + bt_r[...]

    fixed = lambda b: (0, 0)
    return pl.pallas_call(
        body,
        grid=(nblk,),
        in_specs=[
            pl.BlockSpec((bs, d), lambda b: (b, 0)),
            pl.BlockSpec((bs, 1), lambda b: (b, 0)),
            pl.BlockSpec((d, nhid), fixed),
            pl.BlockSpec((1, nhid), fixed),
            pl.BlockSpec((nhid, d), fixed),
            pl.BlockSpec((1, d), fixed),
            pl.BlockSpec((1, d), fixed),
            pl.BlockSpec((1, d), fixed),
        ],
        out_specs=pl.BlockSpec((_NG, d), fixed),
        out_shape=jax.ShapeDtypeStruct((_NG, d), jnp.float32),
        scratch_shapes=[
            pltpu.VMEM((_NG, d), jnp.float32),
            pltpu.VMEM((_NG, d), jnp.float32),
        ],
    )(h, bf, p1w, p1b.reshape(1, nhid), p2w, p2b.reshape(1, d),
      g.reshape(1, d), bt.reshape(1, d))


def kernel(x, edge_index, batch, w1, b1, w2, b2, bng, bnb,
           p1w, p1b, p2w, p2b, ln2g, ln2b):
    n, d = x.shape
    e = edge_index.shape[1]
    nlayers = w1.shape[0]
    dh = w1.shape[2]
    nhid = p1w.shape[1]
    nw = _NC * _NS

    f0 = 0.84
    cpw0 = max(2, min(124, int(round(e * f0 / (_NS * _K * 2))) * 2))
    e0 = _NS * cpw0 * _K
    cpw1 = max(2, -(-(e - e0) // (_NS * _K * 2)) * 2) if e > e0 else 2
    cpw_max = max(cpw0, cpw1)
    e_pad = e0 + _NS * cpw1 * _K
    n_acc = -(-(n + 1) // (8 * _NS)) * (8 * _NS)

    src_pad = jnp.concatenate(
        [edge_index[0], jnp.zeros((e_pad - e,), jnp.int32)])
    dst_pad = jnp.concatenate(
        [edge_index[1], jnp.full((e_pad - e,), n, jnp.int32)])
    src_sl = jnp.zeros((nw, cpw_max, _K), jnp.int32)
    dst_sl = jnp.full((nw, cpw_max, _K), n, jnp.int32)
    src_sl = src_sl.at[:_NS, :cpw0].set(src_pad[:e0].reshape(_NS, cpw0, _K))
    dst_sl = dst_sl.at[:_NS, :cpw0].set(dst_pad[:e0].reshape(_NS, cpw0, _K))
    src_sl = src_sl.at[_NS:, :cpw1].set(src_pad[e0:].reshape(_NS, cpw1, _K))
    dst_sl = dst_sl.at[_NS:, :cpw1].set(dst_pad[e0:].reshape(_NS, cpw1, _K))
    zeros = jnp.zeros((n_acc // _NS, d), jnp.float32)
    bf = batch.reshape(n, 1)
    bs = 1000 if n % 1000 == 0 else 8 * (n // 8)

    h = x
    for i in range(nlayers):
        p0, p1 = _sc_aggregate(h, src_sl, dst_sl, zeros, n, d, n_acc,
                               cpw0, cpw1, cpw_max)
        h = _mlp_bn(h, p0, p1, w1[i], b1[i], w2[i], b2[i], bng[i], bnb[i],
                    i < nlayers - 1, n, d, dh, bs)
    return _pool(h, bf, p1w, p1b, p2w, p2b, ln2g, ln2b, n, d, nhid, bs)

# --- scband reference (transcript-rebuilt; emitter-appended) ---
"""Pipeline reference for scband-ginencoder-12721693130772 (READ-ONLY COPY).

The authoritative reference and input builder live on the scoring server;
editing this copy changes nothing except your own understanding.
"""

import jax, jax.numpy as jnp
import numpy as np

N = 10000
E = 320000
D = 128
NHID = 256
NOUT = 128
NLAYERS = 3
NG = 64

def setup_inputs(seed: int = 0) -> dict:
    key = jax.random.key(seed)
    ks = jax.random.split(key, 16)
    inp = {}
    inp["x"] = jax.random.normal(ks[0], (N, D), dtype=jnp.float32)
    inp["edge_index"] = jax.random.randint(ks[1], (2, E), 0, N, dtype=jnp.int32)
    inp["batch"] = jnp.sort(jax.random.randint(ks[2], (N,), 0, NG, dtype=jnp.int32))
    inp["w1"] = jax.random.normal(ks[3], (NLAYERS, D, 2 * D), dtype=jnp.float32) * 0.05
    inp["b1"] = jnp.zeros((NLAYERS, 2 * D), dtype=jnp.float32)
    inp["w2"] = jax.random.normal(ks[4], (NLAYERS, 2 * D, D), dtype=jnp.float32) * 0.05
    inp["b2"] = jnp.zeros((NLAYERS, D), dtype=jnp.float32)
    inp["bng"] = jnp.ones((NLAYERS, D), dtype=jnp.float32)
    inp["bnb"] = jnp.zeros((NLAYERS, D), dtype=jnp.float32)
    inp["p1w"] = jax.random.normal(ks[5], (D, NHID), dtype=jnp.float32) * 0.05
    inp["p1b"] = jnp.zeros((NHID,), dtype=jnp.float32)
    inp["p2w"] = jax.random.normal(ks[6], (NHID, NOUT), dtype=jnp.float32) * 0.05
    inp["p2b"] = jnp.zeros((NOUT,), dtype=jnp.float32)
    inp["ln2g"] = jnp.ones((NOUT,), dtype=jnp.float32)
    inp["ln2b"] = jnp.zeros((NOUT,), dtype=jnp.float32)
    return inp

def _forward(x, w1, b1, w2, b2, bng, bnb, p1w, p1b, p2w, p2b, ln2g, ln2b, edge_index, batch):
    src = edge_index[0]
    dst = edge_index[1]
    h = x
    for i in range(NLAYERS):
        # GINConv with train_eps=False, eps=0: h' = MLP((1+eps)*h + sum_{j in N(i)} h_j)
        agg = jnp.zeros_like(h).at[dst].add(h[src])
        z = h + agg
        z = jnp.maximum(z @ w1[i] + b1[i], 0.0) @ w2[i] + b2[i]
        # BatchNorm1d (training-mode batch statistics, biased variance)
        mu = jnp.mean(z, axis=0)
        var = jnp.var(z, axis=0)
        z = (z - mu) / jnp.sqrt(var + 1e-5) * bng[i] + bnb[i]
        # dropout treated as identity (deterministic reference)
        if i < NLAYERS - 1:
            z = jnp.maximum(z, 0.0)
        h = z
    # global_mean_pool over graph ids
    sums = jax.ops.segment_sum(h, batch, num_segments=NG)
    cnt = jax.ops.segment_sum(jnp.ones((N, 1), dtype=h.dtype), batch, num_segments=NG)
    hg = sums / jnp.maximum(cnt, 1.0)
    z = jnp.maximum(hg @ p1w + p1b, 0.0)
    z = z @ p2w + p2b
    mu = jnp.mean(z, axis=-1, keepdims=True)
    var = jnp.var(z, axis=-1, keepdims=True)
    return (z - mu) / jnp.sqrt(var + 1e-5) * ln2g + ln2b

def reference(x, edge_index, batch, w1, b1, w2, b2, bng, bnb, p1w, p1b, p2w, p2b, ln2g, ln2b):
    return _forward(x, w1, b1, w2, b2, bng, bnb, p1w, p1b, p2w, p2b, ln2g, ln2b, edge_index, batch)

if __name__ == "__main__":
    import jax
    _d = setup_inputs()
    print(jax.jit(kernel)(*tuple(_d.values())))

</pallas_src>

<mosaic_0001>
#map = affine_map<(d0, d1) -> (0, 0)>
#map1 = affine_map<(d0, d1) -> (0, 0, 0)>
module attributes {stable_mosaic.version = 14 : i64} {
  func.func @body(%arg0: i32, %arg1: i32, %arg2: memref<10000x128xf32, #tpu.memory_space<hbm>>, %arg3: memref<32x124x128xi32, #tpu.memory_space<hbm>>, %arg4: memref<32x124x128xi32, #tpu.memory_space<hbm>>, %arg5: memref<632x128xf32, #tpu.memory_space<hbm>>, %arg6: memref<10112x128xf32, #tpu.memory_space<hbm>>, %arg7: memref<10112x128xf32, #tpu.memory_space<hbm>>, %arg8: memref<128xi32, #tpu.memory_space<vmem>>, %arg9: memref<128xi32, #tpu.memory_space<vmem>>, %arg10: memref<124x128xi32, #tpu.memory_space<vmem>>, %arg11: memref<2x128x128xf32, #tpu.memory_space<vmem>>, %arg12: memref<10112x128xf32, #tpu.memory_space<vmem_shared>>, %arg13: memref<!tpu.dma_semaphore, #tpu.memory_space<semaphore_mem>>, %arg14: memref<!tpu.dma_semaphore, #tpu.memory_space<semaphore_mem>>, %arg15: memref<!tpu.dma_semaphore, #tpu.memory_space<semaphore_mem>>, %arg16: memref<!tpu.dma_semaphore, #tpu.memory_space<semaphore_mem>>) attributes {dimension_semantics = [#tpu.dimension_semantics<core_parallel>, #tpu.dimension_semantics<subcore_parallel>], iteration_bounds = array<i64: 2, 16>, scalar_prefetch = 0 : i64, scratch_operands = 9 : i64, tpu.core_type = #tpu.core_type<sc_vector_subcore>, window_params = [{transform_indices = #map}, {transform_indices = #map1}, {transform_indices = #map1}, {transform_indices = #map}, {transform_indices = #map}, {transform_indices = #map}]} {
    %mul3A = arith.constant 16 : i32
    %mul3A_0 = arith.muli %arg0, %mul3A : i32
    %add3A = arith.addi %mul3A_0, %arg1 : i32
    %mul3A_1 = arith.constant 632 : i32
    %mul3A_2 = arith.muli %arg1, %mul3A_1 : i32
    %eq3A = arith.constant 0 : i32
    %eq3A_3 = arith.cmpi eq, %arg0, %eq3A : i32
    %jit3A = arith.constant 124 : i32
    %jit3A_4 = arith.constant 34 : i32
    %select_n3A = arith.select %eq3A_3, %jit3A, %jit3A_4 : i32
    "tpu.region"() ({
      %run_scoped3A = tpu.sem_alloc : memref<!tpu.dma_semaphore, #tpu.memory_space<semaphore_mem>>
      %dma_start3A_68 = arith.constant 0 : i32
      %dma_start3A_69 = arith.constant 0 : i32
      %dma_start3A_70 = tpu.memref_slice %arg4[%add3A, %dma_start3A_68, %dma_start3A_69] : memref<32x124x128xi32, #tpu.memory_space<hbm>> -> memref<1x124x128xi32, #tpu.memory_space<hbm>>
      %dma_start3A_71 = tpu.memref_squeeze %dma_start3A_70 : memref<1x124x128xi32, #tpu.memory_space<hbm>> -> memref<124x128xi32, #tpu.memory_space<hbm>>
      %dma_start3A_72 = arith.constant 0 : i32
      %dma_start3A_73 = arith.constant 0 : i32
      %dma_start3A_74 = tpu.memref_slice %arg4[%add3A, %dma_start3A_72, %dma_start3A_73] : memref<32x124x128xi32, #tpu.memory_space<hbm>> -> memref<1x124x128xi32, #tpu.memory_space<hbm>>
      %dma_start3A_75 = tpu.memref_squeeze %dma_start3A_74 : memref<1x124x128xi32, #tpu.memory_space<hbm>> -> memref<124x128xi32, #tpu.memory_space<hbm>>
      tpu.enqueue_dma source(%dma_start3A_75 : memref<124x128xi32, #tpu.memory_space<hbm>>) target(%arg10 : memref<124x128xi32, #tpu.memory_space<vmem>>) target_semaphore(%run_scoped3A : memref<!tpu.dma_semaphore, #tpu.memory_space<semaphore_mem>>)
      %dma_wait3A_76 = arith.constant 0 : i32
      %dma_wait3A_77 = arith.constant 0 : i32
      %dma_wait3A_78 = tpu.memref_slice %arg4[%add3A, %dma_wait3A_76, %dma_wait3A_77] : memref<32x124x128xi32, #tpu.memory_space<hbm>> -> memref<1x124x128xi32, #tpu.memory_space<hbm>>
      %dma_wait3A_79 = tpu.memref_squeeze %dma_wait3A_78 : memref<1x124x128xi32, #tpu.memory_space<hbm>> -> memref<124x128xi32, #tpu.memory_space<hbm>>
      %dma_wait3A_80 = arith.constant 0 : i32
      %dma_wait3A_81 = arith.constant 0 : i32
      %dma_wait3A_82 = tpu.memref_slice %arg4[%add3A, %dma_wait3A_80, %dma_wait3A_81] : memref<32x124x128xi32, #tpu.memory_space<hbm>> -> memref<1x124x128xi32, #tpu.memory_space<hbm>>
      %dma_wait3A_83 = tpu.memref_squeeze %dma_wait3A_82 : memref<1x124x128xi32, #tpu.memory_space<hbm>> -> memref<124x128xi32, #tpu.memory_space<hbm>>
      tpu.wait_dma2 semaphore(%run_scoped3A : memref<!tpu.dma_semaphore, #tpu.memory_space<semaphore_mem>>) src(%dma_wait3A_83 : memref<124x128xi32, #tpu.memory_space<hbm>>) dst(%arg10 : memref<124x128xi32, #tpu.memory_space<vmem>>)
      tpu.yield
    }) : () -> ()
    "tpu.region"() ({
      %run_scoped3A = tpu.sem_alloc : memref<!tpu.dma_semaphore, #tpu.memory_space<semaphore_mem>>
      %dma_start3A_68 = arith.constant 0 : i32
      %dma_start3A_69 = tpu.memref_slice %arg12[%mul3A_2, %dma_start3A_68] : memref<10112x128xf32, #tpu.memory_space<vmem_shared>> -> memref<632x128xf32, #tpu.memory_space<vmem_shared>>
      tpu.enqueue_dma source(%arg5 : memref<632x128xf32, #tpu.memory_space<hbm>>) target(%dma_start3A_69 : memref<632x128xf32, #tpu.memory_space<vmem_shared>>) target_semaphore(%run_scoped3A : memref<!tpu.dma_semaphore, #tpu.memory_space<semaphore_mem>>)
      %dma_wait3A_70 = arith.constant 0 : i32
      %dma_wait3A_71 = tpu.memref_slice %arg12[%mul3A_2, %dma_wait3A_70] : memref<10112x128xf32, #tpu.memory_space<vmem_shared>> -> memref<632x128xf32, #tpu.memory_space<vmem_shared>>
      tpu.wait_dma2 semaphore(%run_scoped3A : memref<!tpu.dma_semaphore, #tpu.memory_space<semaphore_mem>>) src(%arg5 : memref<632x128xf32, #tpu.memory_space<hbm>>) dst(%dma_wait3A_71 : memref<632x128xf32, #tpu.memory_space<vmem_shared>>)
      tpu.yield
    }) : () -> ()
    %dma_start3A = arith.constant 0 : i32
    %dma_start3A_5 = arith.constant 0 : i32
    %dma_start3A_6 = tpu.memref_slice %arg3[%add3A, %dma_start3A, %dma_start3A_5] : memref<32x124x128xi32, #tpu.memory_space<hbm>> -> memref<1x1x128xi32, #tpu.memory_space<hbm>>
    %dma_start3A_7 = tpu.memref_squeeze %dma_start3A_6 : memref<1x1x128xi32, #tpu.memory_space<hbm>> -> memref<128xi32, #tpu.memory_space<hbm>>
    %dma_start3A_8 = arith.constant 0 : i32
    %dma_start3A_9 = tpu.memref_slice %arg3[%add3A, %dma_start3A, %dma_start3A_8] : memref<32x124x128xi32, #tpu.memory_space<hbm>> -> memref<1x1x128xi32, #tpu.memory_space<hbm>>
    %dma_start3A_10 = tpu.memref_squeeze %dma_start3A_9 : memref<1x1x128xi32, #tpu.memory_space<hbm>> -> memref<128xi32, #tpu.memory_space<hbm>>
    tpu.enqueue_dma source(%dma_start3A_10 : memref<128xi32, #tpu.memory_space<hbm>>) target(%arg8 : memref<128xi32, #tpu.memory_space<vmem>>) target_semaphore(%arg15 : memref<!tpu.dma_semaphore, #tpu.memory_space<semaphore_mem>>)
    %dma_start3A_11 = arith.constant 1 : i32
    %dma_start3A_12 = arith.constant 0 : i32
    %dma_start3A_13 = tpu.memref_slice %arg3[%add3A, %dma_start3A_11, %dma_start3A_12] : memref<32x124x128xi32, #tpu.memory_space<hbm>> -> memref<1x1x128xi32, #tpu.memory_space<hbm>>
    %dma_start3A_14 = tpu.memref_squeeze %dma_start3A_13 : memref<1x1x128xi32, #tpu.memory_space<hbm>> -> memref<128xi32, #tpu.memory_space<hbm>>
    %dma_start3A_15 = arith.constant 0 : i32
    %dma_start3A_16 = tpu.memref_slice %arg3[%add3A, %dma_start3A_11, %dma_start3A_15] : memref<32x124x128xi32, #tpu.memory_space<hbm>> -> memref<1x1x128xi32, #tpu.memory_space<hbm>>
    %dma_start3A_17 = tpu.memref_squeeze %dma_start3A_16 : memref<1x1x128xi32, #tpu.memory_space<hbm>> -> memref<128xi32, #tpu.memory_space<hbm>>
    tpu.enqueue_dma source(%dma_start3A_17 : memref<128xi32, #tpu.memory_space<hbm>>) target(%arg9 : memref<128xi32, #tpu.memory_space<vmem>>) target_semaphore(%arg16 : memref<!tpu.dma_semaphore, #tpu.memory_space<semaphore_mem>>)
    %dma_wait3A = arith.constant 0 : i32
    %dma_wait3A_18 = arith.constant 0 : i32
    %dma_wait3A_19 = tpu.memref_slice %arg3[%add3A, %dma_wait3A, %dma_wait3A_18] : memref<32x124x128xi32, #tpu.memory_space<hbm>> -> memref<1x1x128xi32, #tpu.memory_space<hbm>>
    %dma_wait3A_20 = tpu.memref_squeeze %dma_wait3A_19 : memref<1x1x128xi32, #tpu.memory_space<hbm>> -> memref<128xi32, #tpu.memory_space<hbm>>
    %dma_wait3A_21 = arith.constant 0 : i32
    %dma_wait3A_22 = tpu.memref_slice %arg3[%add3A, %dma_wait3A, %dma_wait3A_21] : memref<32x124x128xi32, #tpu.memory_space<hbm>> -> memref<1x1x128xi32, #tpu.memory_space<hbm>>
    %dma_wait3A_23 = tpu.memref_squeeze %dma_wait3A_22 : memref<1x1x128xi32, #tpu.memory_space<hbm>> -> memref<128xi32, #tpu.memory_space<hbm>>
    tpu.wait_dma2 semaphore(%arg15 : memref<!tpu.dma_semaphore, #tpu.memory_space<semaphore_mem>>) src(%dma_wait3A_23 : memref<128xi32, #tpu.memory_space<hbm>>) dst(%arg8 : memref<128xi32, #tpu.memory_space<vmem>>)
    %dma_start3A_24 = arith.constant 0 : i32
    %dma_start3A_25 = arith.constant 0 : i32
    %dma_start3A_26 = arith.constant 0 : i32
    %dma_start3A_27 = tpu.memref_slice %arg11[%dma_start3A_24, %dma_start3A_25, %dma_start3A_26] : memref<2x128x128xf32, #tpu.memory_space<vmem>> -> memref<1x128x128xf32, #tpu.memory_space<vmem>>
    %dma_start3A_28 = tpu.memref_squeeze %dma_start3A_27 : memref<1x128x128xf32, #tpu.memory_space<vmem>> -> memref<128x128xf32, #tpu.memory_space<vmem>>
    %dma_start3A_29 = arith.constant 0 : i32
    %dma_start3A_30 = arith.constant 0 : i32
    %dma_start3A_31 = tpu.memref_slice %arg2[%dma_start3A_29, %dma_start3A_30] : memref<10000x128xf32, #tpu.memory_space<hbm>> -> memref<10000x128xf32, #tpu.memory_space<hbm>>
    tpu.enqueue_indirect_dma source(%dma_start3A_31 : memref<10000x128xf32, #tpu.memory_space<hbm>>) target(%dma_start3A_28 : memref<128x128xf32, #tpu.memory_space<vmem>>) offsets(%arg8 : memref<128xi32, #tpu.memory_space<vmem>>) semaphore(%arg13 : memref<!tpu.dma_semaphore, #tpu.memory_space<semaphore_mem>>)
    %barrier3A = arith.constant 0 : index
    tpu.barrier barrier_id(%barrier3A)
    %jit3A_32 = arith.constant 2 : i32
    %div3A = arith.divsi %select_n3A, %jit3A_32 : i32
    %sign3A = arith.constant 0 : i32
    %sign3A_33 = arith.cmpi sgt, %select_n3A, %sign3A : i32
    %sign3A_34 = arith.extui %sign3A_33 : i1 to i32
    %sign3A_35 = arith.constant 0 : i32
    %sign3A_36 = arith.cmpi slt, %select_n3A, %sign3A_35 : i32
    %sign3A_37 = arith.extui %sign3A_36 : i1 to i32
    %sign3A_38 = arith.subi %sign3A_34, %sign3A_37 : i32
    %sign3A_39 = arith.constant 0 : i32
    %sign3A_40 = arith.cmpi sgt, %jit3A_32, %sign3A_39 : i32
    %sign3A_41 = arith.extui %sign3A_40 : i1 to i32
    %sign3A_42 = arith.constant 0 : i32
    %sign3A_43 = arith.cmpi slt, %jit3A_32, %sign3A_42 : i32
    %sign3A_44 = arith.extui %sign3A_43 : i1 to i32
    %sign3A_45 = arith.subi %sign3A_41, %sign3A_44 : i32
    %ne3A = arith.cmpi ne, %sign3A_38, %sign3A_45 : i32
    %rem3A = arith.remsi %select_n3A, %jit3A_32 : i32
    %ne3A_46 = arith.constant 0 : i32
    %ne3A_47 = arith.cmpi ne, %rem3A, %ne3A_46 : i32
    %and3A = arith.andi %ne3A, %ne3A_47 : i1
    %sub3A = arith.constant 1 : i32
    %sub3A_48 = arith.subi %div3A, %sub3A : i32
    %select_n3A_49 = arith.select %and3A, %sub3A_48, %div3A : i32
    %while3A = arith.constant 0 : i32
    %while3A_50 = arith.constant 0 : i32
    %while3A_51 = arith.subi %select_n3A_49, %while3A_50 : i32
    %while3A_52 = arith.addi %while3A_50, %while3A_51 : i32
    %while3A_53 = arith.constant 1 : i32
    %while3A_54 = arith.divsi %while3A_51, %while3A_53 : i32
    %while3A_55 = arith.muli %while3A_54, %while3A_53 : i32
    %while3A_56 = arith.addi %while3A_50, %while3A_55 : i32
    %while3A_57 = arith.constant 1 : i32
    scf.for %while3A_68 = %while3A_50 to %while3A_56 step %while3A_57  : i32 {
      %mul3A_69 = arith.constant 2 : i32
      %mul3A_70 = arith.muli %mul3A_69, %while3A_68 : i32
      %dma_wait3A_71 = arith.constant 0 : i32
      %dma_wait3A_72 = arith.constant 0 : i32
      %dma_wait3A_73 = tpu.memref_slice %arg3[%add3A, %dma_wait3A_71, %dma_wait3A_72] : memref<32x124x128xi32, #tpu.memory_space<hbm>> -> memref<1x1x128xi32, #tpu.memory_space<hbm>>
      %dma_wait3A_74 = tpu.memref_squeeze %dma_wait3A_73 : memref<1x1x128xi32, #tpu.memory_space<hbm>> -> memref<128xi32, #tpu.memory_space<hbm>>
      %dma_wait3A_75 = arith.constant 0 : i32
      %dma_wait3A_76 = tpu.memref_slice %arg3[%add3A, %dma_wait3A_71, %dma_wait3A_75] : memref<32x124x128xi32, #tpu.memory_space<hbm>> -> memref<1x1x128xi32, #tpu.memory_space<hbm>>
      %dma_wait3A_77 = tpu.memref_squeeze %dma_wait3A_76 : memref<1x1x128xi32, #tpu.memory_space<hbm>> -> memref<128xi32, #tpu.memory_space<hbm>>
      tpu.wait_dma2 semaphore(%arg16 : memref<!tpu.dma_semaphore, #tpu.memory_space<semaphore_mem>>) src(%dma_wait3A_77 : memref<128xi32, #tpu.memory_space<hbm>>) dst(%arg9 : memref<128xi32, #tpu.memory_space<vmem>>)
      %dma_start3A_78 = arith.constant 1 : i32
      %dma_start3A_79 = arith.constant 0 : i32
      %dma_start3A_80 = arith.constant 0 : i32
      %dma_start3A_81 = tpu.memref_slice %arg11[%dma_start3A_78, %dma_start3A_79, %dma_start3A_80] : memref<2x128x128xf32, #tpu.memory_space<vmem>> -> memref<1x128x128xf32, #tpu.memory_space<vmem>>
      %dma_start3A_82 = tpu.memref_squeeze %dma_start3A_81 : memref<1x128x128xf32, #tpu.memory_space<vmem>> -> memref<128x128xf32, #tpu.memory_space<vmem>>
      %dma_start3A_83 = arith.constant 0 : i32
      %dma_start3A_84 = arith.constant 0 : i32
      %dma_start3A_85 = tpu.memref_slice %arg2[%dma_start3A_83, %dma_start3A_84] : memref<10000x128xf32, #tpu.memory_space<hbm>> -> memref<10000x128xf32, #tpu.memory_space<hbm>>
      tpu.enqueue_indirect_dma source(%dma_start3A_85 : memref<10000x128xf32, #tpu.memory_space<hbm>>) target(%dma_start3A_82 : memref<128x128xf32, #tpu.memory_space<vmem>>) offsets(%arg9 : memref<128xi32, #tpu.memory_space<vmem>>) semaphore(%arg14 : memref<!tpu.dma_semaphore, #tpu.memory_space<semaphore_mem>>)
      %dma_wait3A_86 = arith.constant 0 : i32
      %dma_wait3A_87 = arith.constant 0 : i32
      %dma_wait3A_88 = arith.constant 0 : i32
      %dma_wait3A_89 = tpu.memref_slice %arg11[%dma_wait3A_86, %dma_wait3A_87, %dma_wait3A_88] : memref<2x128x128xf32, #tpu.memory_space<vmem>> -> memref<1x128x128xf32, #tpu.memory_space<vmem>>
      %dma_wait3A_90 = tpu.memref_squeeze %dma_wait3A_89 : memref<1x128x128xf32, #tpu.memory_space<vmem>> -> memref<128x128xf32, #tpu.memory_space<vmem>>
      %dma_wait3A_91 = arith.constant 0 : i32
      %dma_wait3A_92 = arith.constant 0 : i32
      %dma_wait3A_93 = tpu.memref_slice %arg2[%dma_wait3A_91, %dma_wait3A_92] : memref<10000x128xf32, #tpu.memory_space<hbm>> -> memref<10000x128xf32, #tpu.memory_space<hbm>>
      tpu.wait_indirect_dma semaphore(%arg13 : memref<!tpu.dma_semaphore, #tpu.memory_space<semaphore_mem>>) src(%dma_wait3A_93 : memref<10000x128xf32, #tpu.memory_space<hbm>>) dst(%dma_wait3A_90 : memref<128x128xf32, #tpu.memory_space<vmem>>)
      %add3A_94 = arith.constant 2 : i32
      %add3A_95 = arith.addi %mul3A_70, %add3A_94 : i32
      %lt3A = arith.cmpi slt, %add3A_95, %select_n3A : i32
      %convert_element_type3A_96 = arith.extui %lt3A : i1 to i32
      %cond3A_97 = arith.constant 0 : i32
      %cond3A_98 = arith.cmpi ne, %convert_element_type3A_96, %cond3A_97 : i32
      scf.if %cond3A_98 {
        %add3A_122 = arith.constant 2 : i32
        %add3A_123 = arith.addi %mul3A_70, %add3A_122 : i32
        %dma_start3A_124 = arith.constant 0 : i32
        %dma_start3A_125 = tpu.memref_slice %arg3[%add3A, %add3A_123, %dma_start3A_124] : memref<32x124x128xi32, #tpu.memory_space<hbm>> -> memref<1x1x128xi32, #tpu.memory_space<hbm>>
        %dma_start3A_126 = tpu.memref_squeeze %dma_start3A_125 : memref<1x1x128xi32, #tpu.memory_space<hbm>> -> memref<128xi32, #tpu.memory_space<hbm>>
        %dma_start3A_127 = arith.constant 0 : i32
        %dma_start3A_128 = tpu.memref_slice %arg3[%add3A, %add3A_123, %dma_start3A_127] : memref<32x124x128xi32, #tpu.memory_space<hbm>> -> memref<1x1x128xi32, #tpu.memory_space<hbm>>
        %dma_start3A_129 = tpu.memref_squeeze %dma_start3A_128 : memref<1x1x128xi32, #tpu.memory_space<hbm>> -> memref<128xi32, #tpu.memory_space<hbm>>
        tpu.enqueue_dma source(%dma_start3A_129 : memref<128xi32, #tpu.memory_space<hbm>>) target(%arg8 : memref<128xi32, #tpu.memory_space<vmem>>) target_semaphore(%arg15 : memref<!tpu.dma_semaphore, #tpu.memory_space<semaphore_mem>>)
      } else {
      }
      %run_scoped3A = arith.constant 0 : i32
      "tpu.region"() ({
        %run_scoped3A_122 = tpu.sem_alloc : memref<!tpu.dma_semaphore, #tpu.memory_space<semaphore_mem>>
        %dma_start3A_123 = arith.constant 0 : i32
        %dma_start3A_124 = arith.constant 0 : i32
        %dma_start3A_125 = tpu.memref_slice %arg11[%run_scoped3A, %dma_start3A_123, %dma_start3A_124] : memref<2x128x128xf32, #tpu.memory_space<vmem>> -> memref<1x128x128xf32, #tpu.memory_space<vmem>>
        %dma_start3A_126 = tpu.memref_squeeze %dma_start3A_125 : memref<1x128x128xf32, #tpu.memory_space<vmem>> -> memref<128x128xf32, #tpu.memory_space<vmem>>
        %dma_start3A_127 = arith.constant 0 : i32
        %dma_start3A_128 = tpu.memref_slice %arg10[%mul3A_70, %dma_start3A_127] : memref<124x128xi32, #tpu.memory_space<vmem>> -> memref<1x128xi32, #tpu.memory_space<vmem>>
        %dma_start3A_129 = tpu.memref_squeeze %dma_start3A_128 : memref<1x128xi32, #tpu.memory_space<vmem>> -> memref<128xi32, #tpu.memory_space<vmem>>
        %dma_start3A_130 = arith.constant 0 : i32
        %dma_start3A_131 = arith.constant 0 : i32
        %dma_start3A_132 = tpu.memref_slice %arg12[%dma_start3A_130, %dma_start3A_131] : memref<10112x128xf32, #tpu.memory_space<vmem_shared>> -> memref<10112x128xf32, #tpu.memory_space<vmem_shared>>
        tpu.enqueue_indirect_dma source(%dma_start3A_126 : memref<128x128xf32, #tpu.memory_space<vmem>>) target(%dma_start3A_132 : memref<10112x128xf32, #tpu.memory_space<vmem_shared>>) offsets(%dma_start3A_129 : memref<128xi32, #tpu.memory_space<vmem>>) semaphore(%run_scoped3A_122 : memref<!tpu.dma_semaphore, #tpu.memory_space<semaphore_mem>>) {add = true}
        %dma_wait3A_133 = arith.constant 0 : i32
        %dma_wait3A_134 = arith.constant 0 : i32
        %dma_wait3A_135 = tpu.memref_slice %arg11[%run_scoped3A, %dma_wait3A_133, %dma_wait3A_134] : memref<2x128x128xf32, #tpu.memory_space<vmem>> -> memref<1x128x128xf32, #tpu.memory_space<vmem>>
        %dma_wait3A_136 = tpu.memref_squeeze %dma_wait3A_135 : memref<1x128x128xf32, #tpu.memory_space<vmem>> -> memref<128x128xf32, #tpu.memory_space<vmem>>
        %dma_wait3A_137 = arith.constant 0 : i32
        %dma_wait3A_138 = tpu.memref_slice %arg10[%mul3A_70, %dma_wait3A_137] : memref<124x128xi32, #tpu.memory_space<vmem>> -> memref<1x128xi32, #tpu.memory_space<vmem>>
        %dma_wait3A_139 = tpu.memref_squeeze %dma_wait3A_138 : memref<1x128xi32, #tpu.memory_space<vmem>> -> memref<128xi32, #tpu.memory_space<vmem>>
        %dma_wait3A_140 = arith.constant 0 : i32
        %dma_wait3A_141 = arith.constant 0 : i32
        %dma_wait3A_142 = tpu.memref_slice %arg12[%dma_wait3A_140, %dma_wait3A_141] : memref<10112x128xf32, #tpu.memory_space<vmem_shared>> -> memref<10112x128xf32, #tpu.memory_space<vmem_shared>>
        tpu.wait_indirect_dma semaphore(%run_scoped3A_122 : memref<!tpu.dma_semaphore, #tpu.memory_space<semaphore_mem>>) src(%dma_wait3A_136 : memref<128x128xf32, #tpu.memory_space<vmem>>) dst(%dma_wait3A_142 : memref<10112x128xf32, #tpu.memory_space<vmem_shared>>)
        tpu.yield
      }) : () -> ()
      %add3A_99 = arith.constant 2 : i32
      %add3A_100 = arith.addi %mul3A_70, %add3A_99 : i32
      %lt3A_101 = arith.cmpi slt, %add3A_100, %select_n3A : i32
      %convert_element_type3A_102 = arith.extui %lt3A_101 : i1 to i32
      %cond3A_103 = arith.constant 0 : i32
      %cond3A_104 = arith.cmpi ne, %convert_element_type3A_102, %cond3A_103 : i32
      scf.if %cond3A_104 {
        %dma_wait3A_122 = arith.constant 0 : i32
        %dma_wait3A_123 = arith.constant 0 : i32
        %dma_wait3A_124 = tpu.memref_slice %arg3[%add3A, %dma_wait3A_122, %dma_wait3A_123] : memref<32x124x128xi32, #tpu.memory_space<hbm>> -> memref<1x1x128xi32, #tpu.memory_space<hbm>>
        %dma_wait3A_125 = tpu.memref_squeeze %dma_wait3A_124 : memref<1x1x128xi32, #tpu.memory_space<hbm>> -> memref<128xi32, #tpu.memory_space<hbm>>
        %dma_wait3A_126 = arith.constant 0 : i32
        %dma_wait3A_127 = tpu.memref_slice %arg3[%add3A, %dma_wait3A_122, %dma_wait3A_126] : memref<32x124x128xi32, #tpu.memory_space<hbm>> -> memref<1x1x128xi32, #tpu.memory_space<hbm>>
        %dma_wait3A_128 = tpu.memref_squeeze %dma_wait3A_127 : memref<1x1x128xi32, #tpu.memory_space<hbm>> -> memref<128xi32, #tpu.memory_space<hbm>>
        tpu.wait_dma2 semaphore(%arg15 : memref<!tpu.dma_semaphore, #tpu.memory_space<semaphore_mem>>) src(%dma_wait3A_128 : memref<128xi32, #tpu.memory_space<hbm>>) dst(%arg8 : memref<128xi32, #tpu.memory_space<vmem>>)
        %dma_start3A_129 = arith.constant 0 : i32
        %dma_start3A_130 = arith.constant 0 : i32
        %dma_start3A_131 = arith.constant 0 : i32
        %dma_start3A_132 = tpu.memref_slice %arg11[%dma_start3A_129, %dma_start3A_130, %dma_start3A_131] : memref<2x128x128xf32, #tpu.memory_space<vmem>> -> memref<1x128x128xf32, #tpu.memory_space<vmem>>
        %dma_start3A_133 = tpu.memref_squeeze %dma_start3A_132 : memref<1x128x128xf32, #tpu.memory_space<vmem>> -> memref<128x128xf32, #tpu.memory_space<vmem>>
        %dma_start3A_134 = arith.constant 0 : i32
        %dma_start3A_135 = arith.constant 0 : i32
        %dma_start3A_136 = tpu.memref_slice %arg2[%dma_start3A_134, %dma_start3A_135] : memref<10000x128xf32, #tpu.memory_space<hbm>> -> memref<10000x128xf32, #tpu.memory_space<hbm>>
        tpu.enqueue_indirect_dma source(%dma_start3A_136 : memref<10000x128xf32, #tpu.memory_space<hbm>>) target(%dma_start3A_133 : memref<128x128xf32, #tpu.memory_space<vmem>>) offsets(%arg8 : memref<128xi32, #tpu.memory_space<vmem>>) semaphore(%arg13 : memref<!tpu.dma_semaphore, #tpu.memory_space<semaphore_mem>>)
      } else {
      }
      %dma_wait3A_105 = arith.constant 1 : i32
      %dma_wait3A_106 = arith.constant 0 : i32
      %dma_wait3A_107 = arith.constant 0 : i32
      %dma_wait3A_108 = tpu.memref_slice %arg11[%dma_wait3A_105, %dma_wait3A_106, %dma_wait3A_107] : memref<2x128x128xf32, #tpu.memory_space<vmem>> -> memref<1x128x128xf32, #tpu.memory_space<vmem>>
      %dma_wait3A_109 = tpu.memref_squeeze %dma_wait3A_108 : memref<1x128x128xf32, #tpu.memory_space<vmem>> -> memref<128x128xf32, #tpu.memory_space<vmem>>
      %dma_wait3A_110 = arith.constant 0 : i32
      %dma_wait3A_111 = arith.constant 0 : i32
      %dma_wait3A_112 = tpu.memref_slice %arg2[%dma_wait3A_110, %dma_wait3A_111] : memref<10000x128xf32, #tpu.memory_space<hbm>> -> memref<10000x128xf32, #tpu.memory_space<hbm>>
      tpu.wait_indirect_dma semaphore(%arg14 : memref<!tpu.dma_semaphore, #tpu.memory_space<semaphore_mem>>) src(%dma_wait3A_112 : memref<10000x128xf32, #tpu.memory_space<hbm>>) dst(%dma_wait3A_109 : memref<128x128xf32, #tpu.memory_space<vmem>>)
      %add3A_113 = arith.constant 3 : i32
      %add3A_114 = arith.addi %mul3A_70, %add3A_113 : i32
      %lt3A_115 = arith.cmpi slt, %add3A_114, %select_n3A : i32
      %convert_element_type3A_116 = arith.extui %lt3A_115 : i1 to i32
      %cond3A_117 = arith.constant 0 : i32
      %cond3A_118 = arith.cmpi ne, %convert_element_type3A_116, %cond3A_117 : i32
      scf.if %cond3A_118 {
        %add3A_122 = arith.constant 3 : i32
        %add3A_123 = arith.addi %mul3A_70, %add3A_122 : i32
        %dma_start3A_124 = arith.constant 0 : i32
        %dma_start3A_125 = tpu.memref_slice %arg3[%add3A, %add3A_123, %dma_start3A_124] : memref<32x124x128xi32, #tpu.memory_space<hbm>> -> memref<1x1x128xi32, #tpu.memory_space<hbm>>
        %dma_start3A_126 = tpu.memref_squeeze %dma_start3A_125 : memref<1x1x128xi32, #tpu.memory_space<hbm>> -> memref<128xi32, #tpu.memory_space<hbm>>
        %dma_start3A_127 = arith.constant 0 : i32
        %dma_start3A_128 = tpu.memref_slice %arg3[%add3A, %add3A_123, %dma_start3A_127] : memref<32x124x128xi32, #tpu.memory_space<hbm>> -> memref<1x1x128xi32, #tpu.memory_space<hbm>>
        %dma_start3A_129 = tpu.memref_squeeze %dma_start3A_128 : memref<1x1x128xi32, #tpu.memory_space<hbm>> -> memref<128xi32, #tpu.memory_space<hbm>>
        tpu.enqueue_dma source(%dma_start3A_129 : memref<128xi32, #tpu.memory_space<hbm>>) target(%arg9 : memref<128xi32, #tpu.memory_space<vmem>>) target_semaphore(%arg16 : memref<!tpu.dma_semaphore, #tpu.memory_space<semaphore_mem>>)
      } else {
      }
      %add3A_119 = arith.constant 1 : i32
      %add3A_120 = arith.addi %mul3A_70, %add3A_119 : i32
      %run_scoped3A_121 = arith.constant 1 : i32
      "tpu.region"() ({
        %run_scoped3A_122 = tpu.sem_alloc : memref<!tpu.dma_semaphore, #tpu.memory_space<semaphore_mem>>
        %dma_start3A_123 = arith.constant 0 : i32
        %dma_start3A_124 = arith.constant 0 : i32
        %dma_start3A_125 = tpu.memref_slice %arg11[%run_scoped3A_121, %dma_start3A_123, %dma_start3A_124] : memref<2x128x128xf32, #tpu.memory_space<vmem>> -> memref<1x128x128xf32, #tpu.memory_space<vmem>>
        %dma_start3A_126 = tpu.memref_squeeze %dma_start3A_125 : memref<1x128x128xf32, #tpu.memory_space<vmem>> -> memref<128x128xf32, #tpu.memory_space<vmem>>
        %dma_start3A_127 = arith.constant 0 : i32
        %dma_start3A_128 = tpu.memref_slice %arg10[%add3A_120, %dma_start3A_127] : memref<124x128xi32, #tpu.memory_space<vmem>> -> memref<1x128xi32, #tpu.memory_space<vmem>>
        %dma_start3A_129 = tpu.memref_squeeze %dma_start3A_128 : memref<1x128xi32, #tpu.memory_space<vmem>> -> memref<128xi32, #tpu.memory_space<vmem>>
        %dma_start3A_130 = arith.constant 0 : i32
        %dma_start3A_131 = arith.constant 0 : i32
        %dma_start3A_132 = tpu.memref_slice %arg12[%dma_start3A_130, %dma_start3A_131] : memref<10112x128xf32, #tpu.memory_space<vmem_shared>> -> memref<10112x128xf32, #tpu.memory_space<vmem_shared>>
        tpu.enqueue_indirect_dma source(%dma_start3A_126 : memref<128x128xf32, #tpu.memory_space<vmem>>) target(%dma_start3A_132 : memref<10112x128xf32, #tpu.memory_space<vmem_shared>>) offsets(%dma_start3A_129 : memref<128xi32, #tpu.memory_space<vmem>>) semaphore(%run_scoped3A_122 : memref<!tpu.dma_semaphore, #tpu.memory_space<semaphore_mem>>) {add = true}
        %dma_wait3A_133 = arith.constant 0 : i32
        %dma_wait3A_134 = arith.constant 0 : i32
        %dma_wait3A_135 = tpu.memref_slice %arg11[%run_scoped3A_121, %dma_wait3A_133, %dma_wait3A_134] : memref<2x128x128xf32, #tpu.memory_space<vmem>> -> memref<1x128x128xf32, #tpu.memory_space<vmem>>
        %dma_wait3A_136 = tpu.memref_squeeze %dma_wait3A_135 : memref<1x128x128xf32, #tpu.memory_space<vmem>> -> memref<128x128xf32, #tpu.memory_space<vmem>>
        %dma_wait3A_137 = arith.constant 0 : i32
        %dma_wait3A_138 = tpu.memref_slice %arg10[%add3A_120, %dma_wait3A_137] : memref<124x128xi32, #tpu.memory_space<vmem>> -> memref<1x128xi32, #tpu.memory_space<vmem>>
        %dma_wait3A_139 = tpu.memref_squeeze %dma_wait3A_138 : memref<1x128xi32, #tpu.memory_space<vmem>> -> memref<128xi32, #tpu.memory_space<vmem>>
        %dma_wait3A_140 = arith.constant 0 : i32
        %dma_wait3A_141 = arith.constant 0 : i32
        %dma_wait3A_142 = tpu.memref_slice %arg12[%dma_wait3A_140, %dma_wait3A_141] : memref<10112x128xf32, #tpu.memory_space<vmem_shared>> -> memref<10112x128xf32, #tpu.memory_space<vmem_shared>>
        tpu.wait_indirect_dma semaphore(%run_scoped3A_122 : memref<!tpu.dma_semaphore, #tpu.memory_space<semaphore_mem>>) src(%dma_wait3A_136 : memref<128x128xf32, #tpu.memory_space<vmem>>) dst(%dma_wait3A_142 : memref<10112x128xf32, #tpu.memory_space<vmem_shared>>)
        tpu.yield
      }) : () -> ()
    }
    %while3A_58 = arith.constant 1 : i32
    scf.for %while3A_68 = %while3A_56 to %while3A_52 step %while3A_58  : i32 {
      %mul3A_69 = arith.constant 2 : i32
      %mul3A_70 = arith.muli %mul3A_69, %while3A_68 : i32
      %dma_wait3A_71 = arith.constant 0 : i32
      %dma_wait3A_72 = arith.constant 0 : i32
      %dma_wait3A_73 = tpu.memref_slice %arg3[%add3A, %dma_wait3A_71, %dma_wait3A_72] : memref<32x124x128xi32, #tpu.memory_space<hbm>> -> memref<1x1x128xi32, #tpu.memory_space<hbm>>
      %dma_wait3A_74 = tpu.memref_squeeze %dma_wait3A_73 : memref<1x1x128xi32, #tpu.memory_space<hbm>> -> memref<128xi32, #tpu.memory_space<hbm>>
      %dma_wait3A_75 = arith.constant 0 : i32
      %dma_wait3A_76 = tpu.memref_slice %arg3[%add3A, %dma_wait3A_71, %dma_wait3A_75] : memref<32x124x128xi32, #tpu.memory_space<hbm>> -> memref<1x1x128xi32, #tpu.memory_space<hbm>>
      %dma_wait3A_77 = tpu.memref_squeeze %dma_wait3A_76 : memref<1x1x128xi32, #tpu.memory_space<hbm>> -> memref<128xi32, #tpu.memory_space<hbm>>
      tpu.wait_dma2 semaphore(%arg16 : memref<!tpu.dma_semaphore, #tpu.memory_space<semaphore_mem>>) src(%dma_wait3A_77 : memref<128xi32, #tpu.memory_space<hbm>>) dst(%arg9 : memref<128xi32, #tpu.memory_space<vmem>>)
      %dma_start3A_78 = arith.constant 1 : i32
      %dma_start3A_79 = arith.constant 0 : i32
      %dma_start3A_80 = arith.constant 0 : i32
      %dma_start3A_81 = tpu.memref_slice %arg11[%dma_start3A_78, %dma_start3A_79, %dma_start3A_80] : memref<2x128x128xf32, #tpu.memory_space<vmem>> -> memref<1x128x128xf32, #tpu.memory_space<vmem>>
      %dma_start3A_82 = tpu.memref_squeeze %dma_start3A_81 : memref<1x128x128xf32, #tpu.memory_space<vmem>> -> memref<128x128xf32, #tpu.memory_space<vmem>>
      %dma_start3A_83 = arith.constant 0 : i32
      %dma_start3A_84 = arith.constant 0 : i32
      %dma_start3A_85 = tpu.memref_slice %arg2[%dma_start3A_83, %dma_start3A_84] : memref<10000x128xf32, #tpu.memory_space<hbm>> -> memref<10000x128xf32, #tpu.memory_space<hbm>>
      tpu.enqueue_indirect_dma source(%dma_start3A_85 : memref<10000x128xf32, #tpu.memory_space<hbm>>) target(%dma_start3A_82 : memref<128x128xf32, #tpu.memory_space<vmem>>) offsets(%arg9 : memref<128xi32, #tpu.memory_space<vmem>>) semaphore(%arg14 : memref<!tpu.dma_semaphore, #tpu.memory_space<semaphore_mem>>)
      %dma_wait3A_86 = arith.constant 0 : i32
      %dma_wait3A_87 = arith.constant 0 : i32
      %dma_wait3A_88 = arith.constant 0 : i32
      %dma_wait3A_89 = tpu.memref_slice %arg11[%dma_wait3A_86, %dma_wait3A_87, %dma_wait3A_88] : memref<2x128x128xf32, #tpu.memory_space<vmem>> -> memref<1x128x128xf32, #tpu.memory_space<vmem>>
      %dma_wait3A_90 = tpu.memref_squeeze %dma_wait3A_89 : memref<1x128x128xf32, #tpu.memory_space<vmem>> -> memref<128x128xf32, #tpu.memory_space<vmem>>
      %dma_wait3A_91 = arith.constant 0 : i32
      %dma_wait3A_92 = arith.constant 0 : i32
      %dma_wait3A_93 = tpu.memref_slice %arg2[%dma_wait3A_91, %dma_wait3A_92] : memref<10000x128xf32, #tpu.memory_space<hbm>> -> memref<10000x128xf32, #tpu.memory_space<hbm>>
      tpu.wait_indirect_dma semaphore(%arg13 : memref<!tpu.dma_semaphore, #tpu.memory_space<semaphore_mem>>) src(%dma_wait3A_93 : memref<10000x128xf32, #tpu.memory_space<hbm>>) dst(%dma_wait3A_90 : memref<128x128xf32, #tpu.memory_space<vmem>>)
      %add3A_94 = arith.constant 2 : i32
      %add3A_95 = arith.addi %mul3A_70, %add3A_94 : i32
      %lt3A = arith.cmpi slt, %add3A_95, %select_n3A : i32
      %convert_element_type3A_96 = arith.extui %lt3A : i1 to i32
      %cond3A_97 = arith.constant 0 : i32
      %cond3A_98 = arith.cmpi ne, %convert_element_type3A_96, %cond3A_97 : i32
      scf.if %cond3A_98 {
        %add3A_122 = arith.constant 2 : i32
        %add3A_123 = arith.addi %mul3A_70, %add3A_122 : i32
        %dma_start3A_124 = arith.constant 0 : i32
        %dma_start3A_125 = tpu.memref_slice %arg3[%add3A, %add3A_123, %dma_start3A_124] : memref<32x124x128xi32, #tpu.memory_space<hbm>> -> memref<1x1x128xi32, #tpu.memory_space<hbm>>
        %dma_start3A_126 = tpu.memref_squeeze %dma_start3A_125 : memref<1x1x128xi32, #tpu.memory_space<hbm>> -> memref<128xi32, #tpu.memory_space<hbm>>
        %dma_start3A_127 = arith.constant 0 : i32
        %dma_start3A_128 = tpu.memref_slice %arg3[%add3A, %add3A_123, %dma_start3A_127] : memref<32x124x128xi32, #tpu.memory_space<hbm>> -> memref<1x1x128xi32, #tpu.memory_space<hbm>>
        %dma_start3A_129 = tpu.memref_squeeze %dma_start3A_128 : memref<1x1x128xi32, #tpu.memory_space<hbm>> -> memref<128xi32, #tpu.memory_space<hbm>>
        tpu.enqueue_dma source(%dma_start3A_129 : memref<128xi32, #tpu.memory_space<hbm>>) target(%arg8 : memref<128xi32, #tpu.memory_space<vmem>>) target_semaphore(%arg15 : memref<!tpu.dma_semaphore, #tpu.memory_space<semaphore_mem>>)
      } else {
      }
      %run_scoped3A = arith.constant 0 : i32
      "tpu.region"() ({
        %run_scoped3A_122 = tpu.sem_alloc : memref<!tpu.dma_semaphore, #tpu.memory_space<semaphore_mem>>
        %dma_start3A_123 = arith.constant 0 : i32
        %dma_start3A_124 = arith.constant 0 : i32
        %dma_start3A_125 = tpu.memref_slice %arg11[%run_scoped3A, %dma_start3A_123, %dma_start3A_124] : memref<2x128x128xf32, #tpu.memory_space<vmem>> -> memref<1x128x128xf32, #tpu.memory_space<vmem>>
        %dma_start3A_126 = tpu.memref_squeeze %dma_start3A_125 : memref<1x128x128xf32, #tpu.memory_space<vmem>> -> memref<128x128xf32, #tpu.memory_space<vmem>>
        %dma_start3A_127 = arith.constant 0 : i32
        %dma_start3A_128 = tpu.memref_slice %arg10[%mul3A_70, %dma_start3A_127] : memref<124x128xi32, #tpu.memory_space<vmem>> -> memref<1x128xi32, #tpu.memory_space<vmem>>
        %dma_start3A_129 = tpu.memref_squeeze %dma_start3A_128 : memref<1x128xi32, #tpu.memory_space<vmem>> -> memref<128xi32, #tpu.memory_space<vmem>>
        %dma_start3A_130 = arith.constant 0 : i32
        %dma_start3A_131 = arith.constant 0 : i32
        %dma_start3A_132 = tpu.memref_slice %arg12[%dma_start3A_130, %dma_start3A_131] : memref<10112x128xf32, #tpu.memory_space<vmem_shared>> -> memref<10112x128xf32, #tpu.memory_space<vmem_shared>>
        tpu.enqueue_indirect_dma source(%dma_start3A_126 : memref<128x128xf32, #tpu.memory_space<vmem>>) target(%dma_start3A_132 : memref<10112x128xf32, #tpu.memory_space<vmem_shared>>) offsets(%dma_start3A_129 : memref<128xi32, #tpu.memory_space<vmem>>) semaphore(%run_scoped3A_122 : memref<!tpu.dma_semaphore, #tpu.memory_space<semaphore_mem>>) {add = true}
        %dma_wait3A_133 = arith.constant 0 : i32
        %dma_wait3A_134 = arith.constant 0 : i32
        %dma_wait3A_135 = tpu.memref_slice %arg11[%run_scoped3A, %dma_wait3A_133, %dma_wait3A_134] : memref<2x128x128xf32, #tpu.memory_space<vmem>> -> memref<1x128x128xf32, #tpu.memory_space<vmem>>
        %dma_wait3A_136 = tpu.memref_squeeze %dma_wait3A_135 : memref<1x128x128xf32, #tpu.memory_space<vmem>> -> memref<128x128xf32, #tpu.memory_space<vmem>>
        %dma_wait3A_137 = arith.constant 0 : i32
        %dma_wait3A_138 = tpu.memref_slice %arg10[%mul3A_70, %dma_wait3A_137] : memref<124x128xi32, #tpu.memory_space<vmem>> -> memref<1x128xi32, #tpu.memory_space<vmem>>
        %dma_wait3A_139 = tpu.memref_squeeze %dma_wait3A_138 : memref<1x128xi32, #tpu.memory_space<vmem>> -> memref<128xi32, #tpu.memory_space<vmem>>
        %dma_wait3A_140 = arith.constant 0 : i32
        %dma_wait3A_141 = arith.constant 0 : i32
        %dma_wait3A_142 = tpu.memref_slice %arg12[%dma_wait3A_140, %dma_wait3A_141] : memref<10112x128xf32, #tpu.memory_space<vmem_shared>> -> memref<10112x128xf32, #tpu.memory_space<vmem_shared>>
        tpu.wait_indirect_dma semaphore(%run_scoped3A_122 : memref<!tpu.dma_semaphore, #tpu.memory_space<semaphore_mem>>) src(%dma_wait3A_136 : memref<128x128xf32, #tpu.memory_space<vmem>>) dst(%dma_wait3A_142 : memref<10112x128xf32, #tpu.memory_space<vmem_shared>>)
        tpu.yield
      }) : () -> ()
      %add3A_99 = arith.constant 2 : i32
      %add3A_100 = arith.addi %mul3A_70, %add3A_99 : i32
      %lt3A_101 = arith.cmpi slt, %add3A_100, %select_n3A : i32
      %convert_element_type3A_102 = arith.extui %lt3A_101 : i1 to i32
      %cond3A_103 = arith.constant 0 : i32
      %cond3A_104 = arith.cmpi ne, %convert_element_type3A_102, %cond3A_103 : i32
      scf.if %cond3A_104 {
        %dma_wait3A_122 = arith.constant 0 : i32
        %dma_wait3A_123 = arith.constant 0 : i32
        %dma_wait3A_124 = tpu.memref_slice %arg3[%add3A, %dma_wait3A_122, %dma_wait3A_123] : memref<32x124x128xi32, #tpu.memory_space<hbm>> -> memref<1x1x128xi32, #tpu.memory_space<hbm>>
        %dma_wait3A_125 = tpu.memref_squeeze %dma_wait3A_124 : memref<1x1x128xi32, #tpu.memory_space<hbm>> -> memref<128xi32, #tpu.memory_space<hbm>>
        %dma_wait3A_126 = arith.constant 0 : i32
        %dma_wait3A_127 = tpu.memref_slice %arg3[%add3A, %dma_wait3A_122, %dma_wait3A_126] : memref<32x124x128xi32, #tpu.memory_space<hbm>> -> memref<1x1x128xi32, #tpu.memory_space<hbm>>
        %dma_wait3A_128 = tpu.memref_squeeze %dma_wait3A_127 : memref<1x1x128xi32, #tpu.memory_space<hbm>> -> memref<128xi32, #tpu.memory_space<hbm>>
        tpu.wait_dma2 semaphore(%arg15 : memref<!tpu.dma_semaphore, #tpu.memory_space<semaphore_mem>>) src(%dma_wait3A_128 : memref<128xi32, #tpu.memory_space<hbm>>) dst(%arg8 : memref<128xi32, #tpu.memory_space<vmem>>)
        %dma_start3A_129 = arith.constant 0 : i32
        %dma_start3A_130 = arith.constant 0 : i32
        %dma_start3A_131 = arith.constant 0 : i32
        %dma_start3A_132 = tpu.memref_slice %arg11[%dma_start3A_129, %dma_start3A_130, %dma_start3A_131] : memref<2x128x128xf32, #tpu.memory_space<vmem>> -> memref<1x128x128xf32, #tpu.memory_space<vmem>>
        %dma_start3A_133 = tpu.memref_squeeze %dma_start3A_132 : memref<1x128x128xf32, #tpu.memory_space<vmem>> -> memref<128x128xf32, #tpu.memory_space<vmem>>
        %dma_start3A_134 = arith.constant 0 : i32
        %dma_start3A_135 = arith.constant 0 : i32
        %dma_start3A_136 = tpu.memref_slice %arg2[%dma_start3A_134, %dma_start3A_135] : memref<10000x128xf32, #tpu.memory_space<hbm>> -> memref<10000x128xf32, #tpu.memory_space<hbm>>
        tpu.enqueue_indirect_dma source(%dma_start3A_136 : memref<10000x128xf32, #tpu.memory_space<hbm>>) target(%dma_start3A_133 : memref<128x128xf32, #tpu.memory_space<vmem>>) offsets(%arg8 : memref<128xi32, #tpu.memory_space<vmem>>) semaphore(%arg13 : memref<!tpu.dma_semaphore, #tpu.memory_space<semaphore_mem>>)
      } else {
      }
      %dma_wait3A_105 = arith.constant 1 : i32
      %dma_wait3A_106 = arith.constant 0 : i32
      %dma_wait3A_107 = arith.constant 0 : i32
      %dma_wait3A_108 = tpu.memref_slice %arg11[%dma_wait3A_105, %dma_wait3A_106, %dma_wait3A_107] : memref<2x128x128xf32, #tpu.memory_space<vmem>> -> memref<1x128x128xf32, #tpu.memory_space<vmem>>
      %dma_wait3A_109 = tpu.memref_squeeze %dma_wait3A_108 : memref<1x128x128xf32, #tpu.memory_space<vmem>> -> memref<128x128xf32, #tpu.memory_space<vmem>>
      %dma_wait3A_110 = arith.constant 0 : i32
      %dma_wait3A_111 = arith.constant 0 : i32
      %dma_wait3A_112 = tpu.memref_slice %arg2[%dma_wait3A_110, %dma_wait3A_111] : memref<10000x128xf32, #tpu.memory_space<hbm>> -> memref<10000x128xf32, #tpu.memory_space<hbm>>
      tpu.wait_indirect_dma semaphore(%arg14 : memref<!tpu.dma_semaphore, #tpu.memory_space<semaphore_mem>>) src(%dma_wait3A_112 : memref<10000x128xf32, #tpu.memory_space<hbm>>) dst(%dma_wait3A_109 : memref<128x128xf32, #tpu.memory_space<vmem>>)
      %add3A_113 = arith.constant 3 : i32
      %add3A_114 = arith.addi %mul3A_70, %add3A_113 : i32
      %lt3A_115 = arith.cmpi slt, %add3A_114, %select_n3A : i32
      %convert_element_type3A_116 = arith.extui %lt3A_115 : i1 to i32
      %cond3A_117 = arith.constant 0 : i32
      %cond3A_118 = arith.cmpi ne, %convert_element_type3A_116, %cond3A_117 : i32
      scf.if %cond3A_118 {
        %add3A_122 = arith.constant 3 : i32
        %add3A_123 = arith.addi %mul3A_70, %add3A_122 : i32
        %dma_start3A_124 = arith.constant 0 : i32
        %dma_start3A_125 = tpu.memref_slice %arg3[%add3A, %add3A_123, %dma_start3A_124] : memref<32x124x128xi32, #tpu.memory_space<hbm>> -> memref<1x1x128xi32, #tpu.memory_space<hbm>>
        %dma_start3A_126 = tpu.memref_squeeze %dma_start3A_125 : memref<1x1x128xi32, #tpu.memory_space<hbm>> -> memref<128xi32, #tpu.memory_space<hbm>>
        %dma_start3A_127 = arith.constant 0 : i32
        %dma_start3A_128 = tpu.memref_slice %arg3[%add3A, %add3A_123, %dma_start3A_127] : memref<32x124x128xi32, #tpu.memory_space<hbm>> -> memref<1x1x128xi32, #tpu.memory_space<hbm>>
        %dma_start3A_129 = tpu.memref_squeeze %dma_start3A_128 : memref<1x1x128xi32, #tpu.memory_space<hbm>> -> memref<128xi32, #tpu.memory_space<hbm>>
        tpu.enqueue_dma source(%dma_start3A_129 : memref<128xi32, #tpu.memory_space<hbm>>) target(%arg9 : memref<128xi32, #tpu.memory_space<vmem>>) target_semaphore(%arg16 : memref<!tpu.dma_semaphore, #tpu.memory_space<semaphore_mem>>)
      } else {
      }
      %add3A_119 = arith.constant 1 : i32
      %add3A_120 = arith.addi %mul3A_70, %add3A_119 : i32
      %run_scoped3A_121 = arith.constant 1 : i32
      "tpu.region"() ({
        %run_scoped3A_122 = tpu.sem_alloc : memref<!tpu.dma_semaphore, #tpu.memory_space<semaphore_mem>>
        %dma_start3A_123 = arith.constant 0 : i32
        %dma_start3A_124 = arith.constant 0 : i32
        %dma_start3A_125 = tpu.memref_slice %arg11[%run_scoped3A_121, %dma_start3A_123, %dma_start3A_124] : memref<2x128x128xf32, #tpu.memory_space<vmem>> -> memref<1x128x128xf32, #tpu.memory_space<vmem>>
        %dma_start3A_126 = tpu.memref_squeeze %dma_start3A_125 : memref<1x128x128xf32, #tpu.memory_space<vmem>> -> memref<128x128xf32, #tpu.memory_space<vmem>>
        %dma_start3A_127 = arith.constant 0 : i32
        %dma_start3A_128 = tpu.memref_slice %arg10[%add3A_120, %dma_start3A_127] : memref<124x128xi32, #tpu.memory_space<vmem>> -> memref<1x128xi32, #tpu.memory_space<vmem>>
        %dma_start3A_129 = tpu.memref_squeeze %dma_start3A_128 : memref<1x128xi32, #tpu.memory_space<vmem>> -> memref<128xi32, #tpu.memory_space<vmem>>
        %dma_start3A_130 = arith.constant 0 : i32
        %dma_start3A_131 = arith.constant 0 : i32
        %dma_start3A_132 = tpu.memref_slice %arg12[%dma_start3A_130, %dma_start3A_131] : memref<10112x128xf32, #tpu.memory_space<vmem_shared>> -> memref<10112x128xf32, #tpu.memory_space<vmem_shared>>
        tpu.enqueue_indirect_dma source(%dma_start3A_126 : memref<128x128xf32, #tpu.memory_space<vmem>>) target(%dma_start3A_132 : memref<10112x128xf32, #tpu.memory_space<vmem_shared>>) offsets(%dma_start3A_129 : memref<128xi32, #tpu.memory_space<vmem>>) semaphore(%run_scoped3A_122 : memref<!tpu.dma_semaphore, #tpu.memory_space<semaphore_mem>>) {add = true}
        %dma_wait3A_133 = arith.constant 0 : i32
        %dma_wait3A_134 = arith.constant 0 : i32
        %dma_wait3A_135 = tpu.memref_slice %arg11[%run_scoped3A_121, %dma_wait3A_133, %dma_wait3A_134] : memref<2x128x128xf32, #tpu.memory_space<vmem>> -> memref<1x128x128xf32, #tpu.memory_space<vmem>>
        %dma_wait3A_136 = tpu.memref_squeeze %dma_wait3A_135 : memref<1x128x128xf32, #tpu.memory_space<vmem>> -> memref<128x128xf32, #tpu.memory_space<vmem>>
        %dma_wait3A_137 = arith.constant 0 : i32
        %dma_wait3A_138 = tpu.memref_slice %arg10[%add3A_120, %dma_wait3A_137] : memref<124x128xi32, #tpu.memory_space<vmem>> -> memref<1x128xi32, #tpu.memory_space<vmem>>
        %dma_wait3A_139 = tpu.memref_squeeze %dma_wait3A_138 : memref<1x128xi32, #tpu.memory_space<vmem>> -> memref<128xi32, #tpu.memory_space<vmem>>
        %dma_wait3A_140 = arith.constant 0 : i32
        %dma_wait3A_141 = arith.constant 0 : i32
        %dma_wait3A_142 = tpu.memref_slice %arg12[%dma_wait3A_140, %dma_wait3A_141] : memref<10112x128xf32, #tpu.memory_space<vmem_shared>> -> memref<10112x128xf32, #tpu.memory_space<vmem_shared>>
        tpu.wait_indirect_dma semaphore(%run_scoped3A_122 : memref<!tpu.dma_semaphore, #tpu.memory_space<semaphore_mem>>) src(%dma_wait3A_136 : memref<128x128xf32, #tpu.memory_space<vmem>>) dst(%dma_wait3A_142 : memref<10112x128xf32, #tpu.memory_space<vmem_shared>>)
        tpu.yield
      }) : () -> ()
    }
    %barrier3A_59 = arith.constant 0 : index
    tpu.barrier barrier_id(%barrier3A_59)
    %eq3A_60 = arith.constant 0 : i32
    %eq3A_61 = arith.cmpi eq, %arg0, %eq3A_60 : i32
    %convert_element_type3A = arith.extui %eq3A_61 : i1 to i32
    %cond3A = arith.constant 0 : i32
    %cond3A_62 = arith.cmpi ne, %convert_element_type3A, %cond3A : i32
    scf.if %cond3A_62 {
      "tpu.region"() ({
        %run_scoped3A = tpu.sem_alloc : memref<!tpu.dma_semaphore, #tpu.memory_space<semaphore_mem>>
        %dma_start3A_68 = arith.constant 0 : i32
        %dma_start3A_69 = tpu.memref_slice %arg6[%mul3A_2, %dma_start3A_68] : memref<10112x128xf32, #tpu.memory_space<hbm>> -> memref<632x128xf32, #tpu.memory_space<hbm>>
        %dma_start3A_70 = arith.constant 0 : i32
        %dma_start3A_71 = tpu.memref_slice %arg12[%mul3A_2, %dma_start3A_70] : memref<10112x128xf32, #tpu.memory_space<vmem_shared>> -> memref<632x128xf32, #tpu.memory_space<vmem_shared>>
        tpu.enqueue_dma source(%dma_start3A_71 : memref<632x128xf32, #tpu.memory_space<vmem_shared>>) target(%dma_start3A_69 : memref<632x128xf32, #tpu.memory_space<hbm>>) target_semaphore(%run_scoped3A : memref<!tpu.dma_semaphore, #tpu.memory_space<semaphore_mem>>)
        %dma_wait3A_72 = arith.constant 0 : i32
        %dma_wait3A_73 = tpu.memref_slice %arg6[%mul3A_2, %dma_wait3A_72] : memref<10112x128xf32, #tpu.memory_space<hbm>> -> memref<632x128xf32, #tpu.memory_space<hbm>>
        %dma_wait3A_74 = arith.constant 0 : i32
        %dma_wait3A_75 = tpu.memref_slice %arg12[%mul3A_2, %dma_wait3A_74] : memref<10112x128xf32, #tpu.memory_space<vmem_shared>> -> memref<632x128xf32, #tpu.memory_space<vmem_shared>>
        tpu.wait_dma2 semaphore(%run_scoped3A : memref<!tpu.dma_semaphore, #tpu.memory_space<semaphore_mem>>) src(%dma_wait3A_75 : memref<632x128xf32, #tpu.memory_space<vmem_shared>>) dst(%dma_wait3A_73 : memref<632x128xf32, #tpu.memory_space<hbm>>)
        tpu.yield
      }) : () -> ()
    } else {
    }
    %eq3A_63 = arith.constant 1 : i32
    %eq3A_64 = arith.cmpi eq, %arg0, %eq3A_63 : i32
    %convert_element_type3A_65 = arith.extui %eq3A_64 : i1 to i32
    %cond3A_66 = arith.constant 0 : i32
    %cond3A_67 = arith.cmpi ne, %convert_element_type3A_65, %cond3A_66 : i32
    scf.if %cond3A_67 {
      "tpu.region"() ({
        %run_scoped3A = tpu.sem_alloc : memref<!tpu.dma_semaphore, #tpu.memory_space<semaphore_mem>>
        %dma_start3A_68 = arith.constant 0 : i32
        %dma_start3A_69 = tpu.memref_slice %arg7[%mul3A_2, %dma_start3A_68] : memref<10112x128xf32, #tpu.memory_space<hbm>> -> memref<632x128xf32, #tpu.memory_space<hbm>>
        %dma_start3A_70 = arith.constant 0 : i32
        %dma_start3A_71 = tpu.memref_slice %arg12[%mul3A_2, %dma_start3A_70] : memref<10112x128xf32, #tpu.memory_space<vmem_shared>> -> memref<632x128xf32, #tpu.memory_space<vmem_shared>>
        tpu.enqueue_dma source(%dma_start3A_71 : memref<632x128xf32, #tpu.memory_space<vmem_shared>>) target(%dma_start3A_69 : memref<632x128xf32, #tpu.memory_space<hbm>>) target_semaphore(%run_scoped3A : memref<!tpu.dma_semaphore, #tpu.memory_space<semaphore_mem>>)
        %dma_wait3A_72 = arith.constant 0 : i32
        %dma_wait3A_73 = tpu.memref_slice %arg7[%mul3A_2, %dma_wait3A_72] : memref<10112x128xf32, #tpu.memory_space<hbm>> -> memref<632x128xf32, #tpu.memory_space<hbm>>
        %dma_wait3A_74 = arith.constant 0 : i32
        %dma_wait3A_75 = tpu.memref_slice %arg12[%mul3A_2, %dma_wait3A_74] : memref<10112x128xf32, #tpu.memory_space<vmem_shared>> -> memref<632x128xf32, #tpu.memory_space<vmem_shared>>
        tpu.wait_dma2 semaphore(%run_scoped3A : memref<!tpu.dma_semaphore, #tpu.memory_space<semaphore_mem>>) src(%dma_wait3A_75 : memref<632x128xf32, #tpu.memory_space<vmem_shared>>) dst(%dma_wait3A_73 : memref<632x128xf32, #tpu.memory_space<hbm>>)
        tpu.yield
      }) : () -> ()
    } else {
    }
    return
  }
}

#map = affine_map<(d0, d1) -> (0, 0)>
#map1 = affine_map<(d0, d1) -> (0, 0, 0)>
module attributes {stable_mosaic.version = 14 : i64} {
  func.func @body(%arg0: i32, %arg1: i32, %arg2: memref<10000x128xf32, #tpu.memory_space<hbm>>, %arg3: memref<32x124x128xi32, #tpu.memory_space<hbm>>, %arg4: memref<32x124x128xi32, #tpu.memory_space<hbm>>, %arg5: memref<632x128xf32, #tpu.memory_space<hbm>>, %arg6: memref<10112x128xf32, #tpu.memory_space<hbm>>, %arg7: memref<10112x128xf32, #tpu.memory_space<hbm>>, %arg8: memref<128xi32, #tpu.memory_space<vmem>>, %arg9: memref<128xi32, #tpu.memory_space<vmem>>, %arg10: memref<124x128xi32, #tpu.memory_space<vmem>>, %arg11: memref<2x128x128xf32, #tpu.memory_space<vmem>>, %arg12: memref<10112x128xf32, #tpu.memory_space<vmem_shared>>, %arg13: memref<!tpu.dma_semaphore, #tpu.memory_space<semaphore_mem>>, %arg14: memref<!tpu.dma_semaphore, #tpu.memory_space<semaphore_mem>>, %arg15: memref<!tpu.dma_semaphore, #tpu.memory_space<semaphore_mem>>, %arg16: memref<!tpu.dma_semaphore, #tpu.memory_space<semaphore_mem>>) attributes {dimension_semantics = [#tpu.dimension_semantics<core_parallel>, #tpu.dimension_semantics<subcore_parallel>], iteration_bounds = array<i64: 2, 16>, scalar_prefetch = 0 : i64, scratch_operands = 9 : i64, tpu.core_type = #tpu.core_type<sc_vector_subcore>, window_params = [{transform_indices = #map}, {transform_indices = #map1}, {transform_indices = #map1}, {transform_indices = #map}, {transform_indices = #map}, {transform_indices = #map}]} {
    %mul3A = arith.constant 16 : i32
    %mul3A_0 = arith.muli %arg0, %mul3A : i32
    %add3A = arith.addi %mul3A_0, %arg1 : i32
    %mul3A_1 = arith.constant 632 : i32
    %mul3A_2 = arith.muli %arg1, %mul3A_1 : i32
    %eq3A = arith.constant 0 : i32
    %eq3A_3 = arith.cmpi eq, %arg0, %eq3A : i32
    %jit3A = arith.constant 124 : i32
    %jit3A_4 = arith.constant 34 : i32
    %select_n3A = arith.select %eq3A_3, %jit3A, %jit3A_4 : i32
    "tpu.region"() ({
      %run_scoped3A = tpu.sem_alloc : memref<!tpu.dma_semaphore, #tpu.memory_space<semaphore_mem>>
      %dma_start3A_68 = arith.constant 0 : i32
      %dma_start3A_69 = arith.constant 0 : i32
      %dma_start3A_70 = tpu.memref_slice %arg4[%add3A, %dma_start3A_68, %dma_start3A_69] : memref<32x124x128xi32, #tpu.memory_space<hbm>> -> memref<1x124x128xi32, #tpu.memory_space<hbm>>
      %dma_start3A_71 = tpu.memref_squeeze %dma_start3A_70 : memref<1x124x128xi32, #tpu.memory_space<hbm>> -> memref<124x128xi32, #tpu.memory_space<hbm>>
      %dma_start3A_72 = arith.constant 0 : i32
      %dma_start3A_73 = arith.constant 0 : i32
      %dma_start3A_74 = tpu.memref_slice %arg4[%add3A, %dma_start3A_72, %dma_start3A_73] : memref<32x124x128xi32, #tpu.memory_space<hbm>> -> memref<1x124x128xi32, #tpu.memory_space<hbm>>
      %dma_start3A_75 = tpu.memref_squeeze %dma_start3A_74 : memref<1x124x128xi32, #tpu.memory_space<hbm>> -> memref<124x128xi32, #tpu.memory_space<hbm>>
      tpu.enqueue_dma source(%dma_start3A_75 : memref<124x128xi32, #tpu.memory_space<hbm>>) target(%arg10 : memref<124x128xi32, #tpu.memory_space<vmem>>) target_semaphore(%run_scoped3A : memref<!tpu.dma_semaphore, #tpu.memory_space<semaphore_mem>>)
      %dma_wait3A_76 = arith.constant 0 : i32
      %dma_wait3A_77 = arith.constant 0 : i32
      %dma_wait3A_78 = tpu.memref_slice %arg4[%add3A, %dma_wait3A_76, %dma_wait3A_77] : memref<32x124x128xi32, #tpu.memory_space<hbm>> -> memref<1x124x128xi32, #tpu.memory_space<hbm>>
      %dma_wait3A_79 = tpu.memref_squeeze %dma_wait3A_78 : memref<1x124x128xi32, #tpu.memory_space<hbm>> -> memref<124x128xi32, #tpu.memory_space<hbm>>
      %dma_wait3A_80 = arith.constant 0 : i32
      %dma_wait3A_81 = arith.constant 0 : i32
      %dma_wait3A_82 = tpu.memref_slice %arg4[%add3A, %dma_wait3A_80, %dma_wait3A_81] : memref<32x124x128xi32, #tpu.memory_space<hbm>> -> memref<1x124x128xi32, #tpu.memory_space<hbm>>
      %dma_wait3A_83 = tpu.memref_squeeze %dma_wait3A_82 : memref<1x124x128xi32, #tpu.memory_space<hbm>> -> memref<124x128xi32, #tpu.memory_space<hbm>>
      tpu.wait_dma2 semaphore(%run_scoped3A : memref<!tpu.dma_semaphore, #tpu.memory_space<semaphore_mem>>) src(%dma_wait3A_83 : memref<124x128xi32, #tpu.memory_space<hbm>>) dst(%arg10 : memref<124x128xi32, #tpu.memory_space<vmem>>)
      tpu.yield
    }) : () -> ()
    "tpu.region"() ({
      %run_scoped3A = tpu.sem_alloc : memref<!tpu.dma_semaphore, #tpu.memory_space<semaphore_mem>>
      %dma_start3A_68 = arith.constant 0 : i32
      %dma_start3A_69 = tpu.memref_slice %arg12[%mul3A_2, %dma_start3A_68] : memref<10112x128xf32, #tpu.memory_space<vmem_shared>> -> memref<632x128xf32, #tpu.memory_space<vmem_shared>>
      tpu.enqueue_dma source(%arg5 : memref<632x128xf32, #tpu.memory_space<hbm>>) target(%dma_start3A_69 : memref<632x128xf32, #tpu.memory_space<vmem_shared>>) target_semaphore(%run_scoped3A : memref<!tpu.dma_semaphore, #tpu.memory_space<semaphore_mem>>)
      %dma_wait3A_70 = arith.constant 0 : i32
      %dma_wait3A_71 = tpu.memref_slice %arg12[%mul3A_2, %dma_wait3A_70] : memref<10112x128xf32, #tpu.memory_space<vmem_shared>> -> memref<632x128xf32, #tpu.memory_space<vmem_shared>>
      tpu.wait_dma2 semaphore(%run_scoped3A : memref<!tpu.dma_semaphore, #tpu.memory_space<semaphore_mem>>) src(%arg5 : memref<632x128xf32, #tpu.memory_space<hbm>>) dst(%dma_wait3A_71 : memref<632x128xf32, #tpu.memory_space<vmem_shared>>)
      tpu.yield
    }) : () -> ()
    %dma_start3A = arith.constant 0 : i32
    %dma_start3A_5 = arith.constant 0 : i32
    %dma_start3A_6 = tpu.memref_slice %arg3[%add3A, %dma_start3A, %dma_start3A_5] : memref<32x124x128xi32, #tpu.memory_space<hbm>> -> memref<1x1x128xi32, #tpu.memory_space<hbm>>
    %dma_start3A_7 = tpu.memref_squeeze %dma_start3A_6 : memref<1x1x128xi32, #tpu.memory_space<hbm>> -> memref<128xi32, #tpu.memory_space<hbm>>
    %dma_start3A_8 = arith.constant 0 : i32
    %dma_start3A_9 = tpu.memref_slice %arg3[%add3A, %dma_start3A, %dma_start3A_8] : memref<32x124x128xi32, #tpu.memory_space<hbm>> -> memref<1x1x128xi32, #tpu.memory_space<hbm>>
    %dma_start3A_10 = tpu.memref_squeeze %dma_start3A_9 : memref<1x1x128xi32, #tpu.memory_space<hbm>> -> memref<128xi32, #tpu.memory_space<hbm>>
    tpu.enqueue_dma source(%dma_start3A_10 : memref<128xi32, #tpu.memory_space<hbm>>) target(%arg8 : memref<128xi32, #tpu.memory_space<vmem>>) target_semaphore(%arg15 : memref<!tpu.dma_semaphore, #tpu.memory_space<semaphore_mem>>)
    %dma_start3A_11 = arith.constant 1 : i32
    %dma_start3A_12 = arith.constant 0 : i32
    %dma_start3A_13 = tpu.memref_slice %arg3[%add3A, %dma_start3A_11, %dma_start3A_12] : memref<32x124x128xi32, #tpu.memory_space<hbm>> -> memref<1x1x128xi32, #tpu.memory_space<hbm>>
    %dma_start3A_14 = tpu.memref_squeeze %dma_start3A_13 : memref<1x1x128xi32, #tpu.memory_space<hbm>> -> memref<128xi32, #tpu.memory_space<hbm>>
    %dma_start3A_15 = arith.constant 0 : i32
    %dma_start3A_16 = tpu.memref_slice %arg3[%add3A, %dma_start3A_11, %dma_start3A_15] : memref<32x124x128xi32, #tpu.memory_space<hbm>> -> memref<1x1x128xi32, #tpu.memory_space<hbm>>
    %dma_start3A_17 = tpu.memref_squeeze %dma_start3A_16 : memref<1x1x128xi32, #tpu.memory_space<hbm>> -> memref<128xi32, #tpu.memory_space<hbm>>
    tpu.enqueue_dma source(%dma_start3A_17 : memref<128xi32, #tpu.memory_space<hbm>>) target(%arg9 : memref<128xi32, #tpu.memory_space<vmem>>) target_semaphore(%arg16 : memref<!tpu.dma_semaphore, #tpu.memory_space<semaphore_mem>>)
    %dma_wait3A = arith.constant 0 : i32
    %dma_wait3A_18 = arith.constant 0 : i32
    %dma_wait3A_19 = tpu.memref_slice %arg3[%add3A, %dma_wait3A, %dma_wait3A_18] : memref<32x124x128xi32, #tpu.memory_space<hbm>> -> memref<1x1x128xi32, #tpu.memory_space<hbm>>
    %dma_wait3A_20 = tpu.memref_squeeze %dma_wait3A_19 : memref<1x1x128xi32, #tpu.memory_space<hbm>> -> memref<128xi32, #tpu.memory_space<hbm>>
    %dma_wait3A_21 = arith.constant 0 : i32
    %dma_wait3A_22 = tpu.memref_slice %arg3[%add3A, %dma_wait3A, %dma_wait3A_21] : memref<32x124x128xi32, #tpu.memory_space<hbm>> -> memref<1x1x128xi32, #tpu.memory_space<hbm>>
    %dma_wait3A_23 = tpu.memref_squeeze %dma_wait3A_22 : memref<1x1x128xi32, #tpu.memory_space<hbm>> -> memref<128xi32, #tpu.memory_space<hbm>>
    tpu.wait_dma2 semaphore(%arg15 : memref<!tpu.dma_semaphore, #tpu.memory_space<semaphore_mem>>) src(%dma_wait3A_23 : memref<128xi32, #tpu.memory_space<hbm>>) dst(%arg8 : memref<128xi32, #tpu.memory_space<vmem>>)
    %dma_start3A_24 = arith.constant 0 : i32
    %dma_start3A_25 = arith.constant 0 : i32
    %dma_start3A_26 = arith.constant 0 : i32
    %dma_start3A_27 = tpu.memref_slice %arg11[%dma_start3A_24, %dma_start3A_25, %dma_start3A_26] : memref<2x128x128xf32, #tpu.memory_space<vmem>> -> memref<1x128x128xf32, #tpu.memory_space<vmem>>
    %dma_start3A_28 = tpu.memref_squeeze %dma_start3A_27 : memref<1x128x128xf32, #tpu.memory_space<vmem>> -> memref<128x128xf32, #tpu.memory_space<vmem>>
    %dma_start3A_29 = arith.constant 0 : i32
    %dma_start3A_30 = arith.constant 0 : i32
    %dma_start3A_31 = tpu.memref_slice %arg2[%dma_start3A_29, %dma_start3A_30] : memref<10000x128xf32, #tpu.memory_space<hbm>> -> memref<10000x128xf32, #tpu.memory_space<hbm>>
    tpu.enqueue_indirect_dma source(%dma_start3A_31 : memref<10000x128xf32, #tpu.memory_space<hbm>>) target(%dma_start3A_28 : memref<128x128xf32, #tpu.memory_space<vmem>>) offsets(%arg8 : memref<128xi32, #tpu.memory_space<vmem>>) semaphore(%arg13 : memref<!tpu.dma_semaphore, #tpu.memory_space<semaphore_mem>>)
    %barrier3A = arith.constant 0 : index
    tpu.barrier barrier_id(%barrier3A)
    %jit3A_32 = arith.constant 2 : i32
    %div3A = arith.divsi %select_n3A, %jit3A_32 : i32
    %sign3A = arith.constant 0 : i32
    %sign3A_33 = arith.cmpi sgt, %select_n3A, %sign3A : i32
    %sign3A_34 = arith.extui %sign3A_33 : i1 to i32
    %sign3A_35 = arith.constant 0 : i32
    %sign3A_36 = arith.cmpi slt, %select_n3A, %sign3A_35 : i32
    %sign3A_37 = arith.extui %sign3A_36 : i1 to i32
    %sign3A_38 = arith.subi %sign3A_34, %sign3A_37 : i32
    %sign3A_39 = arith.constant 0 : i32
    %sign3A_40 = arith.cmpi sgt, %jit3A_32, %sign3A_39 : i32
    %sign3A_41 = arith.extui %sign3A_40 : i1 to i32
    %sign3A_42 = arith.constant 0 : i32
    %sign3A_43 = arith.cmpi slt, %jit3A_32, %sign3A_42 : i32
    %sign3A_44 = arith.extui %sign3A_43 : i1 to i32
    %sign3A_45 = arith.subi %sign3A_41, %sign3A_44 : i32
    %ne3A = arith.cmpi ne, %sign3A_38, %sign3A_45 : i32
    %rem3A = arith.remsi %select_n3A, %jit3A_32 : i32
    %ne3A_46 = arith.constant 0 : i32
    %ne3A_47 = arith.cmpi ne, %rem3A, %ne3A_46 : i32
    %and3A = arith.andi %ne3A, %ne3A_47 : i1
    %sub3A = arith.constant 1 : i32
    %sub3A_48 = arith.subi %div3A, %sub3A : i32
    %select_n3A_49 = arith.select %and3A, %sub3A_48, %div3A : i32
    %while3A = arith.constant 0 : i32
    %while3A_50 = arith.constant 0 : i32
    %while3A_51 = arith.subi %select_n3A_49, %while3A_50 : i32
    %while3A_52 = arith.addi %while3A_50, %while3A_51 : i32
    %while3A_53 = arith.constant 1 : i32
    %while3A_54 = arith.divsi %while3A_51, %while3A_53 : i32
    %while3A_55 = arith.muli %while3A_54, %while3A_53 : i32
    %while3A_56 = arith.addi %while3A_50, %while3A_55 : i32
    %while3A_57 = arith.constant 1 : i32
    scf.for %while3A_68 = %while3A_50 to %while3A_56 step %while3A_57  : i32 {
      %mul3A_69 = arith.constant 2 : i32
      %mul3A_70 = arith.muli %mul3A_69, %while3A_68 : i32
      %dma_wait3A_71 = arith.constant 0 : i32
      %dma_wait3A_72 = arith.constant 0 : i32
      %dma_wait3A_73 = tpu.memref_slice %arg3[%add3A, %dma_wait3A_71, %dma_wait3A_72] : memref<32x124x128xi32, #tpu.memory_space<hbm>> -> memref<1x1x128xi32, #tpu.memory_space<hbm>>
      %dma_wait3A_74 = tpu.memref_squeeze %dma_wait3A_73 : memref<1x1x128xi32, #tpu.memory_space<hbm>> -> memref<128xi32, #tpu.memory_space<hbm>>
      %dma_wait3A_75 = arith.constant 0 : i32
      %dma_wait3A_76 = tpu.memref_slice %arg3[%add3A, %dma_wait3A_71, %dma_wait3A_75] : memref<32x124x128xi32, #tpu.memory_space<hbm>> -> memref<1x1x128xi32, #tpu.memory_space<hbm>>
      %dma_wait3A_77 = tpu.memref_squeeze %dma_wait3A_76 : memref<1x1x128xi32, #tpu.memory_space<hbm>> -> memref<128xi32, #tpu.memory_space<hbm>>
      tpu.wait_dma2 semaphore(%arg16 : memref<!tpu.dma_semaphore, #tpu.memory_space<semaphore_mem>>) src(%dma_wait3A_77 : memref<128xi32, #tpu.memory_space<hbm>>) dst(%arg9 : memref<128xi32, #tpu.memory_space<vmem>>)
      %dma_start3A_78 = arith.constant 1 : i32
      %dma_start3A_79 = arith.constant 0 : i32
      %dma_start3A_80 = arith.constant 0 : i32
      %dma_start3A_81 = tpu.memref_slice %arg11[%dma_start3A_78, %dma_start3A_79, %dma_start3A_80] : memref<2x128x128xf32, #tpu.memory_space<vmem>> -> memref<1x128x128xf32, #tpu.memory_space<vmem>>
      %dma_start3A_82 = tpu.memref_squeeze %dma_start3A_81 : memref<1x128x128xf32, #tpu.memory_space<vmem>> -> memref<128x128xf32, #tpu.memory_space<vmem>>
      %dma_start3A_83 = arith.constant 0 : i32
      %dma_start3A_84 = arith.constant 0 : i32
      %dma_start3A_85 = tpu.memref_slice %arg2[%dma_start3A_83, %dma_start3A_84] : memref<10000x128xf32, #tpu.memory_space<hbm>> -> memref<10000x128xf32, #tpu.memory_space<hbm>>
      tpu.enqueue_indirect_dma source(%dma_start3A_85 : memref<10000x128xf32, #tpu.memory_space<hbm>>) target(%dma_start3A_82 : memref<128x128xf32, #tpu.memory_space<vmem>>) offsets(%arg9 : memref<128xi32, #tpu.memory_space<vmem>>) semaphore(%arg14 : memref<!tpu.dma_semaphore, #tpu.memory_space<semaphore_mem>>)
      %dma_wait3A_86 = arith.constant 0 : i32
      %dma_wait3A_87 = arith.constant 0 : i32
      %dma_wait3A_88 = arith.constant 0 : i32
      %dma_wait3A_89 = tpu.memref_slice %arg11[%dma_wait3A_86, %dma_wait3A_87, %dma_wait3A_88] : memref<2x128x128xf32, #tpu.memory_space<vmem>> -> memref<1x128x128xf32, #tpu.memory_space<vmem>>
      %dma_wait3A_90 = tpu.memref_squeeze %dma_wait3A_89 : memref<1x128x128xf32, #tpu.memory_space<vmem>> -> memref<128x128xf32, #tpu.memory_space<vmem>>
      %dma_wait3A_91 = arith.constant 0 : i32
      %dma_wait3A_92 = arith.constant 0 : i32
      %dma_wait3A_93 = tpu.memref_slice %arg2[%dma_wait3A_91, %dma_wait3A_92] : memref<10000x128xf32, #tpu.memory_space<hbm>> -> memref<10000x128xf32, #tpu.memory_space<hbm>>
      tpu.wait_indirect_dma semaphore(%arg13 : memref<!tpu.dma_semaphore, #tpu.memory_space<semaphore_mem>>) src(%dma_wait3A_93 : memref<10000x128xf32, #tpu.memory_space<hbm>>) dst(%dma_wait3A_90 : memref<128x128xf32, #tpu.memory_space<vmem>>)
      %add3A_94 = arith.constant 2 : i32
      %add3A_95 = arith.addi %mul3A_70, %add3A_94 : i32
      %lt3A = arith.cmpi slt, %add3A_95, %select_n3A : i32
      %convert_element_type3A_96 = arith.extui %lt3A : i1 to i32
      %cond3A_97 = arith.constant 0 : i32
      %cond3A_98 = arith.cmpi ne, %convert_element_type3A_96, %cond3A_97 : i32
      scf.if %cond3A_98 {
        %add3A_122 = arith.constant 2 : i32
        %add3A_123 = arith.addi %mul3A_70, %add3A_122 : i32
        %dma_start3A_124 = arith.constant 0 : i32
        %dma_start3A_125 = tpu.memref_slice %arg3[%add3A, %add3A_123, %dma_start3A_124] : memref<32x124x128xi32, #tpu.memory_space<hbm>> -> memref<1x1x128xi32, #tpu.memory_space<hbm>>
        %dma_start3A_126 = tpu.memref_squeeze %dma_start3A_125 : memref<1x1x128xi32, #tpu.memory_space<hbm>> -> memref<128xi32, #tpu.memory_space<hbm>>
        %dma_start3A_127 = arith.constant 0 : i32
        %dma_start3A_128 = tpu.memref_slice %arg3[%add3A, %add3A_123, %dma_start3A_127] : memref<32x124x128xi32, #tpu.memory_space<hbm>> -> memref<1x1x128xi32, #tpu.memory_space<hbm>>
        %dma_start3A_129 = tpu.memref_squeeze %dma_start3A_128 : memref<1x1x128xi32, #tpu.memory_space<hbm>> -> memref<128xi32, #tpu.memory_space<hbm>>
        tpu.enqueue_dma source(%dma_start3A_129 : memref<128xi32, #tpu.memory_space<hbm>>) target(%arg8 : memref<128xi32, #tpu.memory_space<vmem>>) target_semaphore(%arg15 : memref<!tpu.dma_semaphore, #tpu.memory_space<semaphore_mem>>)
      } else {
      }
      %run_scoped3A = arith.constant 0 : i32
      "tpu.region"() ({
        %run_scoped3A_122 = tpu.sem_alloc : memref<!tpu.dma_semaphore, #tpu.memory_space<semaphore_mem>>
        %dma_start3A_123 = arith.constant 0 : i32
        %dma_start3A_124 = arith.constant 0 : i32
        %dma_start3A_125 = tpu.memref_slice %arg11[%run_scoped3A, %dma_start3A_123, %dma_start3A_124] : memref<2x128x128xf32, #tpu.memory_space<vmem>> -> memref<1x128x128xf32, #tpu.memory_space<vmem>>
        %dma_start3A_126 = tpu.memref_squeeze %dma_start3A_125 : memref<1x128x128xf32, #tpu.memory_space<vmem>> -> memref<128x128xf32, #tpu.memory_space<vmem>>
        %dma_start3A_127 = arith.constant 0 : i32
        %dma_start3A_128 = tpu.memref_slice %arg10[%mul3A_70, %dma_start3A_127] : memref<124x128xi32, #tpu.memory_space<vmem>> -> memref<1x128xi32, #tpu.memory_space<vmem>>
        %dma_start3A_129 = tpu.memref_squeeze %dma_start3A_128 : memref<1x128xi32, #tpu.memory_space<vmem>> -> memref<128xi32, #tpu.memory_space<vmem>>
        %dma_start3A_130 = arith.constant 0 : i32
        %dma_start3A_131 = arith.constant 0 : i32
        %dma_start3A_132 = tpu.memref_slice %arg12[%dma_start3A_130, %dma_start3A_131] : memref<10112x128xf32, #tpu.memory_space<vmem_shared>> -> memref<10112x128xf32, #tpu.memory_space<vmem_shared>>
        tpu.enqueue_indirect_dma source(%dma_start3A_126 : memref<128x128xf32, #tpu.memory_space<vmem>>) target(%dma_start3A_132 : memref<10112x128xf32, #tpu.memory_space<vmem_shared>>) offsets(%dma_start3A_129 : memref<128xi32, #tpu.memory_space<vmem>>) semaphore(%run_scoped3A_122 : memref<!tpu.dma_semaphore, #tpu.memory_space<semaphore_mem>>) {add = true}
        %dma_wait3A_133 = arith.constant 0 : i32
        %dma_wait3A_134 = arith.constant 0 : i32
        %dma_wait3A_135 = tpu.memref_slice %arg11[%run_scoped3A, %dma_wait3A_133, %dma_wait3A_134] : memref<2x128x128xf32, #tpu.memory_space<vmem>> -> memref<1x128x128xf32, #tpu.memory_space<vmem>>
        %dma_wait3A_136 = tpu.memref_squeeze %dma_wait3A_135 : memref<1x128x128xf32, #tpu.memory_space<vmem>> -> memref<128x128xf32, #tpu.memory_space<vmem>>
        %dma_wait3A_137 = arith.constant 0 : i32
        %dma_wait3A_138 = tpu.memref_slice %arg10[%mul3A_70, %dma_wait3A_137] : memref<124x128xi32, #tpu.memory_space<vmem>> -> memref<1x128xi32, #tpu.memory_space<vmem>>
        %dma_wait3A_139 = tpu.memref_squeeze %dma_wait3A_138 : memref<1x128xi32, #tpu.memory_space<vmem>> -> memref<128xi32, #tpu.memory_space<vmem>>
        %dma_wait3A_140 = arith.constant 0 : i32
        %dma_wait3A_141 = arith.constant 0 : i32
        %dma_wait3A_142 = tpu.memref_slice %arg12[%dma_wait3A_140, %dma_wait3A_141] : memref<10112x128xf32, #tpu.memory_space<vmem_shared>> -> memref<10112x128xf32, #tpu.memory_space<vmem_shared>>
        tpu.wait_indirect_dma semaphore(%run_scoped3A_122 : memref<!tpu.dma_semaphore, #tpu.memory_space<semaphore_mem>>) src(%dma_wait3A_136 : memref<128x128xf32, #tpu.memory_space<vmem>>) dst(%dma_wait3A_142 : memref<10112x128xf32, #tpu.memory_space<vmem_shared>>)
        tpu.yield
      }) : () -> ()
      %add3A_99 = arith.constant 2 : i32
      %add3A_100 = arith.addi %mul3A_70, %add3A_99 : i32
      %lt3A_101 = arith.cmpi slt, %add3A_100, %select_n3A : i32
      %convert_element_type3A_102 = arith.extui %lt3A_101 : i1 to i32
      %cond3A_103 = arith.constant 0 : i32
      %cond3A_104 = arith.cmpi ne, %convert_element_type3A_102, %cond3A_103 : i32
      scf.if %cond3A_104 {
        %dma_wait3A_122 = arith.constant 0 : i32
        %dma_wait3A_123 = arith.constant 0 : i32
        %dma_wait3A_124 = tpu.memref_slice %arg3[%add3A, %dma_wait3A_122, %dma_wait3A_123] : memref<32x124x128xi32, #tpu.memory_space<hbm>> -> memref<1x1x128xi32, #tpu.memory_space<hbm>>
        %dma_wait3A_125 = tpu.memref_squeeze %dma_wait3A_124 : memref<1x1x128xi32, #tpu.memory_space<hbm>> -> memref<128xi32, #tpu.memory_space<hbm>>
        %dma_wait3A_126 = arith.constant 0 : i32
        %dma_wait3A_127 = tpu.memref_slice %arg3[%add3A, %dma_wait3A_122, %dma_wait3A_126] : memref<32x124x128xi32, #tpu.memory_space<hbm>> -> memref<1x1x128xi32, #tpu.memory_space<hbm>>
        %dma_wait3A_128 = tpu.memref_squeeze %dma_wait3A_127 : memref<1x1x128xi32, #tpu.memory_space<hbm>> -> memref<128xi32, #tpu.memory_space<hbm>>
        tpu.wait_dma2 semaphore(%arg15 : memref<!tpu.dma_semaphore, #tpu.memory_space<semaphore_mem>>) src(%dma_wait3A_128 : memref<128xi32, #tpu.memory_space<hbm>>) dst(%arg8 : memref<128xi32, #tpu.memory_space<vmem>>)
        %dma_start3A_129 = arith.constant 0 : i32
        %dma_start3A_130 = arith.constant 0 : i32
        %dma_start3A_131 = arith.constant 0 : i32
        %dma_start3A_132 = tpu.memref_slice %arg11[%dma_start3A_129, %dma_start3A_130, %dma_start3A_131] : memref<2x128x128xf32, #tpu.memory_space<vmem>> -> memref<1x128x128xf32, #tpu.memory_space<vmem>>
        %dma_start3A_133 = tpu.memref_squeeze %dma_start3A_132 : memref<1x128x128xf32, #tpu.memory_space<vmem>> -> memref<128x128xf32, #tpu.memory_space<vmem>>
        %dma_start3A_134 = arith.constant 0 : i32
        %dma_start3A_135 = arith.constant 0 : i32
        %dma_start3A_136 = tpu.memref_slice %arg2[%dma_start3A_134, %dma_start3A_135] : memref<10000x128xf32, #tpu.memory_space<hbm>> -> memref<10000x128xf32, #tpu.memory_space<hbm>>
        tpu.enqueue_indirect_dma source(%dma_start3A_136 : memref<10000x128xf32, #tpu.memory_space<hbm>>) target(%dma_start3A_133 : memref<128x128xf32, #tpu.memory_space<vmem>>) offsets(%arg8 : memref<128xi32, #tpu.memory_space<vmem>>) semaphore(%arg13 : memref<!tpu.dma_semaphore, #tpu.memory_space<semaphore_mem>>)
      } else {
      }
      %dma_wait3A_105 = arith.constant 1 : i32
      %dma_wait3A_106 = arith.constant 0 : i32
      %dma_wait3A_107 = arith.constant 0 : i32
      %dma_wait3A_108 = tpu.memref_slice %arg11[%dma_wait3A_105, %dma_wait3A_106, %dma_wait3A_107] : memref<2x128x128xf32, #tpu.memory_space<vmem>> -> memref<1x128x128xf32, #tpu.memory_space<vmem>>
      %dma_wait3A_109 = tpu.memref_squeeze %dma_wait3A_108 : memref<1x128x128xf32, #tpu.memory_space<vmem>> -> memref<128x128xf32, #tpu.memory_space<vmem>>
      %dma_wait3A_110 = arith.constant 0 : i32
      %dma_wait3A_111 = arith.constant 0 : i32
      %dma_wait3A_112 = tpu.memref_slice %arg2[%dma_wait3A_110, %dma_wait3A_111] : memref<10000x128xf32, #tpu.memory_space<hbm>> -> memref<10000x128xf32, #tpu.memory_space<hbm>>
      tpu.wait_indirect_dma semaphore(%arg14 : memref<!tpu.dma_semaphore, #tpu.memory_space<semaphore_mem>>) src(%dma_wait3A_112 : memref<10000x128xf32, #tpu.memory_space<hbm>>) dst(%dma_wait3A_109 : memref<128x128xf32, #tpu.memory_space<vmem>>)
      %add3A_113 = arith.constant 3 : i32
      %add3A_114 = arith.addi %mul3A_70, %add3A_113 : i32
      %lt3A_115 = arith.cmpi slt, %add3A_114, %select_n3A : i32
      %convert_element_type3A_116 = arith.extui %lt3A_115 : i1 to i32
      %cond3A_117 = arith.constant 0 : i32
      %cond3A_118 = arith.cmpi ne, %convert_element_type3A_116, %cond3A_117 : i32
      scf.if %cond3A_118 {
        %add3A_122 = arith.constant 3 : i32
        %add3A_123 = arith.addi %mul3A_70, %add3A_122 : i32
        %dma_start3A_124 = arith.constant 0 : i32
        %dma_start3A_125 = tpu.memref_slice %arg3[%add3A, %add3A_123, %dma_start3A_124] : memref<32x124x128xi32, #tpu.memory_space<hbm>> -> memref<1x1x128xi32, #tpu.memory_space<hbm>>
        %dma_start3A_126 = tpu.memref_squeeze %dma_start3A_125 : memref<1x1x128xi32, #tpu.memory_space<hbm>> -> memref<128xi32, #tpu.memory_space<hbm>>
        %dma_start3A_127 = arith.constant 0 : i32
        %dma_start3A_128 = tpu.memref_slice %arg3[%add3A, %add3A_123, %dma_start3A_127] : memref<32x124x128xi32, #tpu.memory_space<hbm>> -> memref<1x1x128xi32, #tpu.memory_space<hbm>>
        %dma_start3A_129 = tpu.memref_squeeze %dma_start3A_128 : memref<1x1x128xi32, #tpu.memory_space<hbm>> -> memref<128xi32, #tpu.memory_space<hbm>>
        tpu.enqueue_dma source(%dma_start3A_129 : memref<128xi32, #tpu.memory_space<hbm>>) target(%arg9 : memref<128xi32, #tpu.memory_space<vmem>>) target_semaphore(%arg16 : memref<!tpu.dma_semaphore, #tpu.memory_space<semaphore_mem>>)
      } else {
      }
      %add3A_119 = arith.constant 1 : i32
      %add3A_120 = arith.addi %mul3A_70, %add3A_119 : i32
      %run_scoped3A_121 = arith.constant 1 : i32
      "tpu.region"() ({
        %run_scoped3A_122 = tpu.sem_alloc : memref<!tpu.dma_semaphore, #tpu.memory_space<semaphore_mem>>
        %dma_start3A_123 = arith.constant 0 : i32
        %dma_start3A_124 = arith.constant 0 : i32
        %dma_start3A_125 = tpu.memref_slice %arg11[%run_scoped3A_121, %dma_start3A_123, %dma_start3A_124] : memref<2x128x128xf32, #tpu.memory_space<vmem>> -> memref<1x128x128xf32, #tpu.memory_space<vmem>>
        %dma_start3A_126 = tpu.memref_squeeze %dma_start3A_125 : memref<1x128x128xf32, #tpu.memory_space<vmem>> -> memref<128x128xf32, #tpu.memory_space<vmem>>
        %dma_start3A_127 = arith.constant 0 : i32
        %dma_start3A_128 = tpu.memref_slice %arg10[%add3A_120, %dma_start3A_127] : memref<124x128xi32, #tpu.memory_space<vmem>> -> memref<1x128xi32, #tpu.memory_space<vmem>>
        %dma_start3A_129 = tpu.memref_squeeze %dma_start3A_128 : memref<1x128xi32, #tpu.memory_space<vmem>> -> memref<128xi32, #tpu.memory_space<vmem>>
        %dma_start3A_130 = arith.constant 0 : i32
        %dma_start3A_131 = arith.constant 0 : i32
        %dma_start3A_132 = tpu.memref_slice %arg12[%dma_start3A_130, %dma_start3A_131] : memref<10112x128xf32, #tpu.memory_space<vmem_shared>> -> memref<10112x128xf32, #tpu.memory_space<vmem_shared>>
        tpu.enqueue_indirect_dma source(%dma_start3A_126 : memref<128x128xf32, #tpu.memory_space<vmem>>) target(%dma_start3A_132 : memref<10112x128xf32, #tpu.memory_space<vmem_shared>>) offsets(%dma_start3A_129 : memref<128xi32, #tpu.memory_space<vmem>>) semaphore(%run_scoped3A_122 : memref<!tpu.dma_semaphore, #tpu.memory_space<semaphore_mem>>) {add = true}
        %dma_wait3A_133 = arith.constant 0 : i32
        %dma_wait3A_134 = arith.constant 0 : i32
        %dma_wait3A_135 = tpu.memref_slice %arg11[%run_scoped3A_121, %dma_wait3A_133, %dma_wait3A_134] : memref<2x128x128xf32, #tpu.memory_space<vmem>> -> memref<1x128x128xf32, #tpu.memory_space<vmem>>
        %dma_wait3A_136 = tpu.memref_squeeze %dma_wait3A_135 : memref<1x128x128xf32, #tpu.memory_space<vmem>> -> memref<128x128xf32, #tpu.memory_space<vmem>>
        %dma_wait3A_137 = arith.constant 0 : i32
        %dma_wait3A_138 = tpu.memref_slice %arg10[%add3A_120, %dma_wait3A_137] : memref<124x128xi32, #tpu.memory_space<vmem>> -> memref<1x128xi32, #tpu.memory_space<vmem>>
        %dma_wait3A_139 = tpu.memref_squeeze %dma_wait3A_138 : memref<1x128xi32, #tpu.memory_space<vmem>> -> memref<128xi32, #tpu.memory_space<vmem>>
        %dma_wait3A_140 = arith.constant 0 : i32
        %dma_wait3A_141 = arith.constant 0 : i32
        %dma_wait3A_142 = tpu.memref_slice %arg12[%dma_wait3A_140, %dma_wait3A_141] : memref<10112x128xf32, #tpu.memory_space<vmem_shared>> -> memref<10112x128xf32, #tpu.memory_space<vmem_shared>>
        tpu.wait_indirect_dma semaphore(%run_scoped3A_122 : memref<!tpu.dma_semaphore, #tpu.memory_space<semaphore_mem>>) src(%dma_wait3A_136 : memref<128x128xf32, #tpu.memory_space<vmem>>) dst(%dma_wait3A_142 : memref<10112x128xf32, #tpu.memory_space<vmem_shared>>)
        tpu.yield
      }) : () -> ()
    }
    %while3A_58 = arith.constant 1 : i32
    scf.for %while3A_68 = %while3A_56 to %while3A_52 step %while3A_58  : i32 {
      %mul3A_69 = arith.constant 2 : i32
      %mul3A_70 = arith.muli %mul3A_69, %while3A_68 : i32
      %dma_wait3A_71 = arith.constant 0 : i32
      %dma_wait3A_72 = arith.constant 0 : i32
      %dma_wait3A_73 = tpu.memref_slice %arg3[%add3A, %dma_wait3A_71, %dma_wait3A_72] : memref<32x124x128xi32, #tpu.memory_space<hbm>> -> memref<1x1x128xi32, #tpu.memory_space<hbm>>
      %dma_wait3A_74 = tpu.memref_squeeze %dma_wait3A_73 : memref<1x1x128xi32, #tpu.memory_space<hbm>> -> memref<128xi32, #tpu.memory_space<hbm>>
      %dma_wait3A_75 = arith.constant 0 : i32
      %dma_wait3A_76 = tpu.memref_slice %arg3[%add3A, %dma_wait3A_71, %dma_wait3A_75] : memref<32x124x128xi32, #tpu.memory_space<hbm>> -> memref<1x1x128xi32, #tpu.memory_space<hbm>>
      %dma_wait3A_77 = tpu.memref_squeeze %dma_wait3A_76 : memref<1x1x128xi32, #tpu.memory_space<hbm>> -> memref<128xi32, #tpu.memory_space<hbm>>
      tpu.wait_dma2 semaphore(%arg16 : memref<!tpu.dma_semaphore, #tpu.memory_space<semaphore_mem>>) src(%dma_wait3A_77 : memref<128xi32, #tpu.memory_space<hbm>>) dst(%arg9 : memref<128xi32, #tpu.memory_space<vmem>>)
      %dma_start3A_78 = arith.constant 1 : i32
      %dma_start3A_79 = arith.constant 0 : i32
      %dma_start3A_80 = arith.constant 0 : i32
      %dma_start3A_81 = tpu.memref_slice %arg11[%dma_start3A_78, %dma_start3A_79, %dma_start3A_80] : memref<2x128x128xf32, #tpu.memory_space<vmem>> -> memref<1x128x128xf32, #tpu.memory_space<vmem>>
      %dma_start3A_82 = tpu.memref_squeeze %dma_start3A_81 : memref<1x128x128xf32, #tpu.memory_space<vmem>> -> memref<128x128xf32, #tpu.memory_space<vmem>>
      %dma_start3A_83 = arith.constant 0 : i32
      %dma_start3A_84 = arith.constant 0 : i32
      %dma_start3A_85 = tpu.memref_slice %arg2[%dma_start3A_83, %dma_start3A_84] : memref<10000x128xf32, #tpu.memory_space<hbm>> -> memref<10000x128xf32, #tpu.memory_space<hbm>>
      tpu.enqueue_indirect_dma source(%dma_start3A_85 : memref<10000x128xf32, #tpu.memory_space<hbm>>) target(%dma_start3A_82 : memref<128x128xf32, #tpu.memory_space<vmem>>) offsets(%arg9 : memref<128xi32, #tpu.memory_space<vmem>>) semaphore(%arg14 : memref<!tpu.dma_semaphore, #tpu.memory_space<semaphore_mem>>)
      %dma_wait3A_86 = arith.constant 0 : i32
      %dma_wait3A_87 = arith.constant 0 : i32
      %dma_wait3A_88 = arith.constant 0 : i32
      %dma_wait3A_89 = tpu.memref_slice %arg11[%dma_wait3A_86, %dma_wait3A_87, %dma_wait3A_88] : memref<2x128x128xf32, #tpu.memory_space<vmem>> -> memref<1x128x128xf32, #tpu.memory_space<vmem>>
      %dma_wait3A_90 = tpu.memref_squeeze %dma_wait3A_89 : memref<1x128x128xf32, #tpu.memory_space<vmem>> -> memref<128x128xf32, #tpu.memory_space<vmem>>
      %dma_wait3A_91 = arith.constant 0 : i32
      %dma_wait3A_92 = arith.constant 0 : i32
      %dma_wait3A_93 = tpu.memref_slice %arg2[%dma_wait3A_91, %dma_wait3A_92] : memref<10000x128xf32, #tpu.memory_space<hbm>> -> memref<10000x128xf32, #tpu.memory_space<hbm>>
      tpu.wait_indirect_dma semaphore(%arg13 : memref<!tpu.dma_semaphore, #tpu.memory_space<semaphore_mem>>) src(%dma_wait3A_93 : memref<10000x128xf32, #tpu.memory_space<hbm>>) dst(%dma_wait3A_90 : memref<128x128xf32, #tpu.memory_space<vmem>>)
      %add3A_94 = arith.constant 2 : i32
      %add3A_95 = arith.addi %mul3A_70, %add3A_94 : i32
      %lt3A = arith.cmpi slt, %add3A_95, %select_n3A : i32
      %convert_element_type3A_96 = arith.extui %lt3A : i1 to i32
      %cond3A_97 = arith.constant 0 : i32
      %cond3A_98 = arith.cmpi ne, %convert_element_type3A_96, %cond3A_97 : i32
      scf.if %cond3A_98 {
        %add3A_122 = arith.constant 2 : i32
        %add3A_123 = arith.addi %mul3A_70, %add3A_122 : i32
        %dma_start3A_124 = arith.constant 0 : i32
        %dma_start3A_125 = tpu.memref_slice %arg3[%add3A, %add3A_123, %dma_start3A_124] : memref<32x124x128xi32, #tpu.memory_space<hbm>> -> memref<1x1x128xi32, #tpu.memory_space<hbm>>
        %dma_start3A_126 = tpu.memref_squeeze %dma_start3A_125 : memref<1x1x128xi32, #tpu.memory_space<hbm>> -> memref<128xi32, #tpu.memory_space<hbm>>
        %dma_start3A_127 = arith.constant 0 : i32
        %dma_start3A_128 = tpu.memref_slice %arg3[%add3A, %add3A_123, %dma_start3A_127] : memref<32x124x128xi32, #tpu.memory_space<hbm>> -> memref<1x1x128xi32, #tpu.memory_space<hbm>>
        %dma_start3A_129 = tpu.memref_squeeze %dma_start3A_128 : memref<1x1x128xi32, #tpu.memory_space<hbm>> -> memref<128xi32, #tpu.memory_space<hbm>>
        tpu.enqueue_dma source(%dma_start3A_129 : memref<128xi32, #tpu.memory_space<hbm>>) target(%arg8 : memref<128xi32, #tpu.memory_space<vmem>>) target_semaphore(%arg15 : memref<!tpu.dma_semaphore, #tpu.memory_space<semaphore_mem>>)
      } else {
      }
      %run_scoped3A = arith.constant 0 : i32
      "tpu.region"() ({
        %run_scoped3A_122 = tpu.sem_alloc : memref<!tpu.dma_semaphore, #tpu.memory_space<semaphore_mem>>
        %dma_start3A_123 = arith.constant 0 : i32
        %dma_start3A_124 = arith.constant 0 : i32
        %dma_start3A_125 = tpu.memref_slice %arg11[%run_scoped3A, %dma_start3A_123, %dma_start3A_124] : memref<2x128x128xf32, #tpu.memory_space<vmem>> -> memref<1x128x128xf32, #tpu.memory_space<vmem>>
        %dma_start3A_126 = tpu.memref_squeeze %dma_start3A_125 : memref<1x128x128xf32, #tpu.memory_space<vmem>> -> memref<128x128xf32, #tpu.memory_space<vmem>>
        %dma_start3A_127 = arith.constant 0 : i32
        %dma_start3A_128 = tpu.memref_slice %arg10[%mul3A_70, %dma_start3A_127] : memref<124x128xi32, #tpu.memory_space<vmem>> -> memref<1x128xi32, #tpu.memory_space<vmem>>
        %dma_start3A_129 = tpu.memref_squeeze %dma_start3A_128 : memref<1x128xi32, #tpu.memory_space<vmem>> -> memref<128xi32, #tpu.memory_space<vmem>>
        %dma_start3A_130 = arith.constant 0 : i32
        %dma_start3A_131 = arith.constant 0 : i32
        %dma_start3A_132 = tpu.memref_slice %arg12[%dma_start3A_130, %dma_start3A_131] : memref<10112x128xf32, #tpu.memory_space<vmem_shared>> -> memref<10112x128xf32, #tpu.memory_space<vmem_shared>>
        tpu.enqueue_indirect_dma source(%dma_start3A_126 : memref<128x128xf32, #tpu.memory_space<vmem>>) target(%dma_start3A_132 : memref<10112x128xf32, #tpu.memory_space<vmem_shared>>) offsets(%dma_start3A_129 : memref<128xi32, #tpu.memory_space<vmem>>) semaphore(%run_scoped3A_122 : memref<!tpu.dma_semaphore, #tpu.memory_space<semaphore_mem>>) {add = true}
        %dma_wait3A_133 = arith.constant 0 : i32
        %dma_wait3A_134 = arith.constant 0 : i32
        %dma_wait3A_135 = tpu.memref_slice %arg11[%run_scoped3A, %dma_wait3A_133, %dma_wait3A_134] : memref<2x128x128xf32, #tpu.memory_space<vmem>> -> memref<1x128x128xf32, #tpu.memory_space<vmem>>
        %dma_wait3A_136 = tpu.memref_squeeze %dma_wait3A_135 : memref<1x128x128xf32, #tpu.memory_space<vmem>> -> memref<128x128xf32, #tpu.memory_space<vmem>>
        %dma_wait3A_137 = arith.constant 0 : i32
        %dma_wait3A_138 = tpu.memref_slice %arg10[%mul3A_70, %dma_wait3A_137] : memref<124x128xi32, #tpu.memory_space<vmem>> -> memref<1x128xi32, #tpu.memory_space<vmem>>
        %dma_wait3A_139 = tpu.memref_squeeze %dma_wait3A_138 : memref<1x128xi32, #tpu.memory_space<vmem>> -> memref<128xi32, #tpu.memory_space<vmem>>
        %dma_wait3A_140 = arith.constant 0 : i32
        %dma_wait3A_141 = arith.constant 0 : i32
        %dma_wait3A_142 = tpu.memref_slice %arg12[%dma_wait3A_140, %dma_wait3A_141] : memref<10112x128xf32, #tpu.memory_space<vmem_shared>> -> memref<10112x128xf32, #tpu.memory_space<vmem_shared>>
        tpu.wait_indirect_dma semaphore(%run_scoped3A_122 : memref<!tpu.dma_semaphore, #tpu.memory_space<semaphore_mem>>) src(%dma_wait3A_136 : memref<128x128xf32, #tpu.memory_space<vmem>>) dst(%dma_wait3A_142 : memref<10112x128xf32, #tpu.memory_space<vmem_shared>>)
        tpu.yield
      }) : () -> ()
      %add3A_99 = arith.constant 2 : i32
      %add3A_100 = arith.addi %mul3A_70, %add3A_99 : i32
      %lt3A_101 = arith.cmpi slt, %add3A_100, %select_n3A : i32
      %convert_element_type3A_102 = arith.extui %lt3A_101 : i1 to i32
      %cond3A_103 = arith.constant 0 : i32
      %cond3A_104 = arith.cmpi ne, %convert_element_type3A_102, %cond3A_103 : i32
      scf.if %cond3A_104 {
        %dma_wait3A_122 = arith.constant 0 : i32
        %dma_wait3A_123 = arith.constant 0 : i32
        %dma_wait3A_124 = tpu.memref_slice %arg3[%add3A, %dma_wait3A_122, %dma_wait3A_123] : memref<32x124x128xi32, #tpu.memory_space<hbm>> -> memref<1x1x128xi32, #tpu.memory_space<hbm>>
        %dma_wait3A_125 = tpu.memref_squeeze %dma_wait3A_124 : memref<1x1x128xi32, #tpu.memory_space<hbm>> -> memref<128xi32, #tpu.memory_space<hbm>>
        %dma_wait3A_126 = arith.constant 0 : i32
        %dma_wait3A_127 = tpu.memref_slice %arg3[%add3A, %dma_wait3A_122, %dma_wait3A_126] : memref<32x124x128xi32, #tpu.memory_space<hbm>> -> memref<1x1x128xi32, #tpu.memory_space<hbm>>
        %dma_wait3A_128 = tpu.memref_squeeze %dma_wait3A_127 : memref<1x1x128xi32, #tpu.memory_space<hbm>> -> memref<128xi32, #tpu.memory_space<hbm>>
        tpu.wait_dma2 semaphore(%arg15 : memref<!tpu.dma_semaphore, #tpu.memory_space<semaphore_mem>>) src(%dma_wait3A_128 : memref<128xi32, #tpu.memory_space<hbm>>) dst(%arg8 : memref<128xi32, #tpu.memory_space<vmem>>)
        %dma_start3A_129 = arith.constant 0 : i32
        %dma_start3A_130 = arith.constant 0 : i32
        %dma_start3A_131 = arith.constant 0 : i32
        %dma_start3A_132 = tpu.memref_slice %arg11[%dma_start3A_129, %dma_start3A_130, %dma_start3A_131] : memref<2x128x128xf32, #tpu.memory_space<vmem>> -> memref<1x128x128xf32, #tpu.memory_space<vmem>>
        %dma_start3A_133 = tpu.memref_squeeze %dma_start3A_132 : memref<1x128x128xf32, #tpu.memory_space<vmem>> -> memref<128x128xf32, #tpu.memory_space<vmem>>
        %dma_start3A_134 = arith.constant 0 : i32
        %dma_start3A_135 = arith.constant 0 : i32
        %dma_start3A_136 = tpu.memref_slice %arg2[%dma_start3A_134, %dma_start3A_135] : memref<10000x128xf32, #tpu.memory_space<hbm>> -> memref<10000x128xf32, #tpu.memory_space<hbm>>
        tpu.enqueue_indirect_dma source(%dma_start3A_136 : memref<10000x128xf32, #tpu.memory_space<hbm>>) target(%dma_start3A_133 : memref<128x128xf32, #tpu.memory_space<vmem>>) offsets(%arg8 : memref<128xi32, #tpu.memory_space<vmem>>) semaphore(%arg13 : memref<!tpu.dma_semaphore, #tpu.memory_space<semaphore_mem>>)
      } else {
      }
      %dma_wait3A_105 = arith.constant 1 : i32
      %dma_wait3A_106 = arith.constant 0 : i32
      %dma_wait3A_107 = arith.constant 0 : i32
      %dma_wait3A_108 = tpu.memref_slice %arg11[%dma_wait3A_105, %dma_wait3A_106, %dma_wait3A_107] : memref<2x128x128xf32, #tpu.memory_space<vmem>> -> memref<1x128x128xf32, #tpu.memory_space<vmem>>
      %dma_wait3A_109 = tpu.memref_squeeze %dma_wait3A_108 : memref<1x128x128xf32, #tpu.memory_space<vmem>> -> memref<128x128xf32, #tpu.memory_space<vmem>>
      %dma_wait3A_110 = arith.constant 0 : i32
      %dma_wait3A_111 = arith.constant 0 : i32
      %dma_wait3A_112 = tpu.memref_slice %arg2[%dma_wait3A_110, %dma_wait3A_111] : memref<10000x128xf32, #tpu.memory_space<hbm>> -> memref<10000x128xf32, #tpu.memory_space<hbm>>
      tpu.wait_indirect_dma semaphore(%arg14 : memref<!tpu.dma_semaphore, #tpu.memory_space<semaphore_mem>>) src(%dma_wait3A_112 : memref<10000x128xf32, #tpu.memory_space<hbm>>) dst(%dma_wait3A_109 : memref<128x128xf32, #tpu.memory_space<vmem>>)
      %add3A_113 = arith.constant 3 : i32
      %add3A_114 = arith.addi %mul3A_70, %add3A_113 : i32
      %lt3A_115 = arith.cmpi slt, %add3A_114, %select_n3A : i32
      %convert_element_type3A_116 = arith.extui %lt3A_115 : i1 to i32
      %cond3A_117 = arith.constant 0 : i32
      %cond3A_118 = arith.cmpi ne, %convert_element_type3A_116, %cond3A_117 : i32
      scf.if %cond3A_118 {
        %add3A_122 = arith.constant 3 : i32
        %add3A_123 = arith.addi %mul3A_70, %add3A_122 : i32
        %dma_start3A_124 = arith.constant 0 : i32
        %dma_start3A_125 = tpu.memref_slice %arg3[%add3A, %add3A_123, %dma_start3A_124] : memref<32x124x128xi32, #tpu.memory_space<hbm>> -> memref<1x1x128xi32, #tpu.memory_space<hbm>>
        %dma_start3A_126 = tpu.memref_squeeze %dma_start3A_125 : memref<1x1x128xi32, #tpu.memory_space<hbm>> -> memref<128xi32, #tpu.memory_space<hbm>>
        %dma_start3A_127 = arith.constant 0 : i32
        %dma_start3A_128 = tpu.memref_slice %arg3[%add3A, %add3A_123, %dma_start3A_127] : memref<32x124x128xi32, #tpu.memory_space<hbm>> -> memref<1x1x128xi32, #tpu.memory_space<hbm>>
        %dma_start3A_129 = tpu.memref_squeeze %dma_start3A_128 : memref<1x1x128xi32, #tpu.memory_space<hbm>> -> memref<128xi32, #tpu.memory_space<hbm>>
        tpu.enqueue_dma source(%dma_start3A_129 : memref<128xi32, #tpu.memory_space<hbm>>) target(%arg9 : memref<128xi32, #tpu.memory_space<vmem>>) target_semaphore(%arg16 : memref<!tpu.dma_semaphore, #tpu.memory_space<semaphore_mem>>)
      } else {
      }
      %add3A_119 = arith.constant 1 : i32
      %add3A_120 = arith.addi %mul3A_70, %add3A_119 : i32
      %run_scoped3A_121 = arith.constant 1 : i32
      "tpu.region"() ({
        %run_scoped3A_122 = tpu.sem_alloc : memref<!tpu.dma_semaphore, #tpu.memory_space<semaphore_mem>>
        %dma_start3A_123 = arith.constant 0 : i32
        %dma_start3A_124 = arith.constant 0 : i32
        %dma_start3A_125 = tpu.memref_slice %arg11[%run_scoped3A_121, %dma_start3A_123, %dma_start3A_124] : memref<2x128x128xf32, #tpu.memory_space<vmem>> -> memref<1x128x128xf32, #tpu.memory_space<vmem>>
        %dma_start3A_126 = tpu.memref_squeeze %dma_start3A_125 : memref<1x128x128xf32, #tpu.memory_space<vmem>> -> memref<128x128xf32, #tpu.memory_space<vmem>>
        %dma_start3A_127 = arith.constant 0 : i32
        %dma_start3A_128 = tpu.memref_slice %arg10[%add3A_120, %dma_start3A_127] : memref<124x128xi32, #tpu.memory_space<vmem>> -> memref<1x128xi32, #tpu.memory_space<vmem>>
        %dma_start3A_129 = tpu.memref_squeeze %dma_start3A_128 : memref<1x128xi32, #tpu.memory_space<vmem>> -> memref<128xi32, #tpu.memory_space<vmem>>
        %dma_start3A_130 = arith.constant 0 : i32
        %dma_start3A_131 = arith.constant 0 : i32
        %dma_start3A_132 = tpu.memref_slice %arg12[%dma_start3A_130, %dma_start3A_131] : memref<10112x128xf32, #tpu.memory_space<vmem_shared>> -> memref<10112x128xf32, #tpu.memory_space<vmem_shared>>
        tpu.enqueue_indirect_dma source(%dma_start3A_126 : memref<128x128xf32, #tpu.memory_space<vmem>>) target(%dma_start3A_132 : memref<10112x128xf32, #tpu.memory_space<vmem_shared>>) offsets(%dma_start3A_129 : memref<128xi32, #tpu.memory_space<vmem>>) semaphore(%run_scoped3A_122 : memref<!tpu.dma_semaphore, #tpu.memory_space<semaphore_mem>>) {add = true}
        %dma_wait3A_133 = arith.constant 0 : i32
        %dma_wait3A_134 = arith.constant 0 : i32
        %dma_wait3A_135 = tpu.memref_slice %arg11[%run_scoped3A_121, %dma_wait3A_133, %dma_wait3A_134] : memref<2x128x128xf32, #tpu.memory_space<vmem>> -> memref<1x128x128xf32, #tpu.memory_space<vmem>>
        %dma_wait3A_136 = tpu.memref_squeeze %dma_wait3A_135 : memref<1x128x128xf32, #tpu.memory_space<vmem>> -> memref<128x128xf32, #tpu.memory_space<vmem>>
        %dma_wait3A_137 = arith.constant 0 : i32
        %dma_wait3A_138 = tpu.memref_slice %arg10[%add3A_120, %dma_wait3A_137] : memref<124x128xi32, #tpu.memory_space<vmem>> -> memref<1x128xi32, #tpu.memory_space<vmem>>
        %dma_wait3A_139 = tpu.memref_squeeze %dma_wait3A_138 : memref<1x128xi32, #tpu.memory_space<vmem>> -> memref<128xi32, #tpu.memory_space<vmem>>
        %dma_wait3A_140 = arith.constant 0 : i32
        %dma_wait3A_141 = arith.constant 0 : i32
        %dma_wait3A_142 = tpu.memref_slice %arg12[%dma_wait3A_140, %dma_wait3A_141] : memref<10112x128xf32, #tpu.memory_space<vmem_shared>> -> memref<10112x128xf32, #tpu.memory_space<vmem_shared>>
        tpu.wait_indirect_dma semaphore(%run_scoped3A_122 : memref<!tpu.dma_semaphore, #tpu.memory_space<semaphore_mem>>) src(%dma_wait3A_136 : memref<128x128xf32, #tpu.memory_space<vmem>>) dst(%dma_wait3A_142 : memref<10112x128xf32, #tpu.memory_space<vmem_shared>>)
        tpu.yield
      }) : () -> ()
    }
    %barrier3A_59 = arith.constant 0 : index
    tpu.barrier barrier_id(%barrier3A_59)
    %eq3A_60 = arith.constant 0 : i32
    %eq3A_61 = arith.cmpi eq, %arg0, %eq3A_60 : i32
    %convert_element_type3A = arith.extui %eq3A_61 : i1 to i32
    %cond3A = arith.constant 0 : i32
    %cond3A_62 = arith.cmpi ne, %convert_element_type3A, %cond3A : i32
    scf.if %cond3A_62 {
      "tpu.region"() ({
        %run_scoped3A = tpu.sem_alloc : memref<!tpu.dma_semaphore, #tpu.memory_space<semaphore_mem>>
        %dma_start3A_68 = arith.constant 0 : i32
        %dma_start3A_69 = tpu.memref_slice %arg6[%mul3A_2, %dma_start3A_68] : memref<10112x128xf32, #tpu.memory_space<hbm>> -> memref<632x128xf32, #tpu.memory_space<hbm>>
        %dma_start3A_70 = arith.constant 0 : i32
        %dma_start3A_71 = tpu.memref_slice %arg12[%mul3A_2, %dma_start3A_70] : memref<10112x128xf32, #tpu.memory_space<vmem_shared>> -> memref<632x128xf32, #tpu.memory_space<vmem_shared>>
        tpu.enqueue_dma source(%dma_start3A_71 : memref<632x128xf32, #tpu.memory_space<vmem_shared>>) target(%dma_start3A_69 : memref<632x128xf32, #tpu.memory_space<hbm>>) target_semaphore(%run_scoped3A : memref<!tpu.dma_semaphore, #tpu.memory_space<semaphore_mem>>)
        %dma_wait3A_72 = arith.constant 0 : i32
        %dma_wait3A_73 = tpu.memref_slice %arg6[%mul3A_2, %dma_wait3A_72] : memref<10112x128xf32, #tpu.memory_space<hbm>> -> memref<632x128xf32, #tpu.memory_space<hbm>>
        %dma_wait3A_74 = arith.constant 0 : i32
        %dma_wait3A_75 = tpu.memref_slice %arg12[%mul3A_2, %dma_wait3A_74] : memref<10112x128xf32, #tpu.memory_space<vmem_shared>> -> memref<632x128xf32, #tpu.memory_space<vmem_shared>>
        tpu.wait_dma2 semaphore(%run_scoped3A : memref<!tpu.dma_semaphore, #tpu.memory_space<semaphore_mem>>) src(%dma_wait3A_75 : memref<632x128xf32, #tpu.memory_space<vmem_shared>>) dst(%dma_wait3A_73 : memref<632x128xf32, #tpu.memory_space<hbm>>)
        tpu.yield
      }) : () -> ()
    } else {
    }
    %eq3A_63 = arith.constant 1 : i32
    %eq3A_64 = arith.cmpi eq, %arg0, %eq3A_63 : i32
    %convert_element_type3A_65 = arith.extui %eq3A_64 : i1 to i32
    %cond3A_66 = arith.constant 0 : i32
    %cond3A_67 = arith.cmpi ne, %convert_element_type3A_65, %cond3A_66 : i32
    scf.if %cond3A_67 {
      "tpu.region"() ({
        %run_scoped3A = tpu.sem_alloc : memref<!tpu.dma_semaphore, #tpu.memory_space<semaphore_mem>>
        %dma_start3A_68 = arith.constant 0 : i32
        %dma_start3A_69 = tpu.memref_slice %arg7[%mul3A_2, %dma_start3A_68] : memref<10112x128xf32, #tpu.memory_space<hbm>> -> memref<632x128xf32, #tpu.memory_space<hbm>>
        %dma_start3A_70 = arith.constant 0 : i32
        %dma_start3A_71 = tpu.memref_slice %arg12[%mul3A_2, %dma_start3A_70] : memref<10112x128xf32, #tpu.memory_space<vmem_shared>> -> memref<632x128xf32, #tpu.memory_space<vmem_shared>>
        tpu.enqueue_dma source(%dma_start3A_71 : memref<632x128xf32, #tpu.memory_space<vmem_shared>>) target(%dma_start3A_69 : memref<632x128xf32, #tpu.memory_space<hbm>>) target_semaphore(%run_scoped3A : memref<!tpu.dma_semaphore, #tpu.memory_space<semaphore_mem>>)
        %dma_wait3A_72 = arith.constant 0 : i32
        %dma_wait3A_73 = tpu.memref_slice %arg7[%mul3A_2, %dma_wait3A_72] : memref<10112x128xf32, #tpu.memory_space<hbm>> -> memref<632x128xf32, #tpu.memory_space<hbm>>
        %dma_wait3A_74 = arith.constant 0 : i32
        %dma_wait3A_75 = tpu.memref_slice %arg12[%mul3A_2, %dma_wait3A_74] : memref<10112x128xf32, #tpu.memory_space<vmem_shared>> -> memref<632x128xf32, #tpu.memory_space<vmem_shared>>
        tpu.wait_dma2 semaphore(%run_scoped3A : memref<!tpu.dma_semaphore, #tpu.memory_space<semaphore_mem>>) src(%dma_wait3A_75 : memref<632x128xf32, #tpu.memory_space<vmem_shared>>) dst(%dma_wait3A_73 : memref<632x128xf32, #tpu.memory_space<hbm>>)
        tpu.yield
      }) : () -> ()
    } else {
    }
    return
  }
}

#map = affine_map<(d0, d1) -> (0, 0)>
#map1 = affine_map<(d0, d1) -> (0, 0, 0)>
module attributes {stable_mosaic.version = 14 : i64} {
  func.func @body(%arg0: i32, %arg1: i32, %arg2: memref<10000x128xf32, #tpu.memory_space<hbm>>, %arg3: memref<32x124x128xi32, #tpu.memory_space<hbm>>, %arg4: memref<32x124x128xi32, #tpu.memory_space<hbm>>, %arg5: memref<632x128xf32, #tpu.memory_space<hbm>>, %arg6: memref<10112x128xf32, #tpu.memory_space<hbm>>, %arg7: memref<10112x128xf32, #tpu.memory_space<hbm>>, %arg8: memref<128xi32, #tpu.memory_space<vmem>>, %arg9: memref<128xi32, #tpu.memory_space<vmem>>, %arg10: memref<124x128xi32, #tpu.memory_space<vmem>>, %arg11: memref<2x128x128xf32, #tpu.memory_space<vmem>>, %arg12: memref<10112x128xf32, #tpu.memory_space<vmem_shared>>, %arg13: memref<!tpu.dma_semaphore, #tpu.memory_space<semaphore_mem>>, %arg14: memref<!tpu.dma_semaphore, #tpu.memory_space<semaphore_mem>>, %arg15: memref<!tpu.dma_semaphore, #tpu.memory_space<semaphore_mem>>, %arg16: memref<!tpu.dma_semaphore, #tpu.memory_space<semaphore_mem>>) attributes {dimension_semantics = [#tpu.dimension_semantics<core_parallel>, #tpu.dimension_semantics<subcore_parallel>], iteration_bounds = array<i64: 2, 16>, scalar_prefetch = 0 : i64, scratch_operands = 9 : i64, tpu.core_type = #tpu.core_type<sc_vector_subcore>, window_params = [{transform_indices = #map}, {transform_indices = #map1}, {transform_indices = #map1}, {transform_indices = #map}, {transform_indices = #map}, {transform_indices = #map}]} {
    %mul3A = arith.constant 16 : i32
    %mul3A_0 = arith.muli %arg0, %mul3A : i32
    %add3A = arith.addi %mul3A_0, %arg1 : i32
    %mul3A_1 = arith.constant 632 : i32
    %mul3A_2 = arith.muli %arg1, %mul3A_1 : i32
    %eq3A = arith.constant 0 : i32
    %eq3A_3 = arith.cmpi eq, %arg0, %eq3A : i32
    %jit3A = arith.constant 124 : i32
    %jit3A_4 = arith.constant 34 : i32
    %select_n3A = arith.select %eq3A_3, %jit3A, %jit3A_4 : i32
    "tpu.region"() ({
      %run_scoped3A = tpu.sem_alloc : memref<!tpu.dma_semaphore, #tpu.memory_space<semaphore_mem>>
      %dma_start3A_68 = arith.constant 0 : i32
      %dma_start3A_69 = arith.constant 0 : i32
      %dma_start3A_70 = tpu.memref_slice %arg4[%add3A, %dma_start3A_68, %dma_start3A_69] : memref<32x124x128xi32, #tpu.memory_space<hbm>> -> memref<1x124x128xi32, #tpu.memory_space<hbm>>
      %dma_start3A_71 = tpu.memref_squeeze %dma_start3A_70 : memref<1x124x128xi32, #tpu.memory_space<hbm>> -> memref<124x128xi32, #tpu.memory_space<hbm>>
      %dma_start3A_72 = arith.constant 0 : i32
      %dma_start3A_73 = arith.constant 0 : i32
      %dma_start3A_74 = tpu.memref_slice %arg4[%add3A, %dma_start3A_72, %dma_start3A_73] : memref<32x124x128xi32, #tpu.memory_space<hbm>> -> memref<1x124x128xi32, #tpu.memory_space<hbm>>
      %dma_start3A_75 = tpu.memref_squeeze %dma_start3A_74 : memref<1x124x128xi32, #tpu.memory_space<hbm>> -> memref<124x128xi32, #tpu.memory_space<hbm>>
      tpu.enqueue_dma source(%dma_start3A_75 : memref<124x128xi32, #tpu.memory_space<hbm>>) target(%arg10 : memref<124x128xi32, #tpu.memory_space<vmem>>) target_semaphore(%run_scoped3A : memref<!tpu.dma_semaphore, #tpu.memory_space<semaphore_mem>>)
      %dma_wait3A_76 = arith.constant 0 : i32
      %dma_wait3A_77 = arith.constant 0 : i32
      %dma_wait3A_78 = tpu.memref_slice %arg4[%add3A, %dma_wait3A_76, %dma_wait3A_77] : memref<32x124x128xi32, #tpu.memory_space<hbm>> -> memref<1x124x128xi32, #tpu.memory_space<hbm>>
      %dma_wait3A_79 = tpu.memref_squeeze %dma_wait3A_78 : memref<1x124x128xi32, #tpu.memory_space<hbm>> -> memref<124x128xi32, #tpu.memory_space<hbm>>
      %dma_wait3A_80 = arith.constant 0 : i32
      %dma_wait3A_81 = arith.constant 0 : i32
      %dma_wait3A_82 = tpu.memref_slice %arg4[%add3A, %dma_wait3A_80, %dma_wait3A_81] : memref<32x124x128xi32, #tpu.memory_space<hbm>> -> memref<1x124x128xi32, #tpu.memory_space<hbm>>
      %dma_wait3A_83 = tpu.memref_squeeze %dma_wait3A_82 : memref<1x124x128xi32, #tpu.memory_space<hbm>> -> memref<124x128xi32, #tpu.memory_space<hbm>>
      tpu.wait_dma2 semaphore(%run_scoped3A : memref<!tpu.dma_semaphore, #tpu.memory_space<semaphore_mem>>) src(%dma_wait3A_83 : memref<124x128xi32, #tpu.memory_space<hbm>>) dst(%arg10 : memref<124x128xi32, #tpu.memory_space<vmem>>)
      tpu.yield
    }) : () -> ()
    "tpu.region"() ({
      %run_scoped3A = tpu.sem_alloc : memref<!tpu.dma_semaphore, #tpu.memory_space<semaphore_mem>>
      %dma_start3A_68 = arith.constant 0 : i32
      %dma_start3A_69 = tpu.memref_slice %arg12[%mul3A_2, %dma_start3A_68] : memref<10112x128xf32, #tpu.memory_space<vmem_shared>> -> memref<632x128xf32, #tpu.memory_space<vmem_shared>>
      tpu.enqueue_dma source(%arg5 : memref<632x128xf32, #tpu.memory_space<hbm>>) target(%dma_start3A_69 : memref<632x128xf32, #tpu.memory_space<vmem_shared>>) target_semaphore(%run_scoped3A : memref<!tpu.dma_semaphore, #tpu.memory_space<semaphore_mem>>)
      %dma_wait3A_70 = arith.constant 0 : i32
      %dma_wait3A_71 = tpu.memref_slice %arg12[%mul3A_2, %dma_wait3A_70] : memref<10112x128xf32, #tpu.memory_space<vmem_shared>> -> memref<632x128xf32, #tpu.memory_space<vmem_shared>>
      tpu.wait_dma2 semaphore(%run_scoped3A : memref<!tpu.dma_semaphore, #tpu.memory_space<semaphore_mem>>) src(%arg5 : memref<632x128xf32, #tpu.memory_space<hbm>>) dst(%dma_wait3A_71 : memref<632x128xf32, #tpu.memory_space<vmem_shared>>)
      tpu.yield
    }) : () -> ()
    %dma_start3A = arith.constant 0 : i32
    %dma_start3A_5 = arith.constant 0 : i32
    %dma_start3A_6 = tpu.memref_slice %arg3[%add3A, %dma_start3A, %dma_start3A_5] : memref<32x124x128xi32, #tpu.memory_space<hbm>> -> memref<1x1x128xi32, #tpu.memory_space<hbm>>
    %dma_start3A_7 = tpu.memref_squeeze %dma_start3A_6 : memref<1x1x128xi32, #tpu.memory_space<hbm>> -> memref<128xi32, #tpu.memory_space<hbm>>
    %dma_start3A_8 = arith.constant 0 : i32
    %dma_start3A_9 = tpu.memref_slice %arg3[%add3A, %dma_start3A, %dma_start3A_8] : memref<32x124x128xi32, #tpu.memory_space<hbm>> -> memref<1x1x128xi32, #tpu.memory_space<hbm>>
    %dma_start3A_10 = tpu.memref_squeeze %dma_start3A_9 : memref<1x1x128xi32, #tpu.memory_space<hbm>> -> memref<128xi32, #tpu.memory_space<hbm>>
    tpu.enqueue_dma source(%dma_start3A_10 : memref<128xi32, #tpu.memory_space<hbm>>) target(%arg8 : memref<128xi32, #tpu.memory_space<vmem>>) target_semaphore(%arg15 : memref<!tpu.dma_semaphore, #tpu.memory_space<semaphore_mem>>)
    %dma_start3A_11 = arith.constant 1 : i32
    %dma_start3A_12 = arith.constant 0 : i32
    %dma_start3A_13 = tpu.memref_slice %arg3[%add3A, %dma_start3A_11, %dma_start3A_12] : memref<32x124x128xi32, #tpu.memory_space<hbm>> -> memref<1x1x128xi32, #tpu.memory_space<hbm>>
    %dma_start3A_14 = tpu.memref_squeeze %dma_start3A_13 : memref<1x1x128xi32, #tpu.memory_space<hbm>> -> memref<128xi32, #tpu.memory_space<hbm>>
    %dma_start3A_15 = arith.constant 0 : i32
    %dma_start3A_16 = tpu.memref_slice %arg3[%add3A, %dma_start3A_11, %dma_start3A_15] : memref<32x124x128xi32, #tpu.memory_space<hbm>> -> memref<1x1x128xi32, #tpu.memory_space<hbm>>
    %dma_start3A_17 = tpu.memref_squeeze %dma_start3A_16 : memref<1x1x128xi32, #tpu.memory_space<hbm>> -> memref<128xi32, #tpu.memory_space<hbm>>
    tpu.enqueue_dma source(%dma_start3A_17 : memref<128xi32, #tpu.memory_space<hbm>>) target(%arg9 : memref<128xi32, #tpu.memory_space<vmem>>) target_semaphore(%arg16 : memref<!tpu.dma_semaphore, #tpu.memory_space<semaphore_mem>>)
    %dma_wait3A = arith.constant 0 : i32
    %dma_wait3A_18 = arith.constant 0 : i32
    %dma_wait3A_19 = tpu.memref_slice %arg3[%add3A, %dma_wait3A, %dma_wait3A_18] : memref<32x124x128xi32, #tpu.memory_space<hbm>> -> memref<1x1x128xi32, #tpu.memory_space<hbm>>
    %dma_wait3A_20 = tpu.memref_squeeze %dma_wait3A_19 : memref<1x1x128xi32, #tpu.memory_space<hbm>> -> memref<128xi32, #tpu.memory_space<hbm>>
    %dma_wait3A_21 = arith.constant 0 : i32
    %dma_wait3A_22 = tpu.memref_slice %arg3[%add3A, %dma_wait3A, %dma_wait3A_21] : memref<32x124x128xi32, #tpu.memory_space<hbm>> -> memref<1x1x128xi32, #tpu.memory_space<hbm>>
    %dma_wait3A_23 = tpu.memref_squeeze %dma_wait3A_22 : memref<1x1x128xi32, #tpu.memory_space<hbm>> -> memref<128xi32, #tpu.memory_space<hbm>>
    tpu.wait_dma2 semaphore(%arg15 : memref<!tpu.dma_semaphore, #tpu.memory_space<semaphore_mem>>) src(%dma_wait3A_23 : memref<128xi32, #tpu.memory_space<hbm>>) dst(%arg8 : memref<128xi32, #tpu.memory_space<vmem>>)
    %dma_start3A_24 = arith.constant 0 : i32
    %dma_start3A_25 = arith.constant 0 : i32
    %dma_start3A_26 = arith.constant 0 : i32
    %dma_start3A_27 = tpu.memref_slice %arg11[%dma_start3A_24, %dma_start3A_25, %dma_start3A_26] : memref<2x128x128xf32, #tpu.memory_space<vmem>> -> memref<1x128x128xf32, #tpu.memory_space<vmem>>
    %dma_start3A_28 = tpu.memref_squeeze %dma_start3A_27 : memref<1x128x128xf32, #tpu.memory_space<vmem>> -> memref<128x128xf32, #tpu.memory_space<vmem>>
    %dma_start3A_29 = arith.constant 0 : i32
    %dma_start3A_30 = arith.constant 0 : i32
    %dma_start3A_31 = tpu.memref_slice %arg2[%dma_start3A_29, %dma_start3A_30] : memref<10000x128xf32, #tpu.memory_space<hbm>> -> memref<10000x128xf32, #tpu.memory_space<hbm>>
    tpu.enqueue_indirect_dma source(%dma_start3A_31 : memref<10000x128xf32, #tpu.memory_space<hbm>>) target(%dma_start3A_28 : memref<128x128xf32, #tpu.memory_space<vmem>>) offsets(%arg8 : memref<128xi32, #tpu.memory_space<vmem>>) semaphore(%arg13 : memref<!tpu.dma_semaphore, #tpu.memory_space<semaphore_mem>>)
    %barrier3A = arith.constant 0 : index
    tpu.barrier barrier_id(%barrier3A)
    %jit3A_32 = arith.constant 2 : i32
    %div3A = arith.divsi %select_n3A, %jit3A_32 : i32
    %sign3A = arith.constant 0 : i32
    %sign3A_33 = arith.cmpi sgt, %select_n3A, %sign3A : i32
    %sign3A_34 = arith.extui %sign3A_33 : i1 to i32
    %sign3A_35 = arith.constant 0 : i32
    %sign3A_36 = arith.cmpi slt, %select_n3A, %sign3A_35 : i32
    %sign3A_37 = arith.extui %sign3A_36 : i1 to i32
    %sign3A_38 = arith.subi %sign3A_34, %sign3A_37 : i32
    %sign3A_39 = arith.constant 0 : i32
    %sign3A_40 = arith.cmpi sgt, %jit3A_32, %sign3A_39 : i32
    %sign3A_41 = arith.extui %sign3A_40 : i1 to i32
    %sign3A_42 = arith.constant 0 : i32
    %sign3A_43 = arith.cmpi slt, %jit3A_32, %sign3A_42 : i32
    %sign3A_44 = arith.extui %sign3A_43 : i1 to i32
    %sign3A_45 = arith.subi %sign3A_41, %sign3A_44 : i32
    %ne3A = arith.cmpi ne, %sign3A_38, %sign3A_45 : i32
    %rem3A = arith.remsi %select_n3A, %jit3A_32 : i32
    %ne3A_46 = arith.constant 0 : i32
    %ne3A_47 = arith.cmpi ne, %rem3A, %ne3A_46 : i32
    %and3A = arith.andi %ne3A, %ne3A_47 : i1
    %sub3A = arith.constant 1 : i32
    %sub3A_48 = arith.subi %div3A, %sub3A : i32
    %select_n3A_49 = arith.select %and3A, %sub3A_48, %div3A : i32
    %while3A = arith.constant 0 : i32
    %while3A_50 = arith.constant 0 : i32
    %while3A_51 = arith.subi %select_n3A_49, %while3A_50 : i32
    %while3A_52 = arith.addi %while3A_50, %while3A_51 : i32
    %while3A_53 = arith.constant 1 : i32
    %while3A_54 = arith.divsi %while3A_51, %while3A_53 : i32
    %while3A_55 = arith.muli %while3A_54, %while3A_53 : i32
    %while3A_56 = arith.addi %while3A_50, %while3A_55 : i32
    %while3A_57 = arith.constant 1 : i32
    scf.for %while3A_68 = %while3A_50 to %while3A_56 step %while3A_57  : i32 {
      %mul3A_69 = arith.constant 2 : i32
      %mul3A_70 = arith.muli %mul3A_69, %while3A_68 : i32
      %dma_wait3A_71 = arith.constant 0 : i32
      %dma_wait3A_72 = arith.constant 0 : i32
      %dma_wait3A_73 = tpu.memref_slice %arg3[%add3A, %dma_wait3A_71, %dma_wait3A_72] : memref<32x124x128xi32, #tpu.memory_space<hbm>> -> memref<1x1x128xi32, #tpu.memory_space<hbm>>
      %dma_wait3A_74 = tpu.memref_squeeze %dma_wait3A_73 : memref<1x1x128xi32, #tpu.memory_space<hbm>> -> memref<128xi32, #tpu.memory_space<hbm>>
      %dma_wait3A_75 = arith.constant 0 : i32
      %dma_wait3A_76 = tpu.memref_slice %arg3[%add3A, %dma_wait3A_71, %dma_wait3A_75] : memref<32x124x128xi32, #tpu.memory_space<hbm>> -> memref<1x1x128xi32, #tpu.memory_space<hbm>>
      %dma_wait3A_77 = tpu.memref_squeeze %dma_wait3A_76 : memref<1x1x128xi32, #tpu.memory_space<hbm>> -> memref<128xi32, #tpu.memory_space<hbm>>
      tpu.wait_dma2 semaphore(%arg16 : memref<!tpu.dma_semaphore, #tpu.memory_space<semaphore_mem>>) src(%dma_wait3A_77 : memref<128xi32, #tpu.memory_space<hbm>>) dst(%arg9 : memref<128xi32, #tpu.memory_space<vmem>>)
      %dma_start3A_78 = arith.constant 1 : i32
      %dma_start3A_79 = arith.constant 0 : i32
      %dma_start3A_80 = arith.constant 0 : i32
      %dma_start3A_81 = tpu.memref_slice %arg11[%dma_start3A_78, %dma_start3A_79, %dma_start3A_80] : memref<2x128x128xf32, #tpu.memory_space<vmem>> -> memref<1x128x128xf32, #tpu.memory_space<vmem>>
      %dma_start3A_82 = tpu.memref_squeeze %dma_start3A_81 : memref<1x128x128xf32, #tpu.memory_space<vmem>> -> memref<128x128xf32, #tpu.memory_space<vmem>>
      %dma_start3A_83 = arith.constant 0 : i32
      %dma_start3A_84 = arith.constant 0 : i32
      %dma_start3A_85 = tpu.memref_slice %arg2[%dma_start3A_83, %dma_start3A_84] : memref<10000x128xf32, #tpu.memory_space<hbm>> -> memref<10000x128xf32, #tpu.memory_space<hbm>>
      tpu.enqueue_indirect_dma source(%dma_start3A_85 : memref<10000x128xf32, #tpu.memory_space<hbm>>) target(%dma_start3A_82 : memref<128x128xf32, #tpu.memory_space<vmem>>) offsets(%arg9 : memref<128xi32, #tpu.memory_space<vmem>>) semaphore(%arg14 : memref<!tpu.dma_semaphore, #tpu.memory_space<semaphore_mem>>)
      %dma_wait3A_86 = arith.constant 0 : i32
      %dma_wait3A_87 = arith.constant 0 : i32
      %dma_wait3A_88 = arith.constant 0 : i32
      %dma_wait3A_89 = tpu.memref_slice %arg11[%dma_wait3A_86, %dma_wait3A_87, %dma_wait3A_88] : memref<2x128x128xf32, #tpu.memory_space<vmem>> -> memref<1x128x128xf32, #tpu.memory_space<vmem>>
      %dma_wait3A_90 = tpu.memref_squeeze %dma_wait3A_89 : memref<1x128x128xf32, #tpu.memory_space<vmem>> -> memref<128x128xf32, #tpu.memory_space<vmem>>
      %dma_wait3A_91 = arith.constant 0 : i32
      %dma_wait3A_92 = arith.constant 0 : i32
      %dma_wait3A_93 = tpu.memref_slice %arg2[%dma_wait3A_91, %dma_wait3A_92] : memref<10000x128xf32, #tpu.memory_space<hbm>> -> memref<10000x128xf32, #tpu.memory_space<hbm>>
      tpu.wait_indirect_dma semaphore(%arg13 : memref<!tpu.dma_semaphore, #tpu.memory_space<semaphore_mem>>) src(%dma_wait3A_93 : memref<10000x128xf32, #tpu.memory_space<hbm>>) dst(%dma_wait3A_90 : memref<128x128xf32, #tpu.memory_space<vmem>>)
      %add3A_94 = arith.constant 2 : i32
      %add3A_95 = arith.addi %mul3A_70, %add3A_94 : i32
      %lt3A = arith.cmpi slt, %add3A_95, %select_n3A : i32
      %convert_element_type3A_96 = arith.extui %lt3A : i1 to i32
      %cond3A_97 = arith.constant 0 : i32
      %cond3A_98 = arith.cmpi ne, %convert_element_type3A_96, %cond3A_97 : i32
      scf.if %cond3A_98 {
        %add3A_122 = arith.constant 2 : i32
        %add3A_123 = arith.addi %mul3A_70, %add3A_122 : i32
        %dma_start3A_124 = arith.constant 0 : i32
        %dma_start3A_125 = tpu.memref_slice %arg3[%add3A, %add3A_123, %dma_start3A_124] : memref<32x124x128xi32, #tpu.memory_space<hbm>> -> memref<1x1x128xi32, #tpu.memory_space<hbm>>
        %dma_start3A_126 = tpu.memref_squeeze %dma_start3A_125 : memref<1x1x128xi32, #tpu.memory_space<hbm>> -> memref<128xi32, #tpu.memory_space<hbm>>
        %dma_start3A_127 = arith.constant 0 : i32
        %dma_start3A_128 = tpu.memref_slice %arg3[%add3A, %add3A_123, %dma_start3A_127] : memref<32x124x128xi32, #tpu.memory_space<hbm>> -> memref<1x1x128xi32, #tpu.memory_space<hbm>>
        %dma_start3A_129 = tpu.memref_squeeze %dma_start3A_128 : memref<1x1x128xi32, #tpu.memory_space<hbm>> -> memref<128xi32, #tpu.memory_space<hbm>>
        tpu.enqueue_dma source(%dma_start3A_129 : memref<128xi32, #tpu.memory_space<hbm>>) target(%arg8 : memref<128xi32, #tpu.memory_space<vmem>>) target_semaphore(%arg15 : memref<!tpu.dma_semaphore, #tpu.memory_space<semaphore_mem>>)
      } else {
      }
      %run_scoped3A = arith.constant 0 : i32
      "tpu.region"() ({
        %run_scoped3A_122 = tpu.sem_alloc : memref<!tpu.dma_semaphore, #tpu.memory_space<semaphore_mem>>
        %dma_start3A_123 = arith.constant 0 : i32
        %dma_start3A_124 = arith.constant 0 : i32
        %dma_start3A_125 = tpu.memref_slice %arg11[%run_scoped3A, %dma_start3A_123, %dma_start3A_124] : memref<2x128x128xf32, #tpu.memory_space<vmem>> -> memref<1x128x128xf32, #tpu.memory_space<vmem>>
        %dma_start3A_126 = tpu.memref_squeeze %dma_start3A_125 : memref<1x128x128xf32, #tpu.memory_space<vmem>> -> memref<128x128xf32, #tpu.memory_space<vmem>>
        %dma_start3A_127 = arith.constant 0 : i32
        %dma_start3A_128 = tpu.memref_slice %arg10[%mul3A_70, %dma_start3A_127] : memref<124x128xi32, #tpu.memory_space<vmem>> -> memref<1x128xi32, #tpu.memory_space<vmem>>
        %dma_start3A_129 = tpu.memref_squeeze %dma_start3A_128 : memref<1x128xi32, #tpu.memory_space<vmem>> -> memref<128xi32, #tpu.memory_space<vmem>>
        %dma_start3A_130 = arith.constant 0 : i32
        %dma_start3A_131 = arith.constant 0 : i32
        %dma_start3A_132 = tpu.memref_slice %arg12[%dma_start3A_130, %dma_start3A_131] : memref<10112x128xf32, #tpu.memory_space<vmem_shared>> -> memref<10112x128xf32, #tpu.memory_space<vmem_shared>>
        tpu.enqueue_indirect_dma source(%dma_start3A_126 : memref<128x128xf32, #tpu.memory_space<vmem>>) target(%dma_start3A_132 : memref<10112x128xf32, #tpu.memory_space<vmem_shared>>) offsets(%dma_start3A_129 : memref<128xi32, #tpu.memory_space<vmem>>) semaphore(%run_scoped3A_122 : memref<!tpu.dma_semaphore, #tpu.memory_space<semaphore_mem>>) {add = true}
        %dma_wait3A_133 = arith.constant 0 : i32
        %dma_wait3A_134 = arith.constant 0 : i32
        %dma_wait3A_135 = tpu.memref_slice %arg11[%run_scoped3A, %dma_wait3A_133, %dma_wait3A_134] : memref<2x128x128xf32, #tpu.memory_space<vmem>> -> memref<1x128x128xf32, #tpu.memory_space<vmem>>
        %dma_wait3A_136 = tpu.memref_squeeze %dma_wait3A_135 : memref<1x128x128xf32, #tpu.memory_space<vmem>> -> memref<128x128xf32, #tpu.memory_space<vmem>>
        %dma_wait3A_137 = arith.constant 0 : i32
        %dma_wait3A_138 = tpu.memref_slice %arg10[%mul3A_70, %dma_wait3A_137] : memref<124x128xi32, #tpu.memory_space<vmem>> -> memref<1x128xi32, #tpu.memory_space<vmem>>
        %dma_wait3A_139 = tpu.memref_squeeze %dma_wait3A_138 : memref<1x128xi32, #tpu.memory_space<vmem>> -> memref<128xi32, #tpu.memory_space<vmem>>
        %dma_wait3A_140 = arith.constant 0 : i32
        %dma_wait3A_141 = arith.constant 0 : i32
        %dma_wait3A_142 = tpu.memref_slice %arg12[%dma_wait3A_140, %dma_wait3A_141] : memref<10112x128xf32, #tpu.memory_space<vmem_shared>> -> memref<10112x128xf32, #tpu.memory_space<vmem_shared>>
        tpu.wait_indirect_dma semaphore(%run_scoped3A_122 : memref<!tpu.dma_semaphore, #tpu.memory_space<semaphore_mem>>) src(%dma_wait3A_136 : memref<128x128xf32, #tpu.memory_space<vmem>>) dst(%dma_wait3A_142 : memref<10112x128xf32, #tpu.memory_space<vmem_shared>>)
        tpu.yield
      }) : () -> ()
      %add3A_99 = arith.constant 2 : i32
      %add3A_100 = arith.addi %mul3A_70, %add3A_99 : i32
      %lt3A_101 = arith.cmpi slt, %add3A_100, %select_n3A : i32
      %convert_element_type3A_102 = arith.extui %lt3A_101 : i1 to i32
      %cond3A_103 = arith.constant 0 : i32
      %cond3A_104 = arith.cmpi ne, %convert_element_type3A_102, %cond3A_103 : i32
      scf.if %cond3A_104 {
        %dma_wait3A_122 = arith.constant 0 : i32
        %dma_wait3A_123 = arith.constant 0 : i32
        %dma_wait3A_124 = tpu.memref_slice %arg3[%add3A, %dma_wait3A_122, %dma_wait3A_123] : memref<32x124x128xi32, #tpu.memory_space<hbm>> -> memref<1x1x128xi32, #tpu.memory_space<hbm>>
        %dma_wait3A_125 = tpu.memref_squeeze %dma_wait3A_124 : memref<1x1x128xi32, #tpu.memory_space<hbm>> -> memref<128xi32, #tpu.memory_space<hbm>>
        %dma_wait3A_126 = arith.constant 0 : i32
        %dma_wait3A_127 = tpu.memref_slice %arg3[%add3A, %dma_wait3A_122, %dma_wait3A_126] : memref<32x124x128xi32, #tpu.memory_space<hbm>> -> memref<1x1x128xi32, #tpu.memory_space<hbm>>
        %dma_wait3A_128 = tpu.memref_squeeze %dma_wait3A_127 : memref<1x1x128xi32, #tpu.memory_space<hbm>> -> memref<128xi32, #tpu.memory_space<hbm>>
        tpu.wait_dma2 semaphore(%arg15 : memref<!tpu.dma_semaphore, #tpu.memory_space<semaphore_mem>>) src(%dma_wait3A_128 : memref<128xi32, #tpu.memory_space<hbm>>) dst(%arg8 : memref<128xi32, #tpu.memory_space<vmem>>)
        %dma_start3A_129 = arith.constant 0 : i32
        %dma_start3A_130 = arith.constant 0 : i32
        %dma_start3A_131 = arith.constant 0 : i32
        %dma_start3A_132 = tpu.memref_slice %arg11[%dma_start3A_129, %dma_start3A_130, %dma_start3A_131] : memref<2x128x128xf32, #tpu.memory_space<vmem>> -> memref<1x128x128xf32, #tpu.memory_space<vmem>>
        %dma_start3A_133 = tpu.memref_squeeze %dma_start3A_132 : memref<1x128x128xf32, #tpu.memory_space<vmem>> -> memref<128x128xf32, #tpu.memory_space<vmem>>
        %dma_start3A_134 = arith.constant 0 : i32
        %dma_start3A_135 = arith.constant 0 : i32
        %dma_start3A_136 = tpu.memref_slice %arg2[%dma_start3A_134, %dma_start3A_135] : memref<10000x128xf32, #tpu.memory_space<hbm>> -> memref<10000x128xf32, #tpu.memory_space<hbm>>
        tpu.enqueue_indirect_dma source(%dma_start3A_136 : memref<10000x128xf32, #tpu.memory_space<hbm>>) target(%dma_start3A_133 : memref<128x128xf32, #tpu.memory_space<vmem>>) offsets(%arg8 : memref<128xi32, #tpu.memory_space<vmem>>) semaphore(%arg13 : memref<!tpu.dma_semaphore, #tpu.memory_space<semaphore_mem>>)
      } else {
      }
      %dma_wait3A_105 = arith.constant 1 : i32
      %dma_wait3A_106 = arith.constant 0 : i32
      %dma_wait3A_107 = arith.constant 0 : i32
      %dma_wait3A_108 = tpu.memref_slice %arg11[%dma_wait3A_105, %dma_wait3A_106, %dma_wait3A_107] : memref<2x128x128xf32, #tpu.memory_space<vmem>> -> memref<1x128x128xf32, #tpu.memory_space<vmem>>
      %dma_wait3A_109 = tpu.memref_squeeze %dma_wait3A_108 : memref<1x128x128xf32, #tpu.memory_space<vmem>> -> memref<128x128xf32, #tpu.memory_space<vmem>>
      %dma_wait3A_110 = arith.constant 0 : i32
      %dma_wait3A_111 = arith.constant 0 : i32
      %dma_wait3A_112 = tpu.memref_slice %arg2[%dma_wait3A_110, %dma_wait3A_111] : memref<10000x128xf32, #tpu.memory_space<hbm>> -> memref<10000x128xf32, #tpu.memory_space<hbm>>
      tpu.wait_indirect_dma semaphore(%arg14 : memref<!tpu.dma_semaphore, #tpu.memory_space<semaphore_mem>>) src(%dma_wait3A_112 : memref<10000x128xf32, #tpu.memory_space<hbm>>) dst(%dma_wait3A_109 : memref<128x128xf32, #tpu.memory_space<vmem>>)
      %add3A_113 = arith.constant 3 : i32
      %add3A_114 = arith.addi %mul3A_70, %add3A_113 : i32
      %lt3A_115 = arith.cmpi slt, %add3A_114, %select_n3A : i32
      %convert_element_type3A_116 = arith.extui %lt3A_115 : i1 to i32
      %cond3A_117 = arith.constant 0 : i32
      %cond3A_118 = arith.cmpi ne, %convert_element_type3A_116, %cond3A_117 : i32
      scf.if %cond3A_118 {
        %add3A_122 = arith.constant 3 : i32
        %add3A_123 = arith.addi %mul3A_70, %add3A_122 : i32
        %dma_start3A_124 = arith.constant 0 : i32
        %dma_start3A_125 = tpu.memref_slice %arg3[%add3A, %add3A_123, %dma_start3A_124] : memref<32x124x128xi32, #tpu.memory_space<hbm>> -> memref<1x1x128xi32, #tpu.memory_space<hbm>>
        %dma_start3A_126 = tpu.memref_squeeze %dma_start3A_125 : memref<1x1x128xi32, #tpu.memory_space<hbm>> -> memref<128xi32, #tpu.memory_space<hbm>>
        %dma_start3A_127 = arith.constant 0 : i32
        %dma_start3A_128 = tpu.memref_slice %arg3[%add3A, %add3A_123, %dma_start3A_127] : memref<32x124x128xi32, #tpu.memory_space<hbm>> -> memref<1x1x128xi32, #tpu.memory_space<hbm>>
        %dma_start3A_129 = tpu.memref_squeeze %dma_start3A_128 : memref<1x1x128xi32, #tpu.memory_space<hbm>> -> memref<128xi32, #tpu.memory_space<hbm>>
        tpu.enqueue_dma source(%dma_start3A_129 : memref<128xi32, #tpu.memory_space<hbm>>) target(%arg9 : memref<128xi32, #tpu.memory_space<vmem>>) target_semaphore(%arg16 : memref<!tpu.dma_semaphore, #tpu.memory_space<semaphore_mem>>)
      } else {
      }
      %add3A_119 = arith.constant 1 : i32
      %add3A_120 = arith.addi %mul3A_70, %add3A_119 : i32
      %run_scoped3A_121 = arith.constant 1 : i32
      "tpu.region"() ({
        %run_scoped3A_122 = tpu.sem_alloc : memref<!tpu.dma_semaphore, #tpu.memory_space<semaphore_mem>>
        %dma_start3A_123 = arith.constant 0 : i32
        %dma_start3A_124 = arith.constant 0 : i32
        %dma_start3A_125 = tpu.memref_slice %arg11[%run_scoped3A_121, %dma_start3A_123, %dma_start3A_124] : memref<2x128x128xf32, #tpu.memory_space<vmem>> -> memref<1x128x128xf32, #tpu.memory_space<vmem>>
        %dma_start3A_126 = tpu.memref_squeeze %dma_start3A_125 : memref<1x128x128xf32, #tpu.memory_space<vmem>> -> memref<128x128xf32, #tpu.memory_space<vmem>>
        %dma_start3A_127 = arith.constant 0 : i32
        %dma_start3A_128 = tpu.memref_slice %arg10[%add3A_120, %dma_start3A_127] : memref<124x128xi32, #tpu.memory_space<vmem>> -> memref<1x128xi32, #tpu.memory_space<vmem>>
        %dma_start3A_129 = tpu.memref_squeeze %dma_start3A_128 : memref<1x128xi32, #tpu.memory_space<vmem>> -> memref<128xi32, #tpu.memory_space<vmem>>
        %dma_start3A_130 = arith.constant 0 : i32
        %dma_start3A_131 = arith.constant 0 : i32
        %dma_start3A_132 = tpu.memref_slice %arg12[%dma_start3A_130, %dma_start3A_131] : memref<10112x128xf32, #tpu.memory_space<vmem_shared>> -> memref<10112x128xf32, #tpu.memory_space<vmem_shared>>
        tpu.enqueue_indirect_dma source(%dma_start3A_126 : memref<128x128xf32, #tpu.memory_space<vmem>>) target(%dma_start3A_132 : memref<10112x128xf32, #tpu.memory_space<vmem_shared>>) offsets(%dma_start3A_129 : memref<128xi32, #tpu.memory_space<vmem>>) semaphore(%run_scoped3A_122 : memref<!tpu.dma_semaphore, #tpu.memory_space<semaphore_mem>>) {add = true}
        %dma_wait3A_133 = arith.constant 0 : i32
        %dma_wait3A_134 = arith.constant 0 : i32
        %dma_wait3A_135 = tpu.memref_slice %arg11[%run_scoped3A_121, %dma_wait3A_133, %dma_wait3A_134] : memref<2x128x128xf32, #tpu.memory_space<vmem>> -> memref<1x128x128xf32, #tpu.memory_space<vmem>>
        %dma_wait3A_136 = tpu.memref_squeeze %dma_wait3A_135 : memref<1x128x128xf32, #tpu.memory_space<vmem>> -> memref<128x128xf32, #tpu.memory_space<vmem>>
        %dma_wait3A_137 = arith.constant 0 : i32
        %dma_wait3A_138 = tpu.memref_slice %arg10[%add3A_120, %dma_wait3A_137] : memref<124x128xi32, #tpu.memory_space<vmem>> -> memref<1x128xi32, #tpu.memory_space<vmem>>
        %dma_wait3A_139 = tpu.memref_squeeze %dma_wait3A_138 : memref<1x128xi32, #tpu.memory_space<vmem>> -> memref<128xi32, #tpu.memory_space<vmem>>
        %dma_wait3A_140 = arith.constant 0 : i32
        %dma_wait3A_141 = arith.constant 0 : i32
        %dma_wait3A_142 = tpu.memref_slice %arg12[%dma_wait3A_140, %dma_wait3A_141] : memref<10112x128xf32, #tpu.memory_space<vmem_shared>> -> memref<10112x128xf32, #tpu.memory_space<vmem_shared>>
        tpu.wait_indirect_dma semaphore(%run_scoped3A_122 : memref<!tpu.dma_semaphore, #tpu.memory_space<semaphore_mem>>) src(%dma_wait3A_136 : memref<128x128xf32, #tpu.memory_space<vmem>>) dst(%dma_wait3A_142 : memref<10112x128xf32, #tpu.memory_space<vmem_shared>>)
        tpu.yield
      }) : () -> ()
    }
    %while3A_58 = arith.constant 1 : i32
    scf.for %while3A_68 = %while3A_56 to %while3A_52 step %while3A_58  : i32 {
      %mul3A_69 = arith.constant 2 : i32
      %mul3A_70 = arith.muli %mul3A_69, %while3A_68 : i32
      %dma_wait3A_71 = arith.constant 0 : i32
      %dma_wait3A_72 = arith.constant 0 : i32
      %dma_wait3A_73 = tpu.memref_slice %arg3[%add3A, %dma_wait3A_71, %dma_wait3A_72] : memref<32x124x128xi32, #tpu.memory_space<hbm>> -> memref<1x1x128xi32, #tpu.memory_space<hbm>>
      %dma_wait3A_74 = tpu.memref_squeeze %dma_wait3A_73 : memref<1x1x128xi32, #tpu.memory_space<hbm>> -> memref<128xi32, #tpu.memory_space<hbm>>
      %dma_wait3A_75 = arith.constant 0 : i32
      %dma_wait3A_76 = tpu.memref_slice %arg3[%add3A, %dma_wait3A_71, %dma_wait3A_75] : memref<32x124x128xi32, #tpu.memory_space<hbm>> -> memref<1x1x128xi32, #tpu.memory_space<hbm>>
      %dma_wait3A_77 = tpu.memref_squeeze %dma_wait3A_76 : memref<1x1x128xi32, #tpu.memory_space<hbm>> -> memref<128xi32, #tpu.memory_space<hbm>>
      tpu.wait_dma2 semaphore(%arg16 : memref<!tpu.dma_semaphore, #tpu.memory_space<semaphore_mem>>) src(%dma_wait3A_77 : memref<128xi32, #tpu.memory_space<hbm>>) dst(%arg9 : memref<128xi32, #tpu.memory_space<vmem>>)
      %dma_start3A_78 = arith.constant 1 : i32
      %dma_start3A_79 = arith.constant 0 : i32
      %dma_start3A_80 = arith.constant 0 : i32
      %dma_start3A_81 = tpu.memref_slice %arg11[%dma_start3A_78, %dma_start3A_79, %dma_start3A_80] : memref<2x128x128xf32, #tpu.memory_space<vmem>> -> memref<1x128x128xf32, #tpu.memory_space<vmem>>
      %dma_start3A_82 = tpu.memref_squeeze %dma_start3A_81 : memref<1x128x128xf32, #tpu.memory_space<vmem>> -> memref<128x128xf32, #tpu.memory_space<vmem>>
      %dma_start3A_83 = arith.constant 0 : i32
      %dma_start3A_84 = arith.constant 0 : i32
      %dma_start3A_85 = tpu.memref_slice %arg2[%dma_start3A_83, %dma_start3A_84] : memref<10000x128xf32, #tpu.memory_space<hbm>> -> memref<10000x128xf32, #tpu.memory_space<hbm>>
      tpu.enqueue_indirect_dma source(%dma_start3A_85 : memref<10000x128xf32, #tpu.memory_space<hbm>>) target(%dma_start3A_82 : memref<128x128xf32, #tpu.memory_space<vmem>>) offsets(%arg9 : memref<128xi32, #tpu.memory_space<vmem>>) semaphore(%arg14 : memref<!tpu.dma_semaphore, #tpu.memory_space<semaphore_mem>>)
      %dma_wait3A_86 = arith.constant 0 : i32
      %dma_wait3A_87 = arith.constant 0 : i32
      %dma_wait3A_88 = arith.constant 0 : i32
      %dma_wait3A_89 = tpu.memref_slice %arg11[%dma_wait3A_86, %dma_wait3A_87, %dma_wait3A_88] : memref<2x128x128xf32, #tpu.memory_space<vmem>> -> memref<1x128x128xf32, #tpu.memory_space<vmem>>
      %dma_wait3A_90 = tpu.memref_squeeze %dma_wait3A_89 : memref<1x128x128xf32, #tpu.memory_space<vmem>> -> memref<128x128xf32, #tpu.memory_space<vmem>>
      %dma_wait3A_91 = arith.constant 0 : i32
      %dma_wait3A_92 = arith.constant 0 : i32
      %dma_wait3A_93 = tpu.memref_slice %arg2[%dma_wait3A_91, %dma_wait3A_92] : memref<10000x128xf32, #tpu.memory_space<hbm>> -> memref<10000x128xf32, #tpu.memory_space<hbm>>
      tpu.wait_indirect_dma semaphore(%arg13 : memref<!tpu.dma_semaphore, #tpu.memory_space<semaphore_mem>>) src(%dma_wait3A_93 : memref<10000x128xf32, #tpu.memory_space<hbm>>) dst(%dma_wait3A_90 : memref<128x128xf32, #tpu.memory_space<vmem>>)
      %add3A_94 = arith.constant 2 : i32
      %add3A_95 = arith.addi %mul3A_70, %add3A_94 : i32
      %lt3A = arith.cmpi slt, %add3A_95, %select_n3A : i32
      %convert_element_type3A_96 = arith.extui %lt3A : i1 to i32
      %cond3A_97 = arith.constant 0 : i32
      %cond3A_98 = arith.cmpi ne, %convert_element_type3A_96, %cond3A_97 : i32
      scf.if %cond3A_98 {
        %add3A_122 = arith.constant 2 : i32
        %add3A_123 = arith.addi %mul3A_70, %add3A_122 : i32
        %dma_start3A_124 = arith.constant 0 : i32
        %dma_start3A_125 = tpu.memref_slice %arg3[%add3A, %add3A_123, %dma_start3A_124] : memref<32x124x128xi32, #tpu.memory_space<hbm>> -> memref<1x1x128xi32, #tpu.memory_space<hbm>>
        %dma_start3A_126 = tpu.memref_squeeze %dma_start3A_125 : memref<1x1x128xi32, #tpu.memory_space<hbm>> -> memref<128xi32, #tpu.memory_space<hbm>>
        %dma_start3A_127 = arith.constant 0 : i32
        %dma_start3A_128 = tpu.memref_slice %arg3[%add3A, %add3A_123, %dma_start3A_127] : memref<32x124x128xi32, #tpu.memory_space<hbm>> -> memref<1x1x128xi32, #tpu.memory_space<hbm>>
        %dma_start3A_129 = tpu.memref_squeeze %dma_start3A_128 : memref<1x1x128xi32, #tpu.memory_space<hbm>> -> memref<128xi32, #tpu.memory_space<hbm>>
        tpu.enqueue_dma source(%dma_start3A_129 : memref<128xi32, #tpu.memory_space<hbm>>) target(%arg8 : memref<128xi32, #tpu.memory_space<vmem>>) target_semaphore(%arg15 : memref<!tpu.dma_semaphore, #tpu.memory_space<semaphore_mem>>)
      } else {
      }
      %run_scoped3A = arith.constant 0 : i32
      "tpu.region"() ({
        %run_scoped3A_122 = tpu.sem_alloc : memref<!tpu.dma_semaphore, #tpu.memory_space<semaphore_mem>>
        %dma_start3A_123 = arith.constant 0 : i32
        %dma_start3A_124 = arith.constant 0 : i32
        %dma_start3A_125 = tpu.memref_slice %arg11[%run_scoped3A, %dma_start3A_123, %dma_start3A_124] : memref<2x128x128xf32, #tpu.memory_space<vmem>> -> memref<1x128x128xf32, #tpu.memory_space<vmem>>
        %dma_start3A_126 = tpu.memref_squeeze %dma_start3A_125 : memref<1x128x128xf32, #tpu.memory_space<vmem>> -> memref<128x128xf32, #tpu.memory_space<vmem>>
        %dma_start3A_127 = arith.constant 0 : i32
        %dma_start3A_128 = tpu.memref_slice %arg10[%mul3A_70, %dma_start3A_127] : memref<124x128xi32, #tpu.memory_space<vmem>> -> memref<1x128xi32, #tpu.memory_space<vmem>>
        %dma_start3A_129 = tpu.memref_squeeze %dma_start3A_128 : memref<1x128xi32, #tpu.memory_space<vmem>> -> memref<128xi32, #tpu.memory_space<vmem>>
        %dma_start3A_130 = arith.constant 0 : i32
        %dma_start3A_131 = arith.constant 0 : i32
        %dma_start3A_132 = tpu.memref_slice %arg12[%dma_start3A_130, %dma_start3A_131] : memref<10112x128xf32, #tpu.memory_space<vmem_shared>> -> memref<10112x128xf32, #tpu.memory_space<vmem_shared>>
        tpu.enqueue_indirect_dma source(%dma_start3A_126 : memref<128x128xf32, #tpu.memory_space<vmem>>) target(%dma_start3A_132 : memref<10112x128xf32, #tpu.memory_space<vmem_shared>>) offsets(%dma_start3A_129 : memref<128xi32, #tpu.memory_space<vmem>>) semaphore(%run_scoped3A_122 : memref<!tpu.dma_semaphore, #tpu.memory_space<semaphore_mem>>) {add = true}
        %dma_wait3A_133 = arith.constant 0 : i32
        %dma_wait3A_134 = arith.constant 0 : i32
        %dma_wait3A_135 = tpu.memref_slice %arg11[%run_scoped3A, %dma_wait3A_133, %dma_wait3A_134] : memref<2x128x128xf32, #tpu.memory_space<vmem>> -> memref<1x128x128xf32, #tpu.memory_space<vmem>>
        %dma_wait3A_136 = tpu.memref_squeeze %dma_wait3A_135 : memref<1x128x128xf32, #tpu.memory_space<vmem>> -> memref<128x128xf32, #tpu.memory_space<vmem>>
        %dma_wait3A_137 = arith.constant 0 : i32
        %dma_wait3A_138 = tpu.memref_slice %arg10[%mul3A_70, %dma_wait3A_137] : memref<124x128xi32, #tpu.memory_space<vmem>> -> memref<1x128xi32, #tpu.memory_space<vmem>>
        %dma_wait3A_139 = tpu.memref_squeeze %dma_wait3A_138 : memref<1x128xi32, #tpu.memory_space<vmem>> -> memref<128xi32, #tpu.memory_space<vmem>>
        %dma_wait3A_140 = arith.constant 0 : i32
        %dma_wait3A_141 = arith.constant 0 : i32
        %dma_wait3A_142 = tpu.memref_slice %arg12[%dma_wait3A_140, %dma_wait3A_141] : memref<10112x128xf32, #tpu.memory_space<vmem_shared>> -> memref<10112x128xf32, #tpu.memory_space<vmem_shared>>
        tpu.wait_indirect_dma semaphore(%run_scoped3A_122 : memref<!tpu.dma_semaphore, #tpu.memory_space<semaphore_mem>>) src(%dma_wait3A_136 : memref<128x128xf32, #tpu.memory_space<vmem>>) dst(%dma_wait3A_142 : memref<10112x128xf32, #tpu.memory_space<vmem_shared>>)
        tpu.yield
      }) : () -> ()
      %add3A_99 = arith.constant 2 : i32
      %add3A_100 = arith.addi %mul3A_70, %add3A_99 : i32
      %lt3A_101 = arith.cmpi slt, %add3A_100, %select_n3A : i32
      %convert_element_type3A_102 = arith.extui %lt3A_101 : i1 to i32
      %cond3A_103 = arith.constant 0 : i32
      %cond3A_104 = arith.cmpi ne, %convert_element_type3A_102, %cond3A_103 : i32
      scf.if %cond3A_104 {
        %dma_wait3A_122 = arith.constant 0 : i32
        %dma_wait3A_123 = arith.constant 0 : i32
        %dma_wait3A_124 = tpu.memref_slice %arg3[%add3A, %dma_wait3A_122, %dma_wait3A_123] : memref<32x124x128xi32, #tpu.memory_space<hbm>> -> memref<1x1x128xi32, #tpu.memory_space<hbm>>
        %dma_wait3A_125 = tpu.memref_squeeze %dma_wait3A_124 : memref<1x1x128xi32, #tpu.memory_space<hbm>> -> memref<128xi32, #tpu.memory_space<hbm>>
        %dma_wait3A_126 = arith.constant 0 : i32
        %dma_wait3A_127 = tpu.memref_slice %arg3[%add3A, %dma_wait3A_122, %dma_wait3A_126] : memref<32x124x128xi32, #tpu.memory_space<hbm>> -> memref<1x1x128xi32, #tpu.memory_space<hbm>>
        %dma_wait3A_128 = tpu.memref_squeeze %dma_wait3A_127 : memref<1x1x128xi32, #tpu.memory_space<hbm>> -> memref<128xi32, #tpu.memory_space<hbm>>
        tpu.wait_dma2 semaphore(%arg15 : memref<!tpu.dma_semaphore, #tpu.memory_space<semaphore_mem>>) src(%dma_wait3A_128 : memref<128xi32, #tpu.memory_space<hbm>>) dst(%arg8 : memref<128xi32, #tpu.memory_space<vmem>>)
        %dma_start3A_129 = arith.constant 0 : i32
        %dma_start3A_130 = arith.constant 0 : i32
        %dma_start3A_131 = arith.constant 0 : i32
        %dma_start3A_132 = tpu.memref_slice %arg11[%dma_start3A_129, %dma_start3A_130, %dma_start3A_131] : memref<2x128x128xf32, #tpu.memory_space<vmem>> -> memref<1x128x128xf32, #tpu.memory_space<vmem>>
        %dma_start3A_133 = tpu.memref_squeeze %dma_start3A_132 : memref<1x128x128xf32, #tpu.memory_space<vmem>> -> memref<128x128xf32, #tpu.memory_space<vmem>>
        %dma_start3A_134 = arith.constant 0 : i32
        %dma_start3A_135 = arith.constant 0 : i32
        %dma_start3A_136 = tpu.memref_slice %arg2[%dma_start3A_134, %dma_start3A_135] : memref<10000x128xf32, #tpu.memory_space<hbm>> -> memref<10000x128xf32, #tpu.memory_space<hbm>>
        tpu.enqueue_indirect_dma source(%dma_start3A_136 : memref<10000x128xf32, #tpu.memory_space<hbm>>) target(%dma_start3A_133 : memref<128x128xf32, #tpu.memory_space<vmem>>) offsets(%arg8 : memref<128xi32, #tpu.memory_space<vmem>>) semaphore(%arg13 : memref<!tpu.dma_semaphore, #tpu.memory_space<semaphore_mem>>)
      } else {
      }
      %dma_wait3A_105 = arith.constant 1 : i32
      %dma_wait3A_106 = arith.constant 0 : i32
      %dma_wait3A_107 = arith.constant 0 : i32
      %dma_wait3A_108 = tpu.memref_slice %arg11[%dma_wait3A_105, %dma_wait3A_106, %dma_wait3A_107] : memref<2x128x128xf32, #tpu.memory_space<vmem>> -> memref<1x128x128xf32, #tpu.memory_space<vmem>>
      %dma_wait3A_109 = tpu.memref_squeeze %dma_wait3A_108 : memref<1x128x128xf32, #tpu.memory_space<vmem>> -> memref<128x128xf32, #tpu.memory_space<vmem>>
      %dma_wait3A_110 = arith.constant 0 : i32
      %dma_wait3A_111 = arith.constant 0 : i32
      %dma_wait3A_112 = tpu.memref_slice %arg2[%dma_wait3A_110, %dma_wait3A_111] : memref<10000x128xf32, #tpu.memory_space<hbm>> -> memref<10000x128xf32, #tpu.memory_space<hbm>>
      tpu.wait_indirect_dma semaphore(%arg14 : memref<!tpu.dma_semaphore, #tpu.memory_space<semaphore_mem>>) src(%dma_wait3A_112 : memref<10000x128xf32, #tpu.memory_space<hbm>>) dst(%dma_wait3A_109 : memref<128x128xf32, #tpu.memory_space<vmem>>)
      %add3A_113 = arith.constant 3 : i32
      %add3A_114 = arith.addi %mul3A_70, %add3A_113 : i32
      %lt3A_115 = arith.cmpi slt, %add3A_114, %select_n3A : i32
      %convert_element_type3A_116 = arith.extui %lt3A_115 : i1 to i32
      %cond3A_117 = arith.constant 0 : i32
      %cond3A_118 = arith.cmpi ne, %convert_element_type3A_116, %cond3A_117 : i32
      scf.if %cond3A_118 {
        %add3A_122 = arith.constant 3 : i32
        %add3A_123 = arith.addi %mul3A_70, %add3A_122 : i32
        %dma_start3A_124 = arith.constant 0 : i32
        %dma_start3A_125 = tpu.memref_slice %arg3[%add3A, %add3A_123, %dma_start3A_124] : memref<32x124x128xi32, #tpu.memory_space<hbm>> -> memref<1x1x128xi32, #tpu.memory_space<hbm>>
        %dma_start3A_126 = tpu.memref_squeeze %dma_start3A_125 : memref<1x1x128xi32, #tpu.memory_space<hbm>> -> memref<128xi32, #tpu.memory_space<hbm>>
        %dma_start3A_127 = arith.constant 0 : i32
        %dma_start3A_128 = tpu.memref_slice %arg3[%add3A, %add3A_123, %dma_start3A_127] : memref<32x124x128xi32, #tpu.memory_space<hbm>> -> memref<1x1x128xi32, #tpu.memory_space<hbm>>
        %dma_start3A_129 = tpu.memref_squeeze %dma_start3A_128 : memref<1x1x128xi32, #tpu.memory_space<hbm>> -> memref<128xi32, #tpu.memory_space<hbm>>
        tpu.enqueue_dma source(%dma_start3A_129 : memref<128xi32, #tpu.memory_space<hbm>>) target(%arg9 : memref<128xi32, #tpu.memory_space<vmem>>) target_semaphore(%arg16 : memref<!tpu.dma_semaphore, #tpu.memory_space<semaphore_mem>>)
      } else {
      }
      %add3A_119 = arith.constant 1 : i32
      %add3A_120 = arith.addi %mul3A_70, %add3A_119 : i32
      %run_scoped3A_121 = arith.constant 1 : i32
      "tpu.region"() ({
        %run_scoped3A_122 = tpu.sem_alloc : memref<!tpu.dma_semaphore, #tpu.memory_space<semaphore_mem>>
        %dma_start3A_123 = arith.constant 0 : i32
        %dma_start3A_124 = arith.constant 0 : i32
        %dma_start3A_125 = tpu.memref_slice %arg11[%run_scoped3A_121, %dma_start3A_123, %dma_start3A_124] : memref<2x128x128xf32, #tpu.memory_space<vmem>> -> memref<1x128x128xf32, #tpu.memory_space<vmem>>
        %dma_start3A_126 = tpu.memref_squeeze %dma_start3A_125 : memref<1x128x128xf32, #tpu.memory_space<vmem>> -> memref<128x128xf32, #tpu.memory_space<vmem>>
        %dma_start3A_127 = arith.constant 0 : i32
        %dma_start3A_128 = tpu.memref_slice %arg10[%add3A_120, %dma_start3A_127] : memref<124x128xi32, #tpu.memory_space<vmem>> -> memref<1x128xi32, #tpu.memory_space<vmem>>
        %dma_start3A_129 = tpu.memref_squeeze %dma_start3A_128 : memref<1x128xi32, #tpu.memory_space<vmem>> -> memref<128xi32, #tpu.memory_space<vmem>>
        %dma_start3A_130 = arith.constant 0 : i32
        %dma_start3A_131 = arith.constant 0 : i32
        %dma_start3A_132 = tpu.memref_slice %arg12[%dma_start3A_130, %dma_start3A_131] : memref<10112x128xf32, #tpu.memory_space<vmem_shared>> -> memref<10112x128xf32, #tpu.memory_space<vmem_shared>>
        tpu.enqueue_indirect_dma source(%dma_start3A_126 : memref<128x128xf32, #tpu.memory_space<vmem>>) target(%dma_start3A_132 : memref<10112x128xf32, #tpu.memory_space<vmem_shared>>) offsets(%dma_start3A_129 : memref<128xi32, #tpu.memory_space<vmem>>) semaphore(%run_scoped3A_122 : memref<!tpu.dma_semaphore, #tpu.memory_space<semaphore_mem>>) {add = true}
        %dma_wait3A_133 = arith.constant 0 : i32
        %dma_wait3A_134 = arith.constant 0 : i32
        %dma_wait3A_135 = tpu.memref_slice %arg11[%run_scoped3A_121, %dma_wait3A_133, %dma_wait3A_134] : memref<2x128x128xf32, #tpu.memory_space<vmem>> -> memref<1x128x128xf32, #tpu.memory_space<vmem>>
        %dma_wait3A_136 = tpu.memref_squeeze %dma_wait3A_135 : memref<1x128x128xf32, #tpu.memory_space<vmem>> -> memref<128x128xf32, #tpu.memory_space<vmem>>
        %dma_wait3A_137 = arith.constant 0 : i32
        %dma_wait3A_138 = tpu.memref_slice %arg10[%add3A_120, %dma_wait3A_137] : memref<124x128xi32, #tpu.memory_space<vmem>> -> memref<1x128xi32, #tpu.memory_space<vmem>>
        %dma_wait3A_139 = tpu.memref_squeeze %dma_wait3A_138 : memref<1x128xi32, #tpu.memory_space<vmem>> -> memref<128xi32, #tpu.memory_space<vmem>>
        %dma_wait3A_140 = arith.constant 0 : i32
        %dma_wait3A_141 = arith.constant 0 : i32
        %dma_wait3A_142 = tpu.memref_slice %arg12[%dma_wait3A_140, %dma_wait3A_141] : memref<10112x128xf32, #tpu.memory_space<vmem_shared>> -> memref<10112x128xf32, #tpu.memory_space<vmem_shared>>
        tpu.wait_indirect_dma semaphore(%run_scoped3A_122 : memref<!tpu.dma_semaphore, #tpu.memory_space<semaphore_mem>>) src(%dma_wait3A_136 : memref<128x128xf32, #tpu.memory_space<vmem>>) dst(%dma_wait3A_142 : memref<10112x128xf32, #tpu.memory_space<vmem_shared>>)
        tpu.yield
      }) : () -> ()
    }
    %barrier3A_59 = arith.constant 0 : index
    tpu.barrier barrier_id(%barrier3A_59)
    %eq3A_60 = arith.constant 0 : i32
    %eq3A_61 = arith.cmpi eq, %arg0, %eq3A_60 : i32
    %convert_element_type3A = arith.extui %eq3A_61 : i1 to i32
    %cond3A = arith.constant 0 : i32
    %cond3A_62 = arith.cmpi ne, %convert_element_type3A, %cond3A : i32
    scf.if %cond3A_62 {
      "tpu.region"() ({
        %run_scoped3A = tpu.sem_alloc : memref<!tpu.dma_semaphore, #tpu.memory_space<semaphore_mem>>
        %dma_start3A_68 = arith.constant 0 : i32
        %dma_start3A_69 = tpu.memref_slice %arg6[%mul3A_2, %dma_start3A_68] : memref<10112x128xf32, #tpu.memory_space<hbm>> -> memref<632x128xf32, #tpu.memory_space<hbm>>
        %dma_start3A_70 = arith.constant 0 : i32
        %dma_start3A_71 = tpu.memref_slice %arg12[%mul3A_2, %dma_start3A_70] : memref<10112x128xf32, #tpu.memory_space<vmem_shared>> -> memref<632x128xf32, #tpu.memory_space<vmem_shared>>
        tpu.enqueue_dma source(%dma_start3A_71 : memref<632x128xf32, #tpu.memory_space<vmem_shared>>) target(%dma_start3A_69 : memref<632x128xf32, #tpu.memory_space<hbm>>) target_semaphore(%run_scoped3A : memref<!tpu.dma_semaphore, #tpu.memory_space<semaphore_mem>>)
        %dma_wait3A_72 = arith.constant 0 : i32
        %dma_wait3A_73 = tpu.memref_slice %arg6[%mul3A_2, %dma_wait3A_72] : memref<10112x128xf32, #tpu.memory_space<hbm>> -> memref<632x128xf32, #tpu.memory_space<hbm>>
        %dma_wait3A_74 = arith.constant 0 : i32
        %dma_wait3A_75 = tpu.memref_slice %arg12[%mul3A_2, %dma_wait3A_74] : memref<10112x128xf32, #tpu.memory_space<vmem_shared>> -> memref<632x128xf32, #tpu.memory_space<vmem_shared>>
        tpu.wait_dma2 semaphore(%run_scoped3A : memref<!tpu.dma_semaphore, #tpu.memory_space<semaphore_mem>>) src(%dma_wait3A_75 : memref<632x128xf32, #tpu.memory_space<vmem_shared>>) dst(%dma_wait3A_73 : memref<632x128xf32, #tpu.memory_space<hbm>>)
        tpu.yield
      }) : () -> ()
    } else {
    }
    %eq3A_63 = arith.constant 1 : i32
    %eq3A_64 = arith.cmpi eq, %arg0, %eq3A_63 : i32
    %convert_element_type3A_65 = arith.extui %eq3A_64 : i1 to i32
    %cond3A_66 = arith.constant 0 : i32
    %cond3A_67 = arith.cmpi ne, %convert_element_type3A_65, %cond3A_66 : i32
    scf.if %cond3A_67 {
      "tpu.region"() ({
        %run_scoped3A = tpu.sem_alloc : memref<!tpu.dma_semaphore, #tpu.memory_space<semaphore_mem>>
        %dma_start3A_68 = arith.constant 0 : i32
        %dma_start3A_69 = tpu.memref_slice %arg7[%mul3A_2, %dma_start3A_68] : memref<10112x128xf32, #tpu.memory_space<hbm>> -> memref<632x128xf32, #tpu.memory_space<hbm>>
        %dma_start3A_70 = arith.constant 0 : i32
        %dma_start3A_71 = tpu.memref_slice %arg12[%mul3A_2, %dma_start3A_70] : memref<10112x128xf32, #tpu.memory_space<vmem_shared>> -> memref<632x128xf32, #tpu.memory_space<vmem_shared>>
        tpu.enqueue_dma source(%dma_start3A_71 : memref<632x128xf32, #tpu.memory_space<vmem_shared>>) target(%dma_start3A_69 : memref<632x128xf32, #tpu.memory_space<hbm>>) target_semaphore(%run_scoped3A : memref<!tpu.dma_semaphore, #tpu.memory_space<semaphore_mem>>)
        %dma_wait3A_72 = arith.constant 0 : i32
        %dma_wait3A_73 = tpu.memref_slice %arg7[%mul3A_2, %dma_wait3A_72] : memref<10112x128xf32, #tpu.memory_space<hbm>> -> memref<632x128xf32, #tpu.memory_space<hbm>>
        %dma_wait3A_74 = arith.constant 0 : i32
        %dma_wait3A_75 = tpu.memref_slice %arg12[%mul3A_2, %dma_wait3A_74] : memref<10112x128xf32, #tpu.memory_space<vmem_shared>> -> memref<632x128xf32, #tpu.memory_space<vmem_shared>>
        tpu.wait_dma2 semaphore(%run_scoped3A : memref<!tpu.dma_semaphore, #tpu.memory_space<semaphore_mem>>) src(%dma_wait3A_75 : memref<632x128xf32, #tpu.memory_space<vmem_shared>>) dst(%dma_wait3A_73 : memref<632x128xf32, #tpu.memory_space<hbm>>)
        tpu.yield
      }) : () -> ()
    } else {
    }
    return
  }
}

module attributes {stable_mosaic.version = 14 : i64} {
  func.func @body(%arg0: i32, %arg1: i32, %arg2: memref<1000x128xf32, #tpu.memory_space<vmem>>, %arg3: memref<1000x128xf32, #tpu.memory_space<vmem>>, %arg4: memref<1000x128xf32, #tpu.memory_space<vmem>>, %arg5: memref<128x256xf32, #tpu.memory_space<vmem>>, %arg6: memref<1x256xf32, #tpu.memory_space<vmem>>, %arg7: memref<256x128xf32, #tpu.memory_space<vmem>>, %arg8: memref<1x128xf32, #tpu.memory_space<vmem>>, %arg9: memref<1x128xf32, #tpu.memory_space<vmem>>, %arg10: memref<1x128xf32, #tpu.memory_space<vmem>>, %arg11: memref<1000x128xf32, #tpu.memory_space<vmem>>, %arg12: memref<10000x128xf32, #tpu.memory_space<vmem>>, %arg13: memref<8x128xf32, #tpu.memory_space<vmem>>) attributes {dimension_semantics = [#tpu.dimension_semantics<arbitrary>, #tpu.dimension_semantics<arbitrary>], iteration_bounds = array<i64: 2, 10>, scalar_prefetch = 0 : i64, scratch_operands = 2 : i64, tpu.core_type = #tpu.core_type<tc>, window_params = [{transform_indices = @transform_0, window_bounds = array<i64: 1000, 128>}, {transform_indices = @transform_1, window_bounds = array<i64: 1000, 128>}, {transform_indices = @transform_2, window_bounds = array<i64: 1000, 128>}, {pipeline_mode = #tpu.pipeline_mode<synchronous>, transform_indices = @transform_3, window_bounds = array<i64: 128, 256>}, {pipeline_mode = #tpu.pipeline_mode<synchronous>, transform_indices = @transform_4, window_bounds = array<i64: 1, 256>}, {pipeline_mode = #tpu.pipeline_mode<synchronous>, transform_indices = @transform_5, window_bounds = array<i64: 256, 128>}, {pipeline_mode = #tpu.pipeline_mode<synchronous>, transform_indices = @transform_6, window_bounds = array<i64: 1, 128>}, {pipeline_mode = #tpu.pipeline_mode<synchronous>, transform_indices = @transform_7, window_bounds = array<i64: 1, 128>}, {pipeline_mode = #tpu.pipeline_mode<synchronous>, transform_indices = @transform_8, window_bounds = array<i64: 1, 128>}, {transform_indices = @transform_9, window_bounds = array<i64: 1000, 128>}]} {
    %eq3A = arith.constant 0 : i32
    %eq3A_0 = arith.cmpi eq, %arg0, %eq3A : i32
    %convert_element_type3A = arith.extui %eq3A_0 : i1 to i32
    %cond3A = arith.constant 0 : i32
    %cond3A_1 = arith.cmpi ne, %convert_element_type3A, %cond3A : i32
    scf.if %cond3A_1 {
      %eq3A_7 = arith.constant 0 : i32
      %eq3A_8 = arith.cmpi eq, %arg1, %eq3A_7 : i32
      %convert_element_type3A_9 = arith.extui %eq3A_8 : i1 to i32
      %cond3A_10 = arith.constant 0 : i32
      %cond3A_11 = arith.cmpi ne, %convert_element_type3A_9, %cond3A_10 : i32
      scf.if %cond3A_11 {
        %broadcast_in_dim3A_64 = arith.constant 0.000000e+00 : f32
        %broadcast_in_dim3A_65 = vector.broadcast %broadcast_in_dim3A_64 : f32 to vector<8x128xf32>
        %swap3A_66 = arith.constant 0 : index
        %swap3A_67 = arith.constant 0 : index
        %swap3A_68 = vector.load %arg13[%swap3A_66, %swap3A_67] : memref<8x128xf32, #tpu.memory_space<vmem>>, vector<8x128xf32>
        tpu.vector_store %arg13[%swap3A_66, %swap3A_67], %broadcast_in_dim3A_65 {strides = array<i32>} : memref<8x128xf32, #tpu.memory_space<vmem>>, vector<8x128xf32>,
      } else {
      }
      %get3A = arith.constant 0 : index
      %get3A_12 = arith.constant 0 : index
      %get3A_13 = vector.load %arg2[%get3A, %get3A_12] : memref<1000x128xf32, #tpu.memory_space<vmem>>, vector<1000x128xf32>
      %get3A_14 = arith.constant 0 : index
      %get3A_15 = arith.constant 0 : index
      %get3A_16 = vector.load %arg3[%get3A_14, %get3A_15] : memref<1000x128xf32, #tpu.memory_space<vmem>>, vector<1000x128xf32>
      %add3A = arith.addf %get3A_13, %get3A_16 : vector<1000x128xf32>
      %get3A_17 = arith.constant 0 : index
      %get3A_18 = arith.constant 0 : index
      %get3A_19 = vector.load %arg4[%get3A_17, %get3A_18] : memref<1000x128xf32, #tpu.memory_space<vmem>>, vector<1000x128xf32>
      %add3A_20 = arith.addf %add3A, %get3A_19 : vector<1000x128xf32>
      %get3A_21 = arith.constant 0 : index
      %get3A_22 = arith.constant 0 : index
      %get3A_23 = vector.load %arg5[%get3A_21, %get3A_22] : memref<128x256xf32, #tpu.memory_space<vmem>>, vector<128x256xf32>
      %dot_general3A = arith.constant dense<0.000000e+00> : vector<1000x256xf32>
      %dot_general3A_24 = tpu.matmul %add3A_20, %get3A_23, %dot_general3A {dimension_numbers = #tpu.dot_dimension_numbers<[1], [0], [0], [1], [0, 0, 1, 1], [], []>, transpose_lhs_hint = false} : vector<1000x128xf32>, vector<128x256xf32>, vector<1000x256xf32> -> vector<1000x256xf32>
      %get3A_25 = arith.constant 0 : index
      %get3A_26 = arith.constant 0 : index
      %get3A_27 = vector.load %arg6[%get3A_25, %get3A_26] : memref<1x256xf32, #tpu.memory_space<vmem>>, vector<1x256xf32>
      %add3A_28 = vector.broadcast %get3A_27 : vector<1x256xf32> to vector<1000x256xf32>
      %add3A_29 = arith.addf %dot_general3A_24, %add3A_28 : vector<1000x256xf32>
      %max3A = arith.constant 0.000000e+00 : f32
      %max3A_30 = vector.broadcast %max3A : f32 to vector<1000x256xf32>
      %max3A_31 = arith.maximumf %add3A_29, %max3A_30 : vector<1000x256xf32>
      %get3A_32 = arith.constant 0 : index
      %get3A_33 = arith.constant 0 : index
      %get3A_34 = vector.load %arg7[%get3A_32, %get3A_33] : memref<256x128xf32, #tpu.memory_space<vmem>>, vector<256x128xf32>
      %dot_general3A_35 = arith.constant dense<0.000000e+00> : vector<1000x128xf32>
      %dot_general3A_36 = tpu.matmul %max3A_31, %get3A_34, %dot_general3A_35 {dimension_numbers = #tpu.dot_dimension_numbers<[1], [0], [0], [1], [0, 0, 1, 1], [], []>, transpose_lhs_hint = false} : vector<1000x256xf32>, vector<256x128xf32>, vector<1000x128xf32> -> vector<1000x128xf32>
      %get3A_37 = arith.constant 0 : index
      %get3A_38 = arith.constant 0 : index
      %get3A_39 = vector.load %arg8[%get3A_37, %get3A_38] : memref<1x128xf32, #tpu.memory_space<vmem>>, vector<1x128xf32>
      %add3A_40 = vector.broadcast %get3A_39 : vector<1x128xf32> to vector<1000x128xf32>
      %add3A_41 = arith.addf %dot_general3A_36, %add3A_40 : vector<1000x128xf32>
      %mul3A = arith.constant 1000 : i32
      %mul3A_42 = arith.muli %arg1, %mul3A : i32
      %swap3A = arith.index_cast %mul3A_42 : i32 to index
      %swap3A_43 = arith.constant 0 : index
      %swap3A_44 = vector.load %arg12[%swap3A, %swap3A_43] : memref<10000x128xf32, #tpu.memory_space<vmem>>, vector<1000x128xf32>
      tpu.vector_store %arg12[%swap3A, %swap3A_43], %add3A_41 {strides = array<i32>} : memref<10000x128xf32, #tpu.memory_space<vmem>>, vector<1000x128xf32>,
      %get3A_45 = arith.constant 0 : index
      %get3A_46 = arith.constant 0 : index
      %get3A_47 = vector.load %arg13[%get3A_45, %get3A_46] : memref<8x128xf32, #tpu.memory_space<vmem>>, vector<1x128xf32>
      %reduce_sum3A = arith.constant dense<0.000000e+00> : vector<128xf32>
      %reduce_sum3A_48 = vector.multi_reduction <add>, %add3A_41, %reduce_sum3A [0] : vector<1000x128xf32> to vector<128xf32>
      %broadcast_in_dim3A = vector.shape_cast %reduce_sum3A_48 : vector<128xf32> to vector<1x128xf32>
      %add3A_49 = arith.addf %get3A_47, %broadcast_in_dim3A : vector<1x128xf32>
      %swap3A_50 = arith.constant 0 : index
      %swap3A_51 = arith.constant 0 : index
      %swap3A_52 = vector.load %arg13[%swap3A_50, %swap3A_51] : memref<8x128xf32, #tpu.memory_space<vmem>>, vector<1x128xf32>
      tpu.vector_store %arg13[%swap3A_50, %swap3A_51], %add3A_49 {strides = array<i32>} : memref<8x128xf32, #tpu.memory_space<vmem>>, vector<1x128xf32>,
      %get3A_53 = arith.constant 1 : index
      %get3A_54 = arith.constant 0 : index
      %get3A_55 = vector.load %arg13[%get3A_53, %get3A_54] : memref<8x128xf32, #tpu.memory_space<vmem>>, vector<1x128xf32>
      %mul3A_56 = arith.mulf %add3A_41, %add3A_41 : vector<1000x128xf32>
      %reduce_sum3A_57 = arith.constant dense<0.000000e+00> : vector<128xf32>
      %reduce_sum3A_58 = vector.multi_reduction <add>, %mul3A_56, %reduce_sum3A_57 [0] : vector<1000x128xf32> to vector<128xf32>
      %broadcast_in_dim3A_59 = vector.shape_cast %reduce_sum3A_58 : vector<128xf32> to vector<1x128xf32>
      %add3A_60 = arith.addf %get3A_55, %broadcast_in_dim3A_59 : vector<1x128xf32>
      %swap3A_61 = arith.constant 1 : index
      %swap3A_62 = arith.constant 0 : index
      %swap3A_63 = vector.load %arg13[%swap3A_61, %swap3A_62] : memref<8x128xf32, #tpu.memory_space<vmem>>, vector<1x128xf32>
      tpu.vector_store %arg13[%swap3A_61, %swap3A_62], %add3A_60 {strides = array<i32>} : memref<8x128xf32, #tpu.memory_space<vmem>>, vector<1x128xf32>,
    } else {
    }
    %eq3A_2 = arith.constant 1 : i32
    %eq3A_3 = arith.cmpi eq, %arg0, %eq3A_2 : i32
    %convert_element_type3A_4 = arith.extui %eq3A_3 : i1 to i32
    %cond3A_5 = arith.constant 0 : i32
    %cond3A_6 = arith.cmpi ne, %convert_element_type3A_4, %cond3A_5 : i32
    scf.if %cond3A_6 {
      %get3A = arith.constant 0 : index
      %get3A_7 = arith.constant 0 : index
      %get3A_8 = vector.load %arg13[%get3A, %get3A_7] : memref<8x128xf32, #tpu.memory_space<vmem>>, vector<1x128xf32>
      %mul3A = arith.constant 9.99999974E-5 : f32
      %mul3A_9 = vector.broadcast %mul3A : f32 to vector<1x128xf32>
      %mul3A_10 = arith.mulf %get3A_8, %mul3A_9 : vector<1x128xf32>
      %get3A_11 = arith.constant 1 : index
      %get3A_12 = arith.constant 0 : index
      %get3A_13 = vector.load %arg13[%get3A_11, %get3A_12] : memref<8x128xf32, #tpu.memory_space<vmem>>, vector<1x128xf32>
      %mul3A_14 = arith.constant 9.99999974E-5 : f32
      %mul3A_15 = vector.broadcast %mul3A_14 : f32 to vector<1x128xf32>
      %mul3A_16 = arith.mulf %get3A_13, %mul3A_15 : vector<1x128xf32>
      %mul3A_17 = arith.mulf %mul3A_10, %mul3A_10 : vector<1x128xf32>
      %sub3A = arith.subf %mul3A_16, %mul3A_17 : vector<1x128xf32>
      %get3A_18 = arith.constant 0 : index
      %get3A_19 = arith.constant 0 : index
      %get3A_20 = vector.load %arg9[%get3A_18, %get3A_19] : memref<1x128xf32, #tpu.memory_space<vmem>>, vector<1x128xf32>
      %add3A = arith.constant 9.99999974E-6 : f32
      %add3A_21 = vector.broadcast %add3A : f32 to vector<1x128xf32>
      %add3A_22 = arith.addf %sub3A, %add3A_21 : vector<1x128xf32>
      %rsqrt3A = math.rsqrt %add3A_22 : vector<1x128xf32>
      %mul3A_23 = arith.mulf %get3A_20, %rsqrt3A : vector<1x128xf32>
      %mul3A_24 = arith.constant 1000 : i32
      %mul3A_25 = arith.muli %arg1, %mul3A_24 : i32
      %get3A_26 = arith.index_cast %mul3A_25 : i32 to index
      %get3A_27 = arith.constant 0 : index
      %get3A_28 = vector.load %arg12[%get3A_26, %get3A_27] : memref<10000x128xf32, #tpu.memory_space<vmem>>, vector<1000x128xf32>
      %sub3A_29 = vector.broadcast %mul3A_10 : vector<1x128xf32> to vector<1000x128xf32>
      %sub3A_30 = arith.subf %get3A_28, %sub3A_29 : vector<1000x128xf32>
      %mul3A_31 = vector.broadcast %mul3A_23 : vector<1x128xf32> to vector<1000x128xf32>
      %mul3A_32 = arith.mulf %sub3A_30, %mul3A_31 : vector<1000x128xf32>
      %get3A_33 = arith.constant 0 : index
      %get3A_34 = arith.constant 0 : index
      %get3A_35 = vector.load %arg10[%get3A_33, %get3A_34] : memref<1x128xf32, #tpu.memory_space<vmem>>, vector<1x128xf32>
      %add3A_36 = vector.broadcast %get3A_35 : vector<1x128xf32> to vector<1000x128xf32>
      %add3A_37 = arith.addf %mul3A_32, %add3A_36 : vector<1000x128xf32>
      %max3A = arith.constant 0.000000e+00 : f32
      %max3A_38 = vector.broadcast %max3A : f32 to vector<1000x128xf32>
      %max3A_39 = arith.maximumf %add3A_37, %max3A_38 : vector<1000x128xf32>
      %swap3A = arith.constant 0 : index
      %swap3A_40 = arith.constant 0 : index
      %swap3A_41 = vector.load %arg11[%swap3A, %swap3A_40] : memref<1000x128xf32, #tpu.memory_space<vmem>>, vector<1000x128xf32>
      tpu.vector_store %arg11[%swap3A, %swap3A_40], %max3A_39 {strides = array<i32>} : memref<1000x128xf32, #tpu.memory_space<vmem>>, vector<1000x128xf32>,
    } else {
    }
    return
  }
  func.func @transform_0(%arg0: i32, %arg1: i32) -> (i32, i32) {
    %sub3A = arith.constant 1 : i32
    %sub3A_0 = arith.subi %sub3A, %arg0 : i32
    %mul3A = arith.muli %arg1, %sub3A_0 : i32
    %c0_i32 = arith.constant 0 : i32
    %c0_i32_1 = arith.constant 0 : i32
    return %mul3A, %c0_i32 : i32, i32
  }
  func.func @transform_1(%arg0: i32, %arg1: i32) -> (i32, i32) {
    %sub3A = arith.constant 1 : i32
    %sub3A_0 = arith.subi %sub3A, %arg0 : i32
    %mul3A = arith.muli %arg1, %sub3A_0 : i32
    %c0_i32 = arith.constant 0 : i32
    %c0_i32_1 = arith.constant 0 : i32
    return %mul3A, %c0_i32 : i32, i32
  }
  func.func @transform_2(%arg0: i32, %arg1: i32) -> (i32, i32) {
    %sub3A = arith.constant 1 : i32
    %sub3A_0 = arith.subi %sub3A, %arg0 : i32
    %mul3A = arith.muli %arg1, %sub3A_0 : i32
    %c0_i32 = arith.constant 0 : i32
    %c0_i32_1 = arith.constant 0 : i32
    return %mul3A, %c0_i32 : i32, i32
  }
  func.func @transform_3(%arg0: i32, %arg1: i32) -> (i32, i32) {
    %c0_i32 = arith.constant 0 : i32
    %c0_i32_0 = arith.constant 0 : i32
    %c0_i32_1 = arith.constant 0 : i32
    return %c0_i32, %c0_i32_0 : i32, i32
  }
  func.func @transform_4(%arg0: i32, %arg1: i32) -> (i32, i32) {
    %c0_i32 = arith.constant 0 : i32
    %c0_i32_0 = arith.constant 0 : i32
    %c0_i32_1 = arith.constant 0 : i32
    return %c0_i32, %c0_i32_0 : i32, i32
  }
  func.func @transform_5(%arg0: i32, %arg1: i32) -> (i32, i32) {
    %c0_i32 = arith.constant 0 : i32
    %c0_i32_0 = arith.constant 0 : i32
    %c0_i32_1 = arith.constant 0 : i32
    return %c0_i32, %c0_i32_0 : i32, i32
  }
  func.func @transform_6(%arg0: i32, %arg1: i32) -> (i32, i32) {
    %c0_i32 = arith.constant 0 : i32
    %c0_i32_0 = arith.constant 0 : i32
    %c0_i32_1 = arith.constant 0 : i32
    return %c0_i32, %c0_i32_0 : i32, i32
  }
  func.func @transform_7(%arg0: i32, %arg1: i32) -> (i32, i32) {
    %c0_i32 = arith.constant 0 : i32
    %c0_i32_0 = arith.constant 0 : i32
    %c0_i32_1 = arith.constant 0 : i32
    return %c0_i32, %c0_i32_0 : i32, i32
  }
  func.func @transform_8(%arg0: i32, %arg1: i32) -> (i32, i32) {
    %c0_i32 = arith.constant 0 : i32
    %c0_i32_0 = arith.constant 0 : i32
    %c0_i32_1 = arith.constant 0 : i32
    return %c0_i32, %c0_i32_0 : i32, i32
  }
  func.func @transform_9(%arg0: i32, %arg1: i32) -> (i32, i32) {
    %c0_i32 = arith.constant 0 : i32
    %c0_i32_0 = arith.constant 0 : i32
    return %arg1, %c0_i32 : i32, i32
  }
}

module attributes {stable_mosaic.version = 14 : i64} {
  func.func @body(%arg0: i32, %arg1: i32, %arg2: memref<1000x128xf32, #tpu.memory_space<vmem>>, %arg3: memref<1000x128xf32, #tpu.memory_space<vmem>>, %arg4: memref<1000x128xf32, #tpu.memory_space<vmem>>, %arg5: memref<128x256xf32, #tpu.memory_space<vmem>>, %arg6: memref<1x256xf32, #tpu.memory_space<vmem>>, %arg7: memref<256x128xf32, #tpu.memory_space<vmem>>, %arg8: memref<1x128xf32, #tpu.memory_space<vmem>>, %arg9: memref<1x128xf32, #tpu.memory_space<vmem>>, %arg10: memref<1x128xf32, #tpu.memory_space<vmem>>, %arg11: memref<1000x128xf32, #tpu.memory_space<vmem>>, %arg12: memref<10000x128xf32, #tpu.memory_space<vmem>>, %arg13: memref<8x128xf32, #tpu.memory_space<vmem>>) attributes {dimension_semantics = [#tpu.dimension_semantics<arbitrary>, #tpu.dimension_semantics<arbitrary>], iteration_bounds = array<i64: 2, 10>, scalar_prefetch = 0 : i64, scratch_operands = 2 : i64, tpu.core_type = #tpu.core_type<tc>, window_params = [{transform_indices = @transform_0, window_bounds = array<i64: 1000, 128>}, {transform_indices = @transform_1, window_bounds = array<i64: 1000, 128>}, {transform_indices = @transform_2, window_bounds = array<i64: 1000, 128>}, {pipeline_mode = #tpu.pipeline_mode<synchronous>, transform_indices = @transform_3, window_bounds = array<i64: 128, 256>}, {pipeline_mode = #tpu.pipeline_mode<synchronous>, transform_indices = @transform_4, window_bounds = array<i64: 1, 256>}, {pipeline_mode = #tpu.pipeline_mode<synchronous>, transform_indices = @transform_5, window_bounds = array<i64: 256, 128>}, {pipeline_mode = #tpu.pipeline_mode<synchronous>, transform_indices = @transform_6, window_bounds = array<i64: 1, 128>}, {pipeline_mode = #tpu.pipeline_mode<synchronous>, transform_indices = @transform_7, window_bounds = array<i64: 1, 128>}, {pipeline_mode = #tpu.pipeline_mode<synchronous>, transform_indices = @transform_8, window_bounds = array<i64: 1, 128>}, {transform_indices = @transform_9, window_bounds = array<i64: 1000, 128>}]} {
    %eq3A = arith.constant 0 : i32
    %eq3A_0 = arith.cmpi eq, %arg0, %eq3A : i32
    %convert_element_type3A = arith.extui %eq3A_0 : i1 to i32
    %cond3A = arith.constant 0 : i32
    %cond3A_1 = arith.cmpi ne, %convert_element_type3A, %cond3A : i32
    scf.if %cond3A_1 {
      %eq3A_7 = arith.constant 0 : i32
      %eq3A_8 = arith.cmpi eq, %arg1, %eq3A_7 : i32
      %convert_element_type3A_9 = arith.extui %eq3A_8 : i1 to i32
      %cond3A_10 = arith.constant 0 : i32
      %cond3A_11 = arith.cmpi ne, %convert_element_type3A_9, %cond3A_10 : i32
      scf.if %cond3A_11 {
        %broadcast_in_dim3A_64 = arith.constant 0.000000e+00 : f32
        %broadcast_in_dim3A_65 = vector.broadcast %broadcast_in_dim3A_64 : f32 to vector<8x128xf32>
        %swap3A_66 = arith.constant 0 : index
        %swap3A_67 = arith.constant 0 : index
        %swap3A_68 = vector.load %arg13[%swap3A_66, %swap3A_67] : memref<8x128xf32, #tpu.memory_space<vmem>>, vector<8x128xf32>
        tpu.vector_store %arg13[%swap3A_66, %swap3A_67], %broadcast_in_dim3A_65 {strides = array<i32>} : memref<8x128xf32, #tpu.memory_space<vmem>>, vector<8x128xf32>,
      } else {
      }
      %get3A = arith.constant 0 : index
      %get3A_12 = arith.constant 0 : index
      %get3A_13 = vector.load %arg2[%get3A, %get3A_12] : memref<1000x128xf32, #tpu.memory_space<vmem>>, vector<1000x128xf32>
      %get3A_14 = arith.constant 0 : index
      %get3A_15 = arith.constant 0 : index
      %get3A_16 = vector.load %arg3[%get3A_14, %get3A_15] : memref<1000x128xf32, #tpu.memory_space<vmem>>, vector<1000x128xf32>
      %add3A = arith.addf %get3A_13, %get3A_16 : vector<1000x128xf32>
      %get3A_17 = arith.constant 0 : index
      %get3A_18 = arith.constant 0 : index
      %get3A_19 = vector.load %arg4[%get3A_17, %get3A_18] : memref<1000x128xf32, #tpu.memory_space<vmem>>, vector<1000x128xf32>
      %add3A_20 = arith.addf %add3A, %get3A_19 : vector<1000x128xf32>
      %get3A_21 = arith.constant 0 : index
      %get3A_22 = arith.constant 0 : index
      %get3A_23 = vector.load %arg5[%get3A_21, %get3A_22] : memref<128x256xf32, #tpu.memory_space<vmem>>, vector<128x256xf32>
      %dot_general3A = arith.constant dense<0.000000e+00> : vector<1000x256xf32>
      %dot_general3A_24 = tpu.matmul %add3A_20, %get3A_23, %dot_general3A {dimension_numbers = #tpu.dot_dimension_numbers<[1], [0], [0], [1], [0, 0, 1, 1], [], []>, transpose_lhs_hint = false} : vector<1000x128xf32>, vector<128x256xf32>, vector<1000x256xf32> -> vector<1000x256xf32>
      %get3A_25 = arith.constant 0 : index
      %get3A_26 = arith.constant 0 : index
      %get3A_27 = vector.load %arg6[%get3A_25, %get3A_26] : memref<1x256xf32, #tpu.memory_space<vmem>>, vector<1x256xf32>
      %add3A_28 = vector.broadcast %get3A_27 : vector<1x256xf32> to vector<1000x256xf32>
      %add3A_29 = arith.addf %dot_general3A_24, %add3A_28 : vector<1000x256xf32>
      %max3A = arith.constant 0.000000e+00 : f32
      %max3A_30 = vector.broadcast %max3A : f32 to vector<1000x256xf32>
      %max3A_31 = arith.maximumf %add3A_29, %max3A_30 : vector<1000x256xf32>
      %get3A_32 = arith.constant 0 : index
      %get3A_33 = arith.constant 0 : index
      %get3A_34 = vector.load %arg7[%get3A_32, %get3A_33] : memref<256x128xf32, #tpu.memory_space<vmem>>, vector<256x128xf32>
      %dot_general3A_35 = arith.constant dense<0.000000e+00> : vector<1000x128xf32>
      %dot_general3A_36 = tpu.matmul %max3A_31, %get3A_34, %dot_general3A_35 {dimension_numbers = #tpu.dot_dimension_numbers<[1], [0], [0], [1], [0, 0, 1, 1], [], []>, transpose_lhs_hint = false} : vector<1000x256xf32>, vector<256x128xf32>, vector<1000x128xf32> -> vector<1000x128xf32>
      %get3A_37 = arith.constant 0 : index
      %get3A_38 = arith.constant 0 : index
      %get3A_39 = vector.load %arg8[%get3A_37, %get3A_38] : memref<1x128xf32, #tpu.memory_space<vmem>>, vector<1x128xf32>
      %add3A_40 = vector.broadcast %get3A_39 : vector<1x128xf32> to vector<1000x128xf32>
      %add3A_41 = arith.addf %dot_general3A_36, %add3A_40 : vector<1000x128xf32>
      %mul3A = arith.constant 1000 : i32
      %mul3A_42 = arith.muli %arg1, %mul3A : i32
      %swap3A = arith.index_cast %mul3A_42 : i32 to index
      %swap3A_43 = arith.constant 0 : index
      %swap3A_44 = vector.load %arg12[%swap3A, %swap3A_43] : memref<10000x128xf32, #tpu.memory_space<vmem>>, vector<1000x128xf32>
      tpu.vector_store %arg12[%swap3A, %swap3A_43], %add3A_41 {strides = array<i32>} : memref<10000x128xf32, #tpu.memory_space<vmem>>, vector<1000x128xf32>,
      %get3A_45 = arith.constant 0 : index
      %get3A_46 = arith.constant 0 : index
      %get3A_47 = vector.load %arg13[%get3A_45, %get3A_46] : memref<8x128xf32, #tpu.memory_space<vmem>>, vector<1x128xf32>
      %reduce_sum3A = arith.constant dense<0.000000e+00> : vector<128xf32>
      %reduce_sum3A_48 = vector.multi_reduction <add>, %add3A_41, %reduce_sum3A [0] : vector<1000x128xf32> to vector<128xf32>
      %broadcast_in_dim3A = vector.shape_cast %reduce_sum3A_48 : vector<128xf32> to vector<1x128xf32>
      %add3A_49 = arith.addf %get3A_47, %broadcast_in_dim3A : vector<1x128xf32>
      %swap3A_50 = arith.constant 0 : index
      %swap3A_51 = arith.constant 0 : index
      %swap3A_52 = vector.load %arg13[%swap3A_50, %swap3A_51] : memref<8x128xf32, #tpu.memory_space<vmem>>, vector<1x128xf32>
      tpu.vector_store %arg13[%swap3A_50, %swap3A_51], %add3A_49 {strides = array<i32>} : memref<8x128xf32, #tpu.memory_space<vmem>>, vector<1x128xf32>,
      %get3A_53 = arith.constant 1 : index
      %get3A_54 = arith.constant 0 : index
      %get3A_55 = vector.load %arg13[%get3A_53, %get3A_54] : memref<8x128xf32, #tpu.memory_space<vmem>>, vector<1x128xf32>
      %mul3A_56 = arith.mulf %add3A_41, %add3A_41 : vector<1000x128xf32>
      %reduce_sum3A_57 = arith.constant dense<0.000000e+00> : vector<128xf32>
      %reduce_sum3A_58 = vector.multi_reduction <add>, %mul3A_56, %reduce_sum3A_57 [0] : vector<1000x128xf32> to vector<128xf32>
      %broadcast_in_dim3A_59 = vector.shape_cast %reduce_sum3A_58 : vector<128xf32> to vector<1x128xf32>
      %add3A_60 = arith.addf %get3A_55, %broadcast_in_dim3A_59 : vector<1x128xf32>
      %swap3A_61 = arith.constant 1 : index
      %swap3A_62 = arith.constant 0 : index
      %swap3A_63 = vector.load %arg13[%swap3A_61, %swap3A_62] : memref<8x128xf32, #tpu.memory_space<vmem>>, vector<1x128xf32>
      tpu.vector_store %arg13[%swap3A_61, %swap3A_62], %add3A_60 {strides = array<i32>} : memref<8x128xf32, #tpu.memory_space<vmem>>, vector<1x128xf32>,
    } else {
    }
    %eq3A_2 = arith.constant 1 : i32
    %eq3A_3 = arith.cmpi eq, %arg0, %eq3A_2 : i32
    %convert_element_type3A_4 = arith.extui %eq3A_3 : i1 to i32
    %cond3A_5 = arith.constant 0 : i32
    %cond3A_6 = arith.cmpi ne, %convert_element_type3A_4, %cond3A_5 : i32
    scf.if %cond3A_6 {
      %get3A = arith.constant 0 : index
      %get3A_7 = arith.constant 0 : index
      %get3A_8 = vector.load %arg13[%get3A, %get3A_7] : memref<8x128xf32, #tpu.memory_space<vmem>>, vector<1x128xf32>
      %mul3A = arith.constant 9.99999974E-5 : f32
      %mul3A_9 = vector.broadcast %mul3A : f32 to vector<1x128xf32>
      %mul3A_10 = arith.mulf %get3A_8, %mul3A_9 : vector<1x128xf32>
      %get3A_11 = arith.constant 1 : index
      %get3A_12 = arith.constant 0 : index
      %get3A_13 = vector.load %arg13[%get3A_11, %get3A_12] : memref<8x128xf32, #tpu.memory_space<vmem>>, vector<1x128xf32>
      %mul3A_14 = arith.constant 9.99999974E-5 : f32
      %mul3A_15 = vector.broadcast %mul3A_14 : f32 to vector<1x128xf32>
      %mul3A_16 = arith.mulf %get3A_13, %mul3A_15 : vector<1x128xf32>
      %mul3A_17 = arith.mulf %mul3A_10, %mul3A_10 : vector<1x128xf32>
      %sub3A = arith.subf %mul3A_16, %mul3A_17 : vector<1x128xf32>
      %get3A_18 = arith.constant 0 : index
      %get3A_19 = arith.constant 0 : index
      %get3A_20 = vector.load %arg9[%get3A_18, %get3A_19] : memref<1x128xf32, #tpu.memory_space<vmem>>, vector<1x128xf32>
      %add3A = arith.constant 9.99999974E-6 : f32
      %add3A_21 = vector.broadcast %add3A : f32 to vector<1x128xf32>
      %add3A_22 = arith.addf %sub3A, %add3A_21 : vector<1x128xf32>
      %rsqrt3A = math.rsqrt %add3A_22 : vector<1x128xf32>
      %mul3A_23 = arith.mulf %get3A_20, %rsqrt3A : vector<1x128xf32>
      %mul3A_24 = arith.constant 1000 : i32
      %mul3A_25 = arith.muli %arg1, %mul3A_24 : i32
      %get3A_26 = arith.index_cast %mul3A_25 : i32 to index
      %get3A_27 = arith.constant 0 : index
      %get3A_28 = vector.load %arg12[%get3A_26, %get3A_27] : memref<10000x128xf32, #tpu.memory_space<vmem>>, vector<1000x128xf32>
      %sub3A_29 = vector.broadcast %mul3A_10 : vector<1x128xf32> to vector<1000x128xf32>
      %sub3A_30 = arith.subf %get3A_28, %sub3A_29 : vector<1000x128xf32>
      %mul3A_31 = vector.broadcast %mul3A_23 : vector<1x128xf32> to vector<1000x128xf32>
      %mul3A_32 = arith.mulf %sub3A_30, %mul3A_31 : vector<1000x128xf32>
      %get3A_33 = arith.constant 0 : index
      %get3A_34 = arith.constant 0 : index
      %get3A_35 = vector.load %arg10[%get3A_33, %get3A_34] : memref<1x128xf32, #tpu.memory_space<vmem>>, vector<1x128xf32>
      %add3A_36 = vector.broadcast %get3A_35 : vector<1x128xf32> to vector<1000x128xf32>
      %add3A_37 = arith.addf %mul3A_32, %add3A_36 : vector<1000x128xf32>
      %swap3A = arith.constant 0 : index
      %swap3A_38 = arith.constant 0 : index
      %swap3A_39 = vector.load %arg11[%swap3A, %swap3A_38] : memref<1000x128xf32, #tpu.memory_space<vmem>>, vector<1000x128xf32>
      tpu.vector_store %arg11[%swap3A, %swap3A_38], %add3A_37 {strides = array<i32>} : memref<1000x128xf32, #tpu.memory_space<vmem>>, vector<1000x128xf32>,
    } else {
    }
    return
  }
  func.func @transform_0(%arg0: i32, %arg1: i32) -> (i32, i32) {
    %sub3A = arith.constant 1 : i32
    %sub3A_0 = arith.subi %sub3A, %arg0 : i32
    %mul3A = arith.muli %arg1, %sub3A_0 : i32
    %c0_i32 = arith.constant 0 : i32
    %c0_i32_1 = arith.constant 0 : i32
    return %mul3A, %c0_i32 : i32, i32
  }
  func.func @transform_1(%arg0: i32, %arg1: i32) -> (i32, i32) {
    %sub3A = arith.constant 1 : i32
    %sub3A_0 = arith.subi %sub3A, %arg0 : i32
    %mul3A = arith.muli %arg1, %sub3A_0 : i32
    %c0_i32 = arith.constant 0 : i32
    %c0_i32_1 = arith.constant 0 : i32
    return %mul3A, %c0_i32 : i32, i32
  }
  func.func @transform_2(%arg0: i32, %arg1: i32) -> (i32, i32) {
    %sub3A = arith.constant 1 : i32
    %sub3A_0 = arith.subi %sub3A, %arg0 : i32
    %mul3A = arith.muli %arg1, %sub3A_0 : i32
    %c0_i32 = arith.constant 0 : i32
    %c0_i32_1 = arith.constant 0 : i32
    return %mul3A, %c0_i32 : i32, i32
  }
  func.func @transform_3(%arg0: i32, %arg1: i32) -> (i32, i32) {
    %c0_i32 = arith.constant 0 : i32
    %c0_i32_0 = arith.constant 0 : i32
    %c0_i32_1 = arith.constant 0 : i32
    return %c0_i32, %c0_i32_0 : i32, i32
  }
  func.func @transform_4(%arg0: i32, %arg1: i32) -> (i32, i32) {
    %c0_i32 = arith.constant 0 : i32
    %c0_i32_0 = arith.constant 0 : i32
    %c0_i32_1 = arith.constant 0 : i32
    return %c0_i32, %c0_i32_0 : i32, i32
  }
  func.func @transform_5(%arg0: i32, %arg1: i32) -> (i32, i32) {
    %c0_i32 = arith.constant 0 : i32
    %c0_i32_0 = arith.constant 0 : i32
    %c0_i32_1 = arith.constant 0 : i32
    return %c0_i32, %c0_i32_0 : i32, i32
  }
  func.func @transform_6(%arg0: i32, %arg1: i32) -> (i32, i32) {
    %c0_i32 = arith.constant 0 : i32
    %c0_i32_0 = arith.constant 0 : i32
    %c0_i32_1 = arith.constant 0 : i32
    return %c0_i32, %c0_i32_0 : i32, i32
  }
  func.func @transform_7(%arg0: i32, %arg1: i32) -> (i32, i32) {
    %c0_i32 = arith.constant 0 : i32
    %c0_i32_0 = arith.constant 0 : i32
    %c0_i32_1 = arith.constant 0 : i32
    return %c0_i32, %c0_i32_0 : i32, i32
  }
  func.func @transform_8(%arg0: i32, %arg1: i32) -> (i32, i32) {
    %c0_i32 = arith.constant 0 : i32
    %c0_i32_0 = arith.constant 0 : i32
    %c0_i32_1 = arith.constant 0 : i32
    return %c0_i32, %c0_i32_0 : i32, i32
  }
  func.func @transform_9(%arg0: i32, %arg1: i32) -> (i32, i32) {
    %c0_i32 = arith.constant 0 : i32
    %c0_i32_0 = arith.constant 0 : i32
    return %arg1, %c0_i32 : i32, i32
  }
}

module attributes {stable_mosaic.version = 14 : i64} {
  func.func @body(%arg0: i32, %arg1: memref<1000x128xf32, #tpu.memory_space<vmem>>, %arg2: memref<1000x1xi32, #tpu.memory_space<vmem>>, %arg3: memref<128x256xf32, #tpu.memory_space<vmem>>, %arg4: memref<1x256xf32, #tpu.memory_space<vmem>>, %arg5: memref<256x128xf32, #tpu.memory_space<vmem>>, %arg6: memref<1x128xf32, #tpu.memory_space<vmem>>, %arg7: memref<1x128xf32, #tpu.memory_space<vmem>>, %arg8: memref<1x128xf32, #tpu.memory_space<vmem>>, %arg9: memref<64x128xf32, #tpu.memory_space<vmem>>, %arg10: memref<64x128xf32, #tpu.memory_space<vmem>>, %arg11: memref<64x128xf32, #tpu.memory_space<vmem>>) attributes {dimension_semantics = [#tpu.dimension_semantics<arbitrary>], iteration_bounds = array<i64: 10>, scalar_prefetch = 0 : i64, scratch_operands = 2 : i64, tpu.core_type = #tpu.core_type<tc>, window_params = [{transform_indices = @transform_0, window_bounds = array<i64: 1000, 128>}, {transform_indices = @transform_1, window_bounds = array<i64: 1000, 1>}, {pipeline_mode = #tpu.pipeline_mode<synchronous>, transform_indices = @transform_2, window_bounds = array<i64: 128, 256>}, {pipeline_mode = #tpu.pipeline_mode<synchronous>, transform_indices = @transform_3, window_bounds = array<i64: 1, 256>}, {pipeline_mode = #tpu.pipeline_mode<synchronous>, transform_indices = @transform_4, window_bounds = array<i64: 256, 128>}, {pipeline_mode = #tpu.pipeline_mode<synchronous>, transform_indices = @transform_5, window_bounds = array<i64: 1, 128>}, {pipeline_mode = #tpu.pipeline_mode<synchronous>, transform_indices = @transform_6, window_bounds = array<i64: 1, 128>}, {pipeline_mode = #tpu.pipeline_mode<synchronous>, transform_indices = @transform_7, window_bounds = array<i64: 1, 128>}, {pipeline_mode = #tpu.pipeline_mode<synchronous>, transform_indices = @transform_8, window_bounds = array<i64: 64, 128>}]} {
    %eq3A = arith.constant 0 : i32
    %eq3A_0 = arith.cmpi eq, %arg0, %eq3A : i32
    %convert_element_type3A = arith.extui %eq3A_0 : i1 to i32
    %cond3A = arith.constant 0 : i32
    %cond3A_1 = arith.cmpi ne, %convert_element_type3A, %cond3A : i32
    scf.if %cond3A_1 {
      %broadcast_in_dim3A_32 = arith.constant 0.000000e+00 : f32
      %broadcast_in_dim3A_33 = vector.broadcast %broadcast_in_dim3A_32 : f32 to vector<64x128xf32>
      %swap3A_34 = arith.constant 0 : index
      %swap3A_35 = arith.constant 0 : index
      %swap3A_36 = vector.load %arg10[%swap3A_34, %swap3A_35] : memref<64x128xf32, #tpu.memory_space<vmem>>, vector<64x128xf32>
      tpu.vector_store %arg10[%swap3A_34, %swap3A_35], %broadcast_in_dim3A_33 {strides = array<i32>} : memref<64x128xf32, #tpu.memory_space<vmem>>, vector<64x128xf32>,
      %broadcast_in_dim3A_37 = arith.constant 0.000000e+00 : f32
      %broadcast_in_dim3A_38 = vector.broadcast %broadcast_in_dim3A_37 : f32 to vector<64x128xf32>
      %swap3A_39 = arith.constant 0 : index
      %swap3A_40 = arith.constant 0 : index
      %swap3A_41 = vector.load %arg11[%swap3A_39, %swap3A_40] : memref<64x128xf32, #tpu.memory_space<vmem>>, vector<64x128xf32>
      tpu.vector_store %arg11[%swap3A_39, %swap3A_40], %broadcast_in_dim3A_38 {strides = array<i32>} : memref<64x128xf32, #tpu.memory_space<vmem>>, vector<64x128xf32>,
    } else {
    }
    %get3A = arith.constant 0 : index
    %get3A_2 = arith.constant 0 : index
    %get3A_3 = vector.load %arg2[%get3A, %get3A_2] : memref<1000x1xi32, #tpu.memory_space<vmem>>, vector<1000x1xi32>
    %iota3A = tpu.iota {dimensions = array<i32: 1>} : vector<1000x64xi32>
    %eq3A_4 = vector.broadcast %get3A_3 : vector<1000x1xi32> to vector<1000x64xi32>
    %eq3A_5 = arith.cmpi eq, %eq3A_4, %iota3A : vector<1000x64xi32>
    %convert_element_type3A_6 = arith.extui %eq3A_5 : vector<1000x64xi1> to vector<1000x64xi32>
    %convert_element_type3A_7 = arith.sitofp %convert_element_type3A_6 : vector<1000x64xi32> to vector<1000x64xf32>
    %get3A_8 = arith.constant 0 : index
    %get3A_9 = arith.constant 0 : index
    %get3A_10 = vector.load %arg10[%get3A_8, %get3A_9] : memref<64x128xf32, #tpu.memory_space<vmem>>, vector<64x128xf32>
    %get3A_11 = arith.constant 0 : index
    %get3A_12 = arith.constant 0 : index
    %get3A_13 = vector.load %arg1[%get3A_11, %get3A_12] : memref<1000x128xf32, #tpu.memory_space<vmem>>, vector<1000x128xf32>
    %dot_general3A = arith.constant dense<0.000000e+00> : vector<64x128xf32>
    %dot_general3A_14 = tpu.matmul %convert_element_type3A_7, %get3A_13, %dot_general3A {dimension_numbers = #tpu.dot_dimension_numbers<[0], [0], [1], [1], [0, 1, 1, 1], [], []>, transpose_lhs_hint = false} : vector<1000x64xf32>, vector<1000x128xf32>, vector<64x128xf32> -> vector<64x128xf32>
    %add3A = arith.addf %get3A_10, %dot_general3A_14 : vector<64x128xf32>
    %swap3A = arith.constant 0 : index
    %swap3A_15 = arith.constant 0 : index
    %swap3A_16 = vector.load %arg10[%swap3A, %swap3A_15] : memref<64x128xf32, #tpu.memory_space<vmem>>, vector<64x128xf32>
    tpu.vector_store %arg10[%swap3A, %swap3A_15], %add3A {strides = array<i32>} : memref<64x128xf32, #tpu.memory_space<vmem>>, vector<64x128xf32>,
    %get3A_17 = arith.constant 0 : index
    %get3A_18 = arith.constant 0 : index
    %get3A_19 = vector.load %arg11[%get3A_17, %get3A_18] : memref<64x128xf32, #tpu.memory_space<vmem>>, vector<64x128xf32>
    %broadcast_in_dim3A = arith.constant 1.000000e+00 : f32
    %broadcast_in_dim3A_20 = vector.broadcast %broadcast_in_dim3A : f32 to vector<1000x128xf32>
    %dot_general3A_21 = arith.constant dense<0.000000e+00> : vector<64x128xf32>
    %dot_general3A_22 = tpu.matmul %convert_element_type3A_7, %broadcast_in_dim3A_20, %dot_general3A_21 {dimension_numbers = #tpu.dot_dimension_numbers<[0], [0], [1], [1], [0, 1, 1, 1], [], []>, transpose_lhs_hint = false} : vector<1000x64xf32>, vector<1000x128xf32>, vector<64x128xf32> -> vector<64x128xf32>
    %add3A_23 = arith.addf %get3A_19, %dot_general3A_22 : vector<64x128xf32>
    %swap3A_24 = arith.constant 0 : index
    %swap3A_25 = arith.constant 0 : index
    %swap3A_26 = vector.load %arg11[%swap3A_24, %swap3A_25] : memref<64x128xf32, #tpu.memory_space<vmem>>, vector<64x128xf32>
    tpu.vector_store %arg11[%swap3A_24, %swap3A_25], %add3A_23 {strides = array<i32>} : memref<64x128xf32, #tpu.memory_space<vmem>>, vector<64x128xf32>,
    %eq3A_27 = arith.constant 9 : i32
    %eq3A_28 = arith.cmpi eq, %arg0, %eq3A_27 : i32
    %convert_element_type3A_29 = arith.extui %eq3A_28 : i1 to i32
    %cond3A_30 = arith.constant 0 : i32
    %cond3A_31 = arith.cmpi ne, %convert_element_type3A_29, %cond3A_30 : i32
    scf.if %cond3A_31 {
      %get3A_32 = arith.constant 0 : index
      %get3A_33 = arith.constant 0 : index
      %get3A_34 = vector.load %arg10[%get3A_32, %get3A_33] : memref<64x128xf32, #tpu.memory_space<vmem>>, vector<64x128xf32>
      %get3A_35 = arith.constant 0 : index
      %get3A_36 = arith.constant 0 : index
      %get3A_37 = vector.load %arg11[%get3A_35, %get3A_36] : memref<64x128xf32, #tpu.memory_space<vmem>>, vector<64x128xf32>
      %max3A = arith.constant 1.000000e+00 : f32
      %max3A_38 = vector.broadcast %max3A : f32 to vector<64x128xf32>
      %max3A_39 = arith.maximumf %get3A_37, %max3A_38 : vector<64x128xf32>
      %div3A = arith.divf %get3A_34, %max3A_39 : vector<64x128xf32>
      %get3A_40 = arith.constant 0 : index
      %get3A_41 = arith.constant 0 : index
      %get3A_42 = vector.load %arg3[%get3A_40, %get3A_41] : memref<128x256xf32, #tpu.memory_space<vmem>>, vector<128x256xf32>
      %dot_general3A_43 = arith.constant dense<0.000000e+00> : vector<64x256xf32>
      %dot_general3A_44 = tpu.matmul %div3A, %get3A_42, %dot_general3A_43 {dimension_numbers = #tpu.dot_dimension_numbers<[1], [0], [0], [1], [0, 0, 1, 1], [], []>, transpose_lhs_hint = false} : vector<64x128xf32>, vector<128x256xf32>, vector<64x256xf32> -> vector<64x256xf32>
      %get3A_45 = arith.constant 0 : index
      %get3A_46 = arith.constant 0 : index
      %get3A_47 = vector.load %arg4[%get3A_45, %get3A_46] : memref<1x256xf32, #tpu.memory_space<vmem>>, vector<1x256xf32>
      %add3A_48 = vector.broadcast %get3A_47 : vector<1x256xf32> to vector<64x256xf32>
      %add3A_49 = arith.addf %dot_general3A_44, %add3A_48 : vector<64x256xf32>
      %max3A_50 = arith.constant 0.000000e+00 : f32
      %max3A_51 = vector.broadcast %max3A_50 : f32 to vector<64x256xf32>
      %max3A_52 = arith.maximumf %add3A_49, %max3A_51 : vector<64x256xf32>
      %get3A_53 = arith.constant 0 : index
      %get3A_54 = arith.constant 0 : index
      %get3A_55 = vector.load %arg5[%get3A_53, %get3A_54] : memref<256x128xf32, #tpu.memory_space<vmem>>, vector<256x128xf32>
      %dot_general3A_56 = arith.constant dense<0.000000e+00> : vector<64x128xf32>
      %dot_general3A_57 = tpu.matmul %max3A_52, %get3A_55, %dot_general3A_56 {dimension_numbers = #tpu.dot_dimension_numbers<[1], [0], [0], [1], [0, 0, 1, 1], [], []>, transpose_lhs_hint = false} : vector<64x256xf32>, vector<256x128xf32>, vector<64x128xf32> -> vector<64x128xf32>
      %get3A_58 = arith.constant 0 : index
      %get3A_59 = arith.constant 0 : index
      %get3A_60 = vector.load %arg6[%get3A_58, %get3A_59] : memref<1x128xf32, #tpu.memory_space<vmem>>, vector<1x128xf32>
      %add3A_61 = vector.broadcast %get3A_60 : vector<1x128xf32> to vector<64x128xf32>
      %add3A_62 = arith.addf %dot_general3A_57, %add3A_61 : vector<64x128xf32>
      %reduce_sum3A = arith.constant dense<0.000000e+00> : vector<64xf32>
      %reduce_sum3A_63 = vector.multi_reduction <add>, %add3A_62, %reduce_sum3A [1] : vector<64x128xf32> to vector<64xf32>
      %broadcast_in_dim3A_64 = vector.shape_cast %reduce_sum3A_63 : vector<64xf32> to vector<64x1xf32>
      %div3A_65 = arith.constant 1.280000e+02 : f32
      %div3A_66 = vector.broadcast %div3A_65 : f32 to vector<64x1xf32>
      %div3A_67 = arith.divf %broadcast_in_dim3A_64, %div3A_66 : vector<64x1xf32>
      %sub3A = vector.broadcast %div3A_67 : vector<64x1xf32> to vector<64x128xf32>
      %sub3A_68 = arith.subf %add3A_62, %sub3A : vector<64x128xf32>
      %mul3A = arith.mulf %sub3A_68, %sub3A_68 : vector<64x128xf32>
      %reduce_sum3A_69 = arith.constant dense<0.000000e+00> : vector<64xf32>
      %reduce_sum3A_70 = vector.multi_reduction <add>, %mul3A, %reduce_sum3A_69 [1] : vector<64x128xf32> to vector<64xf32>
      %broadcast_in_dim3A_71 = vector.shape_cast %reduce_sum3A_70 : vector<64xf32> to vector<64x1xf32>
      %div3A_72 = arith.constant 1.280000e+02 : f32
      %div3A_73 = vector.broadcast %div3A_72 : f32 to vector<64x1xf32>
      %div3A_74 = arith.divf %broadcast_in_dim3A_71, %div3A_73 : vector<64x1xf32>
      %add3A_75 = arith.constant 9.99999974E-6 : f32
      %add3A_76 = vector.broadcast %add3A_75 : f32 to vector<64x1xf32>
      %add3A_77 = arith.addf %div3A_74, %add3A_76 : vector<64x1xf32>
      %rsqrt3A = math.rsqrt %add3A_77 : vector<64x1xf32>
      %mul3A_78 = vector.broadcast %rsqrt3A : vector<64x1xf32> to vector<64x128xf32>
      %mul3A_79 = arith.mulf %sub3A_68, %mul3A_78 : vector<64x128xf32>
      %get3A_80 = arith.constant 0 : index
      %get3A_81 = arith.constant 0 : index
      %get3A_82 = vector.load %arg7[%get3A_80, %get3A_81] : memref<1x128xf32, #tpu.memory_space<vmem>>, vector<1x128xf32>
      %mul3A_83 = vector.broadcast %get3A_82 : vector<1x128xf32> to vector<64x128xf32>
      %mul3A_84 = arith.mulf %mul3A_79, %mul3A_83 : vector<64x128xf32>
      %get3A_85 = arith.constant 0 : index
      %get3A_86 = arith.constant 0 : index
      %get3A_87 = vector.load %arg8[%get3A_85, %get3A_86] : memref<1x128xf32, #tpu.memory_space<vmem>>, vector<1x128xf32>
      %add3A_88 = vector.broadcast %get3A_87 : vector<1x128xf32> to vector<64x128xf32>
      %add3A_89 = arith.addf %mul3A_84, %add3A_88 : vector<64x128xf32>
      %swap3A_90 = arith.constant 0 : index
      %swap3A_91 = arith.constant 0 : index
      %swap3A_92 = vector.load %arg9[%swap3A_90, %swap3A_91] : memref<64x128xf32, #tpu.memory_space<vmem>>, vector<64x128xf32>
      tpu.vector_store %arg9[%swap3A_90, %swap3A_91], %add3A_89 {strides = array<i32>} : memref<64x128xf32, #tpu.memory_space<vmem>>, vector<64x128xf32>,
    } else {
    }
    return
  }
  func.func @transform_0(%arg0: i32) -> (i32, i32) {
    %c0_i32 = arith.constant 0 : i32
    %c0_i32_0 = arith.constant 0 : i32
    return %arg0, %c0_i32 : i32, i32
  }
  func.func @transform_1(%arg0: i32) -> (i32, i32) {
    %c0_i32 = arith.constant 0 : i32
    %c0_i32_0 = arith.constant 0 : i32
    return %arg0, %c0_i32 : i32, i32
  }
  func.func @transform_2(%arg0: i32) -> (i32, i32) {
    %c0_i32 = arith.constant 0 : i32
    %c0_i32_0 = arith.constant 0 : i32
    %c0_i32_1 = arith.constant 0 : i32
    return %c0_i32, %c0_i32_0 : i32, i32
  }
  func.func @transform_3(%arg0: i32) -> (i32, i32) {
    %c0_i32 = arith.constant 0 : i32
    %c0_i32_0 = arith.constant 0 : i32
    %c0_i32_1 = arith.constant 0 : i32
    return %c0_i32, %c0_i32_0 : i32, i32
  }
  func.func @transform_4(%arg0: i32) -> (i32, i32) {
    %c0_i32 = arith.constant 0 : i32
    %c0_i32_0 = arith.constant 0 : i32
    %c0_i32_1 = arith.constant 0 : i32
    return %c0_i32, %c0_i32_0 : i32, i32
  }
  func.func @transform_5(%arg0: i32) -> (i32, i32) {
    %c0_i32 = arith.constant 0 : i32
    %c0_i32_0 = arith.constant 0 : i32
    %c0_i32_1 = arith.constant 0 : i32
    return %c0_i32, %c0_i32_0 : i32, i32
  }
  func.func @transform_6(%arg0: i32) -> (i32, i32) {
    %c0_i32 = arith.constant 0 : i32
    %c0_i32_0 = arith.constant 0 : i32
    %c0_i32_1 = arith.constant 0 : i32
    return %c0_i32, %c0_i32_0 : i32, i32
  }
  func.func @transform_7(%arg0: i32) -> (i32, i32) {
    %c0_i32 = arith.constant 0 : i32
    %c0_i32_0 = arith.constant 0 : i32
    %c0_i32_1 = arith.constant 0 : i32
    return %c0_i32, %c0_i32_0 : i32, i32
  }
  func.func @transform_8(%arg0: i32) -> (i32, i32) {
    %c0_i32 = arith.constant 0 : i32
    %c0_i32_0 = arith.constant 0 : i32
    %c0_i32_1 = arith.constant 0 : i32
    return %c0_i32, %c0_i32_0 : i32, i32
  }
}

</mosaic_0001>

<sc_bundles>
// kernel: kernel.12.cloned.1.call-start
scs
__scs_entry_jumppad:
0x0: {  	(pc) =	sbr.rel $0x88, $3  }
0x1: {  	(tag) =	ssettag $0x0;
	lr =	simm.s32 $0x1  }
0x2: {  	[smem:$0x3F92] =	sst lr;
	_ =	strace $0xD0000000  }
0x3: {  	_ = 	snop  }
0x4: {  	_ = 	snop  }
0x5: {  	_ = 	snop  }
0x6: {  	_ = 	snop  }
0x7: {  	_ = 	snop  }
__scs_overlays_trampoline_lowered:
0x8: {  	[smem:$0x3FA1] =	sst s0  }
0x9: {  	[smem:$0x3FA2] =	sst s1  }
0xa: {  	[smem:$0x3FA3] =	sst s2  }
0xb: {  	[smem:$0x3FA4] =	sst s3  }
0xc: {  	[smem:$0x3FA5] =	sst s4  }
0xd: {  	[smem:$0x3FA6] =	sst s5  }
0xe: {  	[smem:$0x3FA7] =	sst s6  }
0xf: {  	[smem:$0x3FA8] =	sst s7  }
0x10: {  	[smem:$0x3FA9] =	sst s8  }
0x11: {  	[smem:$0x3FAA] =	sst s9;
	s0 =	simm.s32 @!p0 $0x0  }
0x12: {  	s1 =	sld [smem:$0x3F90];
	s0 =	simm.s32 @p0 $0x1  }
0x13: {  	[smem:$0x3FAB] =	sst s0;
	s0 =	simm.s32 @!p1 $0x0  }
0x14: {  	s2 =	sld [smem:$0x3F8F];
	s0 =	simm.s32 @p1 $0x1  }
0x15: {  	[smem:$0x3FAC] =	sst s0;
	s0 =	simm.s32 @!p2 $0x0  }
0x16: {  	s3 =	sld [smem:$0x3FDB];
	s0 =	simm.s32 @p2 $0x1  }
0x17: {  	s4 =	simm.s32 $0x1BF5;
	[smem:$0x3FAE] =	sst s0  }
0x18: {  	s0 =	sld [smem:$0x3F91];
	_ =	swait.ge [sflag:s4], $0x0  }
0x19: {  	s7 =	sld [smem:$0x3F92]  }
0x1a: {  	s8 =	sadd.s32 $0xFFFFE003, lr  }
0x1b: {  	s9 =	sadd.s32 $0xFFFFFEF7, lr;
	s5 =	simm.s32 $0xFFFFFFFF;
	p2 =	slt.u32 s8, $0xFFFFF086  }
0x1c: {  	p1 =	slt.u32 s9, $0xF7A;
	s5 =	simm.s32 @!p2 $0x0  }
0x1d: {  	s5 =	simm.s32 @p1 $0x1;
	p0 =	seq.s32 s7, s2  }
0x1e: {  	s7 =	smul.u32 @!p0 $0xF7A, s2;
	p2 =	seq.s32 @!p0 s5, $0x0  }
0x1f: {  	s9 =	smul.u32 $0xF7A, s1;
	s8 =	simm.s32 @!p0 $0x1BF5;
	p2 =	por !p2, p0  }
0x20: {  	[sflag:s8] =	ssyncset.s32 @!p0 $0xFFFFF086;
	s6 =	sadd.s32 @!p0 s3, s7;
	s7 =	simm.s32 @!p0 $0x108  }
0x21: {  	s3 =	sadd.s32 s3, s9;
	s6 =	sadd.s32 @!p0 $0x88, s6;
	s7 =	simm.s32 @p2 $0x1082  }
0x22: {  	[simem:s7], [sflag:s8] =	dma.local @!p0 [hbm:s6], $0xF7A  }
0x23: {  	s9 =	sor.u32 $0xD0000000, s2;
	s6 =	simm.s32 $0x108;
	_ =	swait.ge @!p0 [sflag:s8], $0x0  }
0x24: {  	s3 =	sadd.s32 $0x88, s3;
	s6 =	simm.s32 @!p1 $0x1082;
	[sflag:s4] =	ssyncset.s32 $0xFFFFF086  }
0x25: {  	[simem:s6], [sflag:s4] =	dma.local [hbm:s3], $0xF7A  }
0x26: {  	[smem:$0x3F92] =	sst s1;
	(tag) =	ssettag s2;
	_ =	strace s9  }
0x27: {  	s1 =	sld [smem:$0x3FA2]  }
0x28: {  	s2 =	sld [smem:$0x3FA3]  }
0x29: {  	s4 =	sld [smem:$0x3FA5]  }
0x2a: {  	p0 =	seq.s32 s5, $0x0;
	s5 =	sld [smem:$0x3FA6]  }
0x2b: {  	s6 =	sld [smem:$0x3FA7]  }
0x2c: {  	s7 =	sld [smem:$0x3FA8]  }
0x2d: {  	s3 =	simm.s32 $0x108;
	s8 =	sld [smem:$0x3FA9]  }
0x2e: {  	s3 =	simm.s32 @!p0 $0x1082;
	s9 =	sld [smem:$0x3FAA]  }
0x2f: {  	lr =	sadd.s32 s0, s3;
	s0 =	sld [smem:$0x3FA1]  }
0x30: {  	s3 =	sld [smem:$0x3FA4]  }
0x31: {  	[smem:$0x3FAD] =	sst s10  }
0x32: {  	s10 =	sld [smem:$0x3FAB];
	_ =	sdelay $0x3  }
0x33: {  	p0 =	seq.s32 s10, $0x1;
	s10 =	sld [smem:$0x3FAD];
	_ =	sdelay $0x3  }
0x34: {  	[smem:$0x3FAD] =	sst s10  }
0x35: {  	s10 =	sld [smem:$0x3FAC];
	_ =	sdelay $0x3  }
0x36: {  	p1 =	seq.s32 s10, $0x1;
	s10 =	sld [smem:$0x3FAD];
	_ =	sdelay $0x3  }
0x37: {  	[smem:$0x3FAD] =	sst s10  }
0x38: {  	s10 =	sld [smem:$0x3FAE]  }
0x39: {  	_ = 	snop;
	(pc) =	sbr.ind lr, $3  }
0x3a: {  	_ = 	snop  }
0x3b: {  	_ = 	snop  }
0x3c: {  	p2 =	seq.s32 s10, $0x1;
	s10 =	sld [smem:$0x3FAD]  }
0x3d: {  	_ =	shalt  }
0x3e: {  	_ =	shalt  }
0x3f: {  	_ =	shalt  }
0x40: {  	_ =	shalt  }
0x41: {  	_ =	shalt  }
0x42: {  	_ =	shalt  }
0x43: {  	_ =	shalt  }
0x44: {  	_ =	shalt  }
0x45: {  	_ =	shalt  }
0x46: {  	_ =	shalt  }
0x47: {  	_ =	shalt  }
0x48: {  	_ =	shalt  }
0x49: {  	_ =	shalt  }
0x4a: {  	_ =	shalt  }
0x4b: {  	_ =	shalt  }
0x4c: {  	_ =	shalt  }
0x4d: {  	_ =	shalt  }
0x4e: {  	_ =	shalt  }
0x4f: {  	_ =	shalt  }
0x50: {  	_ =	shalt  }
0x51: {  	_ =	shalt  }
0x52: {  	_ =	shalt  }
0x53: {  	_ =	shalt  }
0x54: {  	_ =	shalt  }
0x55: {  	_ =	shalt  }
0x56: {  	_ =	shalt  }
0x57: {  	_ =	shalt  }
0x58: {  	_ =	shalt  }
0x59: {  	_ =	shalt  }
0x5a: {  	_ =	shalt  }
0x5b: {  	_ =	shalt  }
0x5c: {  	_ =	shalt  }
0x5d: {  	_ =	shalt  }
0x5e: {  	_ =	shalt  }
0x5f: {  	_ =	shalt  }
0x60: {  	_ =	shalt  }
0x61: {  	_ =	shalt  }
0x62: {  	_ =	shalt  }
0x63: {  	_ =	shalt  }
0x64: {  	_ =	shalt  }
0x65: {  	_ =	shalt  }
0x66: {  	_ =	shalt  }
0x67: {  	_ =	shalt  }
0x68: {  	_ =	shalt  }
0x69: {  	_ =	shalt  }
0x6a: {  	_ =	shalt  }
0x6b: {  	_ =	shalt  }
0x6c: {  	_ =	shalt  }
0x6d: {  	_ =	shalt  }
0x6e: {  	_ =	shalt  }
0x6f: {  	_ =	shalt  }
0x70: {  	_ =	shalt  }
0x71: {  	_ =	shalt  }
0x72: {  	_ =	shalt  }
0x73: {  	_ =	shalt  }
0x74: {  	_ =	shalt  }
0x75: {  	_ =	shalt  }
0x76: {  	_ =	shalt  }
0x77: {  	_ =	shalt  }
0x78: {  	_ =	shalt  }
0x79: {  	_ =	shalt  }
0x7a: {  	_ =	shalt  }
0x7b: {  	_ =	shalt  }
0x7c: {  	_ =	shalt  }
0x7d: {  	_ =	shalt  }
0x7e: {  	_ =	shalt  }
0x7f: {  	_ =	shalt  }
0x80: {  	_ =	shalt  }
0x81: {  	_ =	shalt  }
0x82: {  	_ =	shalt  }
0x83: {  	_ =	shalt  }
0x84: {  	_ =	shalt  }
0x85: {  	_ =	shalt  }
0x86: {  	_ =	shalt  }
0x87: {  	_ =	shalt  }
.Lfunc_end0:
.L_simem_size_0:
called_computation.1_lowered:
.L_overlay_start_0:
0x88: {  	s2 =	sld [smem:$0x3FD9]  }
0x89: {  	s3 =	sld [smem:$0x3FFE];
	_ =	sdelay $0x1  }
0x8a: {  	s1 =	srdreg.scid  }
0x8b: {  	s0 =	sand.u32 $0x1, s1  }
0x8c: {  	s16 =	sshll.u32 s0, $0xA;
	s2 =	sadd.s32 s3, s2  }
0x8d: {  	s2 =	sadd.s32 s2, s16  }
0x8e: {  	[smem:$0x3FB9] =	sst s2  }
0x8f: {  	_ = 	snop  }
0x90: {  	(tm) =	ssettm $0x1  }
0x91: {  	s17 =	sld [smem:$0x3FFB];
	_ =	sdelay $0x3  }
0x92: {  	_ =	strace s17  }
0x93: {  	s2 =	sld [smem:$0x3FFC];
	_ =	sdelay $0x3  }
0x94: {  	_ =	strace s2  }
0x95: {  	s2 =	sld [smem:$0x3FFD];
	_ =	sdelay $0x3  }
0x96: {  	_ =	strace s2  }
0x97: {  	_ =	strace $0x8FFFFFFF  }
0x98: {  	s18 =	sld [smem:$0x3FDB];
	_ =	sdelay $0x1  }
0x99: {  	s19 =	simm.s32 $_scs_section_size  }
0x9a: {  	s4 =	simm.s32 $_size__tile_overlayer_lowered;
	s5 =	simm.s32 $_tile_overlayer_lowered  }
0x9b: {  	s22 =	simm.s32 $0x1BFF;
	s21 =	sshll.u32 s5, $0x1;
	s2 =	sadd.s32 s19, s18  }
0x9c: {  	s6 =	simm.s32 $0x0;
	s20 =	sshll.u32 s4, $0x1;
	s4 =	sadd.s32 s21, s2  }
0x9d: {  	[timem:s6], [sflag:s22] =	dma.local [hbm:s4], s20  }
0x9e: {  	_ =	swait.ge [sflag:s22], s20  }
0x9f: {  	s3 =	ssub.s32 $0x0, s20;
	[sflag:s22] =	ssyncset.done $0x0  }
0xa0: {  	[sflag:s22] =	ssyncadd.s32 s3;
	_ =	sdelay $0x1  }
0xa1: {  	s23 =	simm.s32 $0x1B8B  }
0xa2: {  	_ =	swait.ge [sflag:s23], $0x1  }
0xa3: {  	[sflag:s23] =	ssyncset.done $0x0  }
0xa4: {  	s25 =	simm.s32 $0x1B8E;
	s24 =	sld [smem:$0x3FFE];
	[sflag:s23] =	ssyncadd.s32 $0xFFFFFFFF  }
0xa5: {  	s26 =	simm.s32 $execute0_lowered;
	[smem:$0x3FD2] =	sst s25  }
0xa6: {  	s4 =	sshll.u32 s26, $0x1;
	_ =	strace $0x80000049;
	[dreg:$0x1] =	wrdreg $0xFFFFFFFF  }
0xa7: {  	s28 =	simm.s32 $_size_execute0_lowered;
	s2 =	sadd.s32 s2, s4;
	[dreg:$0x0] =	wrdreg $0x0  }
0xa8: {  	s4 =	sshll.u32 s28, $0x1;
	[dreg:$0x2] =	wrdreg s2  }
0xa9: {  	[dreg:$0x3] =	wrdreg s4  }
0xaa: {  	[dreg:$0x4] =	wrdreg $0xC0  }
0xab: {  	_ =	task [dreg:s6], $0x5FFFF  }
0xac: {  	[dreg:$0x1] =	wrdreg $0xFFFFFFFF  }
0xad: {  	[dreg:$0x0] =	wrdreg $0x60  }
0xae: {  	[dreg:$0x2] =	wrdreg s24  }
0xaf: {  	[dreg:$0x3] =	wrdreg $0xC1000  }
0xb0: {  	[dreg:$0x4] =	wrdreg $0x9  }
0xb1: {  	_ =	task.clear_ibuf [dreg:s6], $0x5FFFF;
	_ =	strace $0x90000049  }
0xb2: {  	s29 =	simm.s32 $0x9;
	_ =	strace $0x8000004B  }
0xb3: {  	_ =	swait.ge [sflag:s29], $0x1  }
0xb4: {  	[sflag:s29] =	ssyncadd.s32 $0xFFFFFFFF  }
0xb5: {  	_ =	strace $0x9000004B  }
0xb6: {  	_ =	sfence  }
0xb7: {  	s30 =	sld [smem:$0x0];
	_ =	sdelay $0x2  }
0xb8: {  	s31 =	sshll.u32 s1, $0xD;
	s1 =	sshrl.u32 s1, $0x2  }
0xb9: {  	s3 =	sand.u32 $0x4000, s31;
	s1 =	sadd.s32 s1, s30  }
0xba: {  	s0 =	sor.u32 s3, s0;
	s1 =	sshll.u32 s1, $0x11  }
0xbb: {  	s0 =	sor.u32 s1, s0  }
0xbc: {  	s0 =	sadd.s32 $0x8F2B, s0  }
0xbd: {  	[sflag:s0] =	ssyncadd.remote.s32 $0x1  }
0xbe: {  	_ =	sfence.sel $0xFFFF  }
0xbf: {  	[dreg:$0x0] =	wrdreg $0xFFFFFFFF;
	(pc) =	sbr.abs _section_cstart, $3  }
0xc0: {  	[dreg:$0x1] =	wrdreg $0xFFFFFFFF  }
0xc1: {  	_ =	task.clear_ibuf [dreg:s6], $0x2FFFF;
	_ =	strace $0x9FFFFFFF  }
0xc2: {  	(tm) =	ssettm $0x7FFFFFFF  }
0xc3: {  	_ =	shalt  }
tec
execute0_lowered:
.L_overlay_start_1:
0x0: {  	(tag) =	ssettag $0x1  }
0x1: {  	s8 =	rddreg [dreg:$0x0]  }
0x2: {  	s2 =	rddreg [dreg:$0x1]  }
0x3: {  	s4 =	srdreg.scid;
	s3 =	simm.s32 $0x0;
	s1 =	stileid.u32  }
0x4: {  	s17 =	simm.s32 $0x80;
	s18 =	simm.s32 $0x4100;
	s19 =	simm.s32 $0x4  }
0x5: {  	s20 =	simm.s32 $0x8100;
	s21 =	simm.s32 $0x1;
	s22 =	simm.s32 $0x2  }
0x6: {  	s23 =	simm.s32 $0x0;
	s9 =	sand.u32 $0x1, s4;
	[smem:$0x7FF] =	sst s3  }
0x7: {  	s5 =	sshll.u32 s1, $0xE;
	s6 =	sadd.s32 $0x14E00, s8;
	s7 =	sadd.s32 $0x24E00, s8  }
0x8: {  	s13 =	sadd.s32 $0x4E800, s8;
	s14 =	sadd.s32 $0x76000, s8;
	s16 =	smul.u32 $0x4F000, s1  }
0x9: {  	s29 =	smul.u32 $0x2780, s1;
	s31 =	sshll.u32 s1, $0x6;
	s4 =	sshll.u32 s9, $0x12  }
0xa: {  	_ =	strace $0x8000004A;
	s12 =	ssub.s32 $0x2, s9;
	p0 =	seq.s32 s9, $0x0  }
0xb: {  	s4 =	sor.u32 s5, s4;
	s5 =	sadd.s32 $0x27600, s8;
	s15 =	sshrl.u32 s12, $0x1  }
0xc: {  	s28 =	sshrl.u32 s16, $0x2;
	s14 =	smov.u32 @p0 s13;
	s10 =	sshrl.u32 s4, $0x3  }
0xd: {  	s12 =	ssub.s32 s12, s15;
	s16 =	sadd.s32 s28, s2;
	s13 =	sadd.s32 s14, s29  }
0xe: {  	s14 =	simm.s32 $0x5;
	s11 =	sadd.s32 s10, s8;
	s8 =	simm.s32 $0x7C  }
0xf: {  	s15 =	sor.u32 $0x1C05, s31;
	s10 =	sadd.s32 s6, s10;
	s8 =	simm.s32 @!p0 $0x22  }
0x10: {  	s12 =	smax.u32 s12, $0x1;
	s16 =	sshrl.u32 s16, $0x3;
	s30 =	sshll.u32 s8, $0x7  }
0x11: {  	s9 =	sadd.s32 $0x4E00, s11;
	s11 =	sadd.s32 $0x10, s10;
	[dreg:$0x3] =	wrdreg s30  }
.LBB2_1:
0x12: {  	s28 =	simm.s32 $0x100  }
0x13: {  	[tilespmem:s28], [sflag:$0x5] =	stream.linear.gather [hbm4b:s9+s3], $0x3E00, $0x38;
	[tilespmem:$0x1FD00] =	vst v63  }
0x14: {  	_ =	swait.ge [sflag:s14], $0x3E00  }
0x15: {  	[sflag:s14] =	ssyncset.done $0x0  }
0x16: {  	[sflag:s14] =	ssyncadd.s32 $0xFFFFC200  }
0x17: {  	[spmem:s16], [sflag:s15] =	dma.local [hbm:s7], $0x2780  }
0x18: {  	_ =	swait.ge [sflag:s14], $0x2780  }
0x19: {  	[sflag:s14] =	ssyncset.done $0x0  }
0x1a: {  	[sflag:s14] =	ssyncadd.s32 $0xFFFFD880  }
0x1b: {  	[tilespmem:s3], [sflag:$0x3] =	stream.linear.gather [hbm4b:s10+s3], $0x80, $0x38;
	[tilespmem:$0x1FD00] =	vst v63  }
0x1c: {  	s25 =	simm.s32 $0x3  }
0x1d: {  	[tilespmem:s17], [sflag:$0x4] =	stream.linear.gather [hbm4b:s11+s3], $0x80, $0x38;
	[tilespmem:$0x1FD00] =	vst v63  }
0x1e: {  	_ =	swait.ge [sflag:s25], $0x80  }
0x1f: {  	[sflag:s25] =	ssyncset.done $0x0  }
0x20: {  	[sflag:s25] =	ssyncadd.s32 $0xFFFFFF80  }
0x21: {  	[tilespmem:s18], [sflag:$0x1] =	stream.indirect.gather [hbm4b:s5+s17], $0x80, s3, s17, $0xb8;
	[tilespmem:$0x1FD00] =	vst v63  }
0x22: {  	s26 =	simm.s32 $0x100;
	[bflag:$0x0] =	sbarrier.arrive $0xFFFF  }
.LBB2_2:
0x23: {  	_ =	swait.ge [sflag:s19], $0x80  }
0x24: {  	[sflag:s19] =	ssyncset.done $0x0  }
0x25: {  	[sflag:s19] =	ssyncadd.s32 $0xFFFFFF80  }
0x26: {  	[tilespmem:s20], [sflag:$0x2] =	stream.indirect.gather [hbm4b:s5+s17], $0x80, s17, s17, $0xb8;
	[tilespmem:$0x1FD00] =	vst v63  }
0x27: {  	s24 =	sadd.s32 $0xFFFFFFFF, s25;
	_ =	swait.ge [sflag:s21], $0x4000  }
0x28: {  	p0 =	sge.u32 s24, s8;
	s24 =	smov.u32 s28;
	[sflag:s21] =	ssyncset.done $0x0  }
0x29: {  	s28 =	simm.s32 @p0 $0x80;
	s29 =	simm.s32 @p0 $0x4100;
	[sflag:s21] =	ssyncadd.s32 $0xFFFFC000  }
0x2a: {  	[spmem:s2] =	stream.indirect.scatter.add.f32 @p0 [tilespmem:s29], [sflag:$0x5], $0x80, s24, s28, $0xb8;
	[tilespmem:$0x1FD00] =	vst v63  }
0x2b: {  	s28 =	sand.u32 @!p0 $0x7FFFFC00, s26  }
0x2c: {  	s30 =	sand.u32 @!p0 $0x300, s26;
	s29 =	simm.s32 @p0 $0x5;
	s28 =	sadd.s32 @!p0 s4, s28  }
0x2d: {  	_ =	swait.ge @p0 [sflag:s29], $0x4000;
	s28 =	sor.u32 @!p0 s30, s28  }
0x2e: {  	[sflag:s29] =	ssyncset.done @p0 $0x0;
	s28 =	sshrl.u32 @!p0 s28, $0x3  }
0x2f: {  	[sflag:s29] =	ssyncadd.s32 @p0 $0xFFFFC000;
	s29 =	simm.s32 @!p0 $0x0;
	s28 =	sadd.s32 @!p0 s6, s28  }
0x30: {  	[tilespmem:s29], [sflag:$0x3] =	stream.linear.gather @!p0 [hbm4b:s28+s29], $0x80, $0x38;
	[tilespmem:$0x1FD00] =	vst v63  }
0x31: {  	s31 =	simm.s32 @!p0 $0x5;
	s30 =	simm.s32 @!p0 $0x4100;
	s28 =	simm.s32 @!p0 $0x80  }
0x32: {  	[spmem:s2] =	stream.indirect.scatter.add.f32 @!p0 [tilespmem:s30], [sflag:$0x5], $0x80, s24, s28, $0xb8;
	[tilespmem:$0x1FD00] =	vst v63  }
0x33: {  	_ =	swait.ge @!p0 [sflag:s31], $0x4000  }
0x34: {  	[sflag:s31] =	ssyncset.done @!p0 $0x0  }
0x35: {  	[sflag:s31] =	ssyncadd.s32 @!p0 $0xFFFFC000;
	s31 =	simm.s32 @!p0 $0x3  }
0x36: {  	_ =	swait.ge @!p0 [sflag:s31], $0x80  }
0x37: {  	[sflag:s31] =	ssyncset.done @!p0 $0x0  }
0x38: {  	[sflag:s31] =	ssyncadd.s32 @!p0 $0xFFFFFF80  }
0x39: {  	[tilespmem:s30], [sflag:$0x1] =	stream.indirect.gather @!p0 [hbm4b:s5+s28], $0x80, s29, s28, $0xb8;
	[tilespmem:$0x1FD00] =	vst v63  }
0x3a: {  	p0 =	sge.u32 s25, s8  }
0x3b: {  	s28 =	sadd.s32 @!p0 $0x80, s26  }
0x3c: {  	s29 =	sand.u32 @!p0 $0x7FFFFC00, s28  }
0x3d: {  	s28 =	sand.u32 @!p0 $0x380, s28;
	s29 =	sadd.s32 @!p0 s4, s29  }
0x3e: {  	_ =	swait.ge [sflag:s22], $0x4000;
	s28 =	sor.u32 @!p0 s28, s29  }
0x3f: {  	s30 =	simm.s32 @!p0 $0x80;
	[sflag:s22] =	ssyncset.done $0x0;
	s28 =	sshrl.u32 @!p0 s28, $0x3  }
0x40: {  	[sflag:s22] =	ssyncadd.s32 $0xFFFFC000;
	s29 =	simm.s32 @!p0 $0x0;
	s28 =	sadd.s32 @!p0 s6, s28  }
0x41: {  	[tilespmem:s30], [sflag:$0x4] =	stream.linear.gather @!p0 [hbm4b:s28+s29], $0x80, $0x38;
	[tilespmem:$0x1FD00] =	vst v63  }
0x42: {  	s28 =	sadd.s32 $0x80, s24  }
0x43: {  	[spmem:s2] =	stream.indirect.scatter.add.f32 [tilespmem:s20], [sflag:$0x5], $0x80, s28, s17, $0xb8;
	[tilespmem:$0x1FD00] =	vst v63  }
0x44: {  	_ =	swait.ge [sflag:s14], $0x4000  }
0x45: {  	s26 =	sadd.s32 $0x100, s26;
	s28 =	rddreg [dreg:$0x3]  }
0x46: {  	p0 =	sne.s32 s28, s26  }
.Ltmp0:
0x47: {  	_ = 	snop;
	(pc) =	sbr.rel @p0 .LBB2_2-.Ltmp0, $3  }
0x48: {  	_ =	sdelay $0x1  }
0x49: {  	[sflag:s14] =	ssyncset.done $0x0  }
0x4a: {  	s25 =	sadd.s32 $0x2, s25;
	[sflag:s14] =	ssyncadd.s32 $0xFFFFC000;
	s28 =	sadd.s32 $0x100, s24  }
0x4b: {  	_ =	swait.ge [sflag:s19], $0x80;
	s29 =	sadd.s32 $0xFFFFFFFF, s25  }
0x4c: {  	[sflag:s19] =	ssyncset.done $0x0;
	p0 =	slt.u32 s29, s8  }
0x4d: {  	[sflag:s19] =	ssyncadd.s32 $0xFFFFFF80;
	s29 =	sand.u32 @p0 $0x7FFFFC00, s26  }
0x4e: {  	[tilespmem:s20], [sflag:$0x2] =	stream.indirect.gather [hbm4b:s5+s17], $0x80, s17, s17, $0xb8;
	[tilespmem:$0x1FD00] =	vst v63  }
0x4f: {  	s30 =	sand.u32 @p0 $0x300, s26;
	s29 =	sadd.s32 @p0 s4, s29  }
0x50: {  	_ =	swait.ge [sflag:s21], $0x4000;
	s29 =	sor.u32 @p0 s30, s29  }
0x51: {  	[sflag:s21] =	ssyncset.done $0x0;
	s29 =	sshrl.u32 @p0 s29, $0x3  }
0x52: {  	s30 =	simm.s32 @p0 $0x0;
	[sflag:s21] =	ssyncadd.s32 $0xFFFFC000;
	s29 =	sadd.s32 @p0 s6, s29  }
0x53: {  	[tilespmem:s30], [sflag:$0x3] =	stream.linear.gather @p0 [hbm4b:s29+s30], $0x80, $0x38;
	[tilespmem:$0x1FD00] =	vst v63  }
0x54: {  	s31 =	simm.s32 @p0 $0x4100;
	s0 =	simm.s32 @p0 $0x5;
	s29 =	simm.s32 @p0 $0x80  }
0x55: {  	[spmem:s2] =	stream.indirect.scatter.add.f32 @p0 [tilespmem:s31], [sflag:$0x5], $0x80, s28, s29, $0xb8;
	[tilespmem:$0x1FD00] =	vst v63  }
0x56: {  	_ =	swait.ge @p0 [sflag:s0], $0x4000  }
0x57: {  	[sflag:s0] =	ssyncset.done @p0 $0x0  }
0x58: {  	[sflag:s0] =	ssyncadd.s32 @p0 $0xFFFFC000;
	s0 =	simm.s32 @p0 $0x3  }
0x59: {  	_ =	swait.ge @p0 [sflag:s0], $0x80  }
0x5a: {  	[sflag:s0] =	ssyncset.done @p0 $0x0  }
0x5b: {  	[sflag:s0] =	ssyncadd.s32 @p0 $0xFFFFFF80  }
0x5c: {  	[tilespmem:s31], [sflag:$0x1] =	stream.indirect.gather @p0 [hbm4b:s5+s29], $0x80, s30, s29, $0xb8;
	[tilespmem:$0x1FD00] =	vst v63  }
0x5d: {  	s0 =	simm.s32 @!p0 $0x80;
	s29 =	simm.s32 @!p0 $0x4100  }
0x5e: {  	[spmem:s2] =	stream.indirect.scatter.add.f32 @!p0 [tilespmem:s29], [sflag:$0x5], $0x80, s28, s0, $0xb8;
	[tilespmem:$0x1FD00] =	vst v63  }
0x5f: {  	s0 =	simm.s32 @!p0 $0x5  }
0x60: {  	p1 =	sge.u32 s25, s8;
	_ =	swait.ge @!p0 [sflag:s0], $0x4000  }
0x61: {  	s25 =	sadd.s32 @!p1 $0x80, s26;
	[sflag:s0] =	ssyncset.done @!p0 $0x0  }
0x62: {  	[sflag:s0] =	ssyncadd.s32 @!p0 $0xFFFFC000;
	s0 =	sand.u32 @!p1 $0x7FFFFC00, s25  }
0x63: {  	s25 =	sand.u32 @!p1 $0x380, s25;
	s0 =	sadd.s32 @!p1 s4, s0  }
0x64: {  	_ =	swait.ge [sflag:s22], $0x4000;
	s0 =	sor.u32 @!p1 s25, s0  }
0x65: {  	s26 =	simm.s32 @!p1 $0x80;
	[sflag:s22] =	ssyncset.done $0x0;
	s0 =	sshrl.u32 @!p1 s0, $0x3  }
0x66: {  	s25 =	simm.s32 @!p1 $0x0;
	[sflag:s22] =	ssyncadd.s32 $0xFFFFC000;
	s0 =	sadd.s32 @!p1 s6, s0  }
0x67: {  	[tilespmem:s26], [sflag:$0x4] =	stream.linear.gather @!p1 [hbm4b:s0+s25], $0x80, $0x38;
	[tilespmem:$0x1FD00] =	vst v63  }
0x68: {  	s31 =	sadd.s32 $0x180, s24  }
0x69: {  	[spmem:s2] =	stream.indirect.scatter.add.f32 [tilespmem:s20], [sflag:$0x5], $0x80, s31, s17, $0xb8;
	[tilespmem:$0x1FD00] =	vst v63  }
0x6a: {  	_ =	swait.ge [sflag:s14], $0x4000  }
0x6b: {  	s23 =	sadd.s32 $0x1, s23;
	[sflag:s14] =	ssyncset.done $0x0  }
0x6c: {  	p0 =	sne.s32 s23, s12;
	[sflag:s14] =	ssyncadd.s32 $0xFFFFC000  }
.Ltmp1:
0x6d: {  	[bflag:$0x0] =	sbarrier.arrive $0xFFFF;
	(pc) =	sbr.rel @p0 .LBB2_1-.Ltmp1, $4  }
0x6e: {  	[hbm:s13], [sflag:s15] =	dma.local [spmem:s16], $0x2780  }
0x6f: {  	_ =	swait.ge [sflag:s14], $0x2780  }
0x70: {  	[sflag:s14] =	ssyncset.done $0x0  }
0x71: {  	[sflag:s14] =	ssyncadd.s32 $0xFFFFD880  }
0x72: {  	_ =	sfence.sel $0x180000  }
0x73: {  	[bflag:$0x0] =	sbarrier.arrive $0xFFFF  }
0x74: {  	_ =	strace $0x9000004A  }
0x75: {  	[bflag:$0x2] =	sbarrier.arrive $0xFFFF  }
0x76: {  	p0 =	sne.s32 s1, $0x0;
	s0 =	rddreg [dreg:$0x2]  }
0x77: {  	s0 =	sadd.s32 @!p0 $0x100000, s0  }
0x78: {  	[sflag:s0] =	ssyncadd.tile.s32 @!p0 $0x1;
	_ =	shalt  }
.Lfunc_end2:
_tile_overlayer_lowered:
.L_overlay_start_2:
0x79: {  	(tag) =	ssettag $0x2  }
0x7a: {  	s0 =	rddreg [dreg:$0x0];
	s2 =	stileid.u32  }
0x7b: {  	s1 =	rddreg [dreg:$0x1];
	p0 =	sne.s32 s2, $0x0  }
0x7c: {  	s3 =	rddreg [dreg:$0x2];
	[bflag:$0x3] =	sbarrier.arrive $0xFFFF;
	s2 =	simm.s32 @!p0 $0x1C05  }
0x7d: {  	[timem:s3], [sflag:s2] =	dma.local @!p0 [hbm:s0], s1  }
0x7e: {  	s0 =	simm.s32 @!p0 $0x5  }
0x7f: {  	_ =	swait.ge @!p0 [sflag:s0], s1  }
0x80: {  	s1 =	ssub.s32 @!p0 $0x0, s1;
	[sflag:s0] =	ssyncset.done @!p0 $0x0  }
0x81: {  	[sflag:s0] =	ssyncadd.s32 @!p0 s1  }
0x82: {  	[bflag:$0x3] =	sbarrier.arrive $0xFFFF  }
0x83: {  	_ =	shalt  }

// kernel: kernel.15.cloned.1.call-start
scs
__scs_entry_jumppad:
0x0: {  	(pc) =	sbr.rel $0x88, $3  }
0x1: {  	(tag) =	ssettag $0x0;
	lr =	simm.s32 $0x1  }
0x2: {  	[smem:$0x3F92] =	sst lr;
	_ =	strace $0xD0000000  }
0x3: {  	_ = 	snop  }
0x4: {  	_ = 	snop  }
0x5: {  	_ = 	snop  }
0x6: {  	_ = 	snop  }
0x7: {  	_ = 	snop  }
__scs_overlays_trampoline_lowered:
0x8: {  	[smem:$0x3FA1] =	sst s0  }
0x9: {  	[smem:$0x3FA2] =	sst s1  }
0xa: {  	[smem:$0x3FA3] =	sst s2  }
0xb: {  	[smem:$0x3FA4] =	sst s3  }
0xc: {  	[smem:$0x3FA5] =	sst s4  }
0xd: {  	[smem:$0x3FA6] =	sst s5  }
0xe: {  	[smem:$0x3FA7] =	sst s6  }
0xf: {  	[smem:$0x3FA8] =	sst s7  }
0x10: {  	[smem:$0x3FA9] =	sst s8  }
0x11: {  	[smem:$0x3FAA] =	sst s9;
	s0 =	simm.s32 @!p0 $0x0  }
0x12: {  	s1 =	sld [smem:$0x3F90];
	s0 =	simm.s32 @p0 $0x1  }
0x13: {  	[smem:$0x3FAB] =	sst s0;
	s0 =	simm.s32 @!p1 $0x0  }
0x14: {  	s2 =	sld [smem:$0x3F8F];
	s0 =	simm.s32 @p1 $0x1  }
0x15: {  	[smem:$0x3FAC] =	sst s0;
	s0 =	simm.s32 @!p2 $0x0  }
0x16: {  	s3 =	sld [smem:$0x3FDB];
	s0 =	simm.s32 @p2 $0x1  }
0x17: {  	s4 =	simm.s32 $0x1BF5;
	[smem:$0x3FAE] =	sst s0  }
0x18: {  	s0 =	sld [smem:$0x3F91];
	_ =	swait.ge [sflag:s4], $0x0  }
0x19: {  	s7 =	sld [smem:$0x3F92]  }
0x1a: {  	s8 =	sadd.s32 $0xFFFFE003, lr  }
0x1b: {  	s9 =	sadd.s32 $0xFFFFFEF7, lr;
	s5 =	simm.s32 $0xFFFFFFFF;
	p2 =	slt.u32 s8, $0xFFFFF086  }
0x1c: {  	p1 =	slt.u32 s9, $0xF7A;
	s5 =	simm.s32 @!p2 $0x0  }
0x1d: {  	s5 =	simm.s32 @p1 $0x1;
	p0 =	seq.s32 s7, s2  }
0x1e: {  	s7 =	smul.u32 @!p0 $0xF7A, s2;
	p2 =	seq.s32 @!p0 s5, $0x0  }
0x1f: {  	s9 =	smul.u32 $0xF7A, s1;
	s8 =	simm.s32 @!p0 $0x1BF5;
	p2 =	por !p2, p0  }
0x20: {  	[sflag:s8] =	ssyncset.s32 @!p0 $0xFFFFF086;
	s6 =	sadd.s32 @!p0 s3, s7;
	s7 =	simm.s32 @!p0 $0x108  }
0x21: {  	s3 =	sadd.s32 s3, s9;
	s6 =	sadd.s32 @!p0 $0x88, s6;
	s7 =	simm.s32 @p2 $0x1082  }
0x22: {  	[simem:s7], [sflag:s8] =	dma.local @!p0 [hbm:s6], $0xF7A  }
0x23: {  	s9 =	sor.u32 $0xD0000000, s2;
	s6 =	simm.s32 $0x108;
	_ =	swait.ge @!p0 [sflag:s8], $0x0  }
0x24: {  	s3 =	sadd.s32 $0x88, s3;
	s6 =	simm.s32 @!p1 $0x1082;
	[sflag:s4] =	ssyncset.s32 $0xFFFFF086  }
0x25: {  	[simem:s6], [sflag:s4] =	dma.local [hbm:s3], $0xF7A  }
0x26: {  	[smem:$0x3F92] =	sst s1;
	(tag) =	ssettag s2;
	_ =	strace s9  }
0x27: {  	s1 =	sld [smem:$0x3FA2]  }
0x28: {  	s2 =	sld [smem:$0x3FA3]  }
0x29: {  	s4 =	sld [smem:$0x3FA5]  }
0x2a: {  	p0 =	seq.s32 s5, $0x0;
	s5 =	sld [smem:$0x3FA6]  }
0x2b: {  	s6 =	sld [smem:$0x3FA7]  }
0x2c: {  	s7 =	sld [smem:$0x3FA8]  }
0x2d: {  	s3 =	simm.s32 $0x108;
	s8 =	sld [smem:$0x3FA9]  }
0x2e: {  	s3 =	simm.s32 @!p0 $0x1082;
	s9 =	sld [smem:$0x3FAA]  }
0x2f: {  	lr =	sadd.s32 s0, s3;
	s0 =	sld [smem:$0x3FA1]  }
0x30: {  	s3 =	sld [smem:$0x3FA4]  }
0x31: {  	[smem:$0x3FAD] =	sst s10  }
0x32: {  	s10 =	sld [smem:$0x3FAB];
	_ =	sdelay $0x3  }
0x33: {  	p0 =	seq.s32 s10, $0x1;
	s10 =	sld [smem:$0x3FAD];
	_ =	sdelay $0x3  }
0x34: {  	[smem:$0x3FAD] =	sst s10  }
0x35: {  	s10 =	sld [smem:$0x3FAC];
	_ =	sdelay $0x3  }
0x36: {  	p1 =	seq.s32 s10, $0x1;
	s10 =	sld [smem:$0x3FAD];
	_ =	sdelay $0x3  }
0x37: {  	[smem:$0x3FAD] =	sst s10  }
0x38: {  	s10 =	sld [smem:$0x3FAE]  }
0x39: {  	_ = 	snop;
	(pc) =	sbr.ind lr, $3  }
0x3a: {  	_ = 	snop  }
0x3b: {  	_ = 	snop  }
0x3c: {  	p2 =	seq.s32 s10, $0x1;
	s10 =	sld [smem:$0x3FAD]  }
0x3d: {  	_ =	shalt  }
0x3e: {  	_ =	shalt  }
0x3f: {  	_ =	shalt  }
0x40: {  	_ =	shalt  }
0x41: {  	_ =	shalt  }
0x42: {  	_ =	shalt  }
0x43: {  	_ =	shalt  }
0x44: {  	_ =	shalt  }
0x45: {  	_ =	shalt  }
0x46: {  	_ =	shalt  }
0x47: {  	_ =	shalt  }
0x48: {  	_ =	shalt  }
0x49: {  	_ =	shalt  }
0x4a: {  	_ =	shalt  }
0x4b: {  	_ =	shalt  }
0x4c: {  	_ =	shalt  }
0x4d: {  	_ =	shalt  }
0x4e: {  	_ =	shalt  }
0x4f: {  	_ =	shalt  }
0x50: {  	_ =	shalt  }
0x51: {  	_ =	shalt  }
0x52: {  	_ =	shalt  }
0x53: {  	_ =	shalt  }
0x54: {  	_ =	shalt  }
0x55: {  	_ =	shalt  }
0x56: {  	_ =	shalt  }
0x57: {  	_ =	shalt  }
0x58: {  	_ =	shalt  }
0x59: {  	_ =	shalt  }
0x5a: {  	_ =	shalt  }
0x5b: {  	_ =	shalt  }
0x5c: {  	_ =	shalt  }
0x5d: {  	_ =	shalt  }
0x5e: {  	_ =	shalt  }
0x5f: {  	_ =	shalt  }
0x60: {  	_ =	shalt  }
0x61: {  	_ =	shalt  }
0x62: {  	_ =	shalt  }
0x63: {  	_ =	shalt  }
0x64: {  	_ =	shalt  }
0x65: {  	_ =	shalt  }
0x66: {  	_ =	shalt  }
0x67: {  	_ =	shalt  }
0x68: {  	_ =	shalt  }
0x69: {  	_ =	shalt  }
0x6a: {  	_ =	shalt  }
0x6b: {  	_ =	shalt  }
0x6c: {  	_ =	shalt  }
0x6d: {  	_ =	shalt  }
0x6e: {  	_ =	shalt  }
0x6f: {  	_ =	shalt  }
0x70: {  	_ =	shalt  }
0x71: {  	_ =	shalt  }
0x72: {  	_ =	shalt  }
0x73: {  	_ =	shalt  }
0x74: {  	_ =	shalt  }
0x75: {  	_ =	shalt  }
0x76: {  	_ =	shalt  }
0x77: {  	_ =	shalt  }
0x78: {  	_ =	shalt  }
0x79: {  	_ =	shalt  }
0x7a: {  	_ =	shalt  }
0x7b: {  	_ =	shalt  }
0x7c: {  	_ =	shalt  }
0x7d: {  	_ =	shalt  }
0x7e: {  	_ =	shalt  }
0x7f: {  	_ =	shalt  }
0x80: {  	_ =	shalt  }
0x81: {  	_ =	shalt  }
0x82: {  	_ =	shalt  }
0x83: {  	_ =	shalt  }
0x84: {  	_ =	shalt  }
0x85: {  	_ =	shalt  }
0x86: {  	_ =	shalt  }
0x87: {  	_ =	shalt  }
.Lfunc_end0:
.L_simem_size_0:
called_computation.2_lowered:
.L_overlay_start_0:
0x88: {  	s2 =	sld [smem:$0x3FD9]  }
0x89: {  	s3 =	sld [smem:$0x3FFE];
	_ =	sdelay $0x1  }
0x8a: {  	s1 =	srdreg.scid  }
0x8b: {  	s0 =	sand.u32 $0x1, s1  }
0x8c: {  	s16 =	sshll.u32 s0, $0xA;
	s2 =	sadd.s32 s3, s2  }
0x8d: {  	s2 =	sadd.s32 s2, s16  }
0x8e: {  	[smem:$0x3FB9] =	sst s2  }
0x8f: {  	_ = 	snop  }
0x90: {  	(tm) =	ssettm $0x1  }
0x91: {  	s17 =	sld [smem:$0x3FFB];
	_ =	sdelay $0x3  }
0x92: {  	_ =	strace s17  }
0x93: {  	s2 =	sld [smem:$0x3FFC];
	_ =	sdelay $0x3  }
0x94: {  	_ =	strace s2  }
0x95: {  	s2 =	sld [smem:$0x3FFD];
	_ =	sdelay $0x3  }
0x96: {  	_ =	strace s2  }
0x97: {  	_ =	strace $0x8FFFFFFF  }
0x98: {  	s18 =	sld [smem:$0x3FDB];
	_ =	sdelay $0x1  }
0x99: {  	s19 =	simm.s32 $_scs_section_size  }
0x9a: {  	s4 =	simm.s32 $_size__tile_overlayer_lowered;
	s5 =	simm.s32 $_tile_overlayer_lowered  }
0x9b: {  	s22 =	simm.s32 $0x1BFF;
	s21 =	sshll.u32 s5, $0x1;
	s2 =	sadd.s32 s19, s18  }
0x9c: {  	s6 =	simm.s32 $0x0;
	s20 =	sshll.u32 s4, $0x1;
	s4 =	sadd.s32 s21, s2  }
0x9d: {  	[timem:s6], [sflag:s22] =	dma.local [hbm:s4], s20  }
0x9e: {  	_ =	swait.ge [sflag:s22], s20  }
0x9f: {  	s3 =	ssub.s32 $0x0, s20;
	[sflag:s22] =	ssyncset.done $0x0  }
0xa0: {  	[sflag:s22] =	ssyncadd.s32 s3;
	_ =	sdelay $0x1  }
0xa1: {  	s23 =	simm.s32 $0x1B8B  }
0xa2: {  	_ =	swait.ge [sflag:s23], $0x1  }
0xa3: {  	[sflag:s23] =	ssyncset.done $0x0  }
0xa4: {  	s25 =	simm.s32 $0x1B8E;
	s24 =	sld [smem:$0x3FFE];
	[sflag:s23] =	ssyncadd.s32 $0xFFFFFFFF  }
0xa5: {  	s26 =	simm.s32 $execute0_lowered;
	[smem:$0x3FD2] =	sst s25  }
0xa6: {  	s4 =	sshll.u32 s26, $0x1;
	_ =	strace $0x8000004C;
	[dreg:$0x1] =	wrdreg $0xFFFFFFFF  }
0xa7: {  	s28 =	simm.s32 $_size_execute0_lowered;
	s2 =	sadd.s32 s2, s4;
	[dreg:$0x0] =	wrdreg $0x0  }
0xa8: {  	s4 =	sshll.u32 s28, $0x1;
	[dreg:$0x2] =	wrdreg s2  }
0xa9: {  	[dreg:$0x3] =	wrdreg s4  }
0xaa: {  	[dreg:$0x4] =	wrdreg $0xC0  }
0xab: {  	_ =	task [dreg:s6], $0x5FFFF  }
0xac: {  	[dreg:$0x1] =	wrdreg $0xFFFFFFFF  }
0xad: {  	[dreg:$0x0] =	wrdreg $0x60  }
0xae: {  	[dreg:$0x2] =	wrdreg s24  }
0xaf: {  	[dreg:$0x3] =	wrdreg $0xC1000  }
0xb0: {  	[dreg:$0x4] =	wrdreg $0x9  }
0xb1: {  	_ =	task.clear_ibuf [dreg:s6], $0x5FFFF;
	_ =	strace $0x9000004C  }
0xb2: {  	s29 =	simm.s32 $0x9;
	_ =	strace $0x8000004E  }
0xb3: {  	_ =	swait.ge [sflag:s29], $0x1  }
0xb4: {  	[sflag:s29] =	ssyncadd.s32 $0xFFFFFFFF  }
0xb5: {  	_ =	strace $0x9000004E  }
0xb6: {  	_ =	sfence  }
0xb7: {  	s30 =	sld [smem:$0x0];
	_ =	sdelay $0x2  }
0xb8: {  	s31 =	sshll.u32 s1, $0xD;
	s1 =	sshrl.u32 s1, $0x2  }
0xb9: {  	s3 =	sand.u32 $0x4000, s31;
	s1 =	sadd.s32 s1, s30  }
0xba: {  	s0 =	sor.u32 s3, s0;
	s1 =	sshll.u32 s1, $0x11  }
0xbb: {  	s0 =	sor.u32 s1, s0  }
0xbc: {  	s0 =	sadd.s32 $0x8F2B, s0  }
0xbd: {  	[sflag:s0] =	ssyncadd.remote.s32 $0x1  }
0xbe: {  	_ =	sfence.sel $0xFFFF  }
0xbf: {  	[dreg:$0x0] =	wrdreg $0xFFFFFFFF;
	(pc) =	sbr.abs _section_cstart, $3  }
0xc0: {  	[dreg:$0x1] =	wrdreg $0xFFFFFFFF  }
0xc1: {  	_ =	task.clear_ibuf [dreg:s6], $0x2FFFF;
	_ =	strace $0x9FFFFFFF  }
0xc2: {  	(tm) =	ssettm $0x7FFFFFFF  }
0xc3: {  	_ =	shalt  }
tec
execute0_lowered:
.L_overlay_start_1:
0x0: {  	(tag) =	ssettag $0x1  }
0x1: {  	s8 =	rddreg [dreg:$0x0]  }
0x2: {  	s2 =	rddreg [dreg:$0x1]  }
0x3: {  	s4 =	srdreg.scid;
	s3 =	simm.s32 $0x0;
	s1 =	stileid.u32  }
0x4: {  	s17 =	simm.s32 $0x80;
	s18 =	simm.s32 $0x4100;
	s19 =	simm.s32 $0x4  }
0x5: {  	s20 =	simm.s32 $0x8100;
	s21 =	simm.s32 $0x1;
	s22 =	simm.s32 $0x2  }
0x6: {  	s23 =	simm.s32 $0x0;
	s9 =	sand.u32 $0x1, s4;
	[smem:$0x7FF] =	sst s3  }
0x7: {  	s5 =	sshll.u32 s1, $0xE;
	s6 =	sadd.s32 $0x14E00, s8;
	s7 =	sadd.s32 $0x24E00, s8  }
0x8: {  	s13 =	sadd.s32 $0x4E800, s8;
	s14 =	sadd.s32 $0x76000, s8;
	s16 =	smul.u32 $0x4F000, s1  }
0x9: {  	s29 =	smul.u32 $0x2780, s1;
	s31 =	sshll.u32 s1, $0x6;
	s4 =	sshll.u32 s9, $0x12  }
0xa: {  	_ =	strace $0x8000004D;
	s12 =	ssub.s32 $0x2, s9;
	p0 =	seq.s32 s9, $0x0  }
0xb: {  	s4 =	sor.u32 s5, s4;
	s5 =	sadd.s32 $0x27600, s8;
	s15 =	sshrl.u32 s12, $0x1  }
0xc: {  	s28 =	sshrl.u32 s16, $0x2;
	s14 =	smov.u32 @p0 s13;
	s10 =	sshrl.u32 s4, $0x3  }
0xd: {  	s12 =	ssub.s32 s12, s15;
	s16 =	sadd.s32 s28, s2;
	s13 =	sadd.s32 s14, s29  }
0xe: {  	s14 =	simm.s32 $0x5;
	s11 =	sadd.s32 s10, s8;
	s8 =	simm.s32 $0x7C  }
0xf: {  	s15 =	sor.u32 $0x1C05, s31;
	s10 =	sadd.s32 s6, s10;
	s8 =	simm.s32 @!p0 $0x22  }
0x10: {  	s12 =	smax.u32 s12, $0x1;
	s16 =	sshrl.u32 s16, $0x3;
	s30 =	sshll.u32 s8, $0x7  }
0x11: {  	s9 =	sadd.s32 $0x4E00, s11;
	s11 =	sadd.s32 $0x10, s10;
	[dreg:$0x3] =	wrdreg s30  }
.LBB2_1:
0x12: {  	s28 =	simm.s32 $0x100  }
0x13: {  	[tilespmem:s28], [sflag:$0x5] =	stream.linear.gather [hbm4b:s9+s3], $0x3E00, $0x38;
	[tilespmem:$0x1FD00] =	vst v63  }
0x14: {  	_ =	swait.ge [sflag:s14], $0x3E00  }
0x15: {  	[sflag:s14] =	ssyncset.done $0x0  }
0x16: {  	[sflag:s14] =	ssyncadd.s32 $0xFFFFC200  }
0x17: {  	[spmem:s16], [sflag:s15] =	dma.local [hbm:s7], $0x2780  }
0x18: {  	_ =	swait.ge [sflag:s14], $0x2780  }
0x19: {  	[sflag:s14] =	ssyncset.done $0x0  }
0x1a: {  	[sflag:s14] =	ssyncadd.s32 $0xFFFFD880  }
0x1b: {  	[tilespmem:s3], [sflag:$0x3] =	stream.linear.gather [hbm4b:s10+s3], $0x80, $0x38;
	[tilespmem:$0x1FD00] =	vst v63  }
0x1c: {  	s25 =	simm.s32 $0x3  }
0x1d: {  	[tilespmem:s17], [sflag:$0x4] =	stream.linear.gather [hbm4b:s11+s3], $0x80, $0x38;
	[tilespmem:$0x1FD00] =	vst v63  }
0x1e: {  	_ =	swait.ge [sflag:s25], $0x80  }
0x1f: {  	[sflag:s25] =	ssyncset.done $0x0  }
0x20: {  	[sflag:s25] =	ssyncadd.s32 $0xFFFFFF80  }
0x21: {  	[tilespmem:s18], [sflag:$0x1] =	stream.indirect.gather [hbm4b:s5+s17], $0x80, s3, s17, $0xb8;
	[tilespmem:$0x1FD00] =	vst v63  }
0x22: {  	s26 =	simm.s32 $0x100;
	[bflag:$0x0] =	sbarrier.arrive $0xFFFF  }
.LBB2_2:
0x23: {  	_ =	swait.ge [sflag:s19], $0x80  }
0x24: {  	[sflag:s19] =	ssyncset.done $0x0  }
0x25: {  	[sflag:s19] =	ssyncadd.s32 $0xFFFFFF80  }
0x26: {  	[tilespmem:s20], [sflag:$0x2] =	stream.indirect.gather [hbm4b:s5+s17], $0x80, s17, s17, $0xb8;
	[tilespmem:$0x1FD00] =	vst v63  }
0x27: {  	s24 =	sadd.s32 $0xFFFFFFFF, s25;
	_ =	swait.ge [sflag:s21], $0x4000  }
0x28: {  	p0 =	sge.u32 s24, s8;
	s24 =	smov.u32 s28;
	[sflag:s21] =	ssyncset.done $0x0  }
0x29: {  	s28 =	simm.s32 @p0 $0x80;
	s29 =	simm.s32 @p0 $0x4100;
	[sflag:s21] =	ssyncadd.s32 $0xFFFFC000  }
0x2a: {  	[spmem:s2] =	stream.indirect.scatter.add.f32 @p0 [tilespmem:s29], [sflag:$0x5], $0x80, s24, s28, $0xb8;
	[tilespmem:$0x1FD00] =	vst v63  }
0x2b: {  	s28 =	sand.u32 @!p0 $0x7FFFFC00, s26  }
0x2c: {  	s30 =	sand.u32 @!p0 $0x300, s26;
	s29 =	simm.s32 @p0 $0x5;
	s28 =	sadd.s32 @!p0 s4, s28  }
0x2d: {  	_ =	swait.ge @p0 [sflag:s29], $0x4000;
	s28 =	sor.u32 @!p0 s30, s28  }
0x2e: {  	[sflag:s29] =	ssyncset.done @p0 $0x0;
	s28 =	sshrl.u32 @!p0 s28, $0x3  }
0x2f: {  	[sflag:s29] =	ssyncadd.s32 @p0 $0xFFFFC000;
	s29 =	simm.s32 @!p0 $0x0;
	s28 =	sadd.s32 @!p0 s6, s28  }
0x30: {  	[tilespmem:s29], [sflag:$0x3] =	stream.linear.gather @!p0 [hbm4b:s28+s29], $0x80, $0x38;
	[tilespmem:$0x1FD00] =	vst v63  }
0x31: {  	s31 =	simm.s32 @!p0 $0x5;
	s30 =	simm.s32 @!p0 $0x4100;
	s28 =	simm.s32 @!p0 $0x80  }
0x32: {  	[spmem:s2] =	stream.indirect.scatter.add.f32 @!p0 [tilespmem:s30], [sflag:$0x5], $0x80, s24, s28, $0xb8;
	[tilespmem:$0x1FD00] =	vst v63  }
0x33: {  	_ =	swait.ge @!p0 [sflag:s31], $0x4000  }
0x34: {  	[sflag:s31] =	ssyncset.done @!p0 $0x0  }
0x35: {  	[sflag:s31] =	ssyncadd.s32 @!p0 $0xFFFFC000;
	s31 =	simm.s32 @!p0 $0x3  }
0x36: {  	_ =	swait.ge @!p0 [sflag:s31], $0x80  }
0x37: {  	[sflag:s31] =	ssyncset.done @!p0 $0x0  }
0x38: {  	[sflag:s31] =	ssyncadd.s32 @!p0 $0xFFFFFF80  }
0x39: {  	[tilespmem:s30], [sflag:$0x1] =	stream.indirect.gather @!p0 [hbm4b:s5+s28], $0x80, s29, s28, $0xb8;
	[tilespmem:$0x1FD00] =	vst v63  }
0x3a: {  	p0 =	sge.u32 s25, s8  }
0x3b: {  	s28 =	sadd.s32 @!p0 $0x80, s26  }
0x3c: {  	s29 =	sand.u32 @!p0 $0x7FFFFC00, s28  }
0x3d: {  	s28 =	sand.u32 @!p0 $0x380, s28;
	s29 =	sadd.s32 @!p0 s4, s29  }
0x3e: {  	_ =	swait.ge [sflag:s22], $0x4000;
	s28 =	sor.u32 @!p0 s28, s29  }
0x3f: {  	s30 =	simm.s32 @!p0 $0x80;
	[sflag:s22] =	ssyncset.done $0x0;
	s28 =	sshrl.u32 @!p0 s28, $0x3  }
0x40: {  	[sflag:s22] =	ssyncadd.s32 $0xFFFFC000;
	s29 =	simm.s32 @!p0 $0x0;
	s28 =	sadd.s32 @!p0 s6, s28  }
0x41: {  	[tilespmem:s30], [sflag:$0x4] =	stream.linear.gather @!p0 [hbm4b:s28+s29], $0x80, $0x38;
	[tilespmem:$0x1FD00] =	vst v63  }
0x42: {  	s28 =	sadd.s32 $0x80, s24  }
0x43: {  	[spmem:s2] =	stream.indirect.scatter.add.f32 [tilespmem:s20], [sflag:$0x5], $0x80, s28, s17, $0xb8;
	[tilespmem:$0x1FD00] =	vst v63  }
0x44: {  	_ =	swait.ge [sflag:s14], $0x4000  }
0x45: {  	s26 =	sadd.s32 $0x100, s26;
	s28 =	rddreg [dreg:$0x3]  }
0x46: {  	p0 =	sne.s32 s28, s26  }
.Ltmp0:
0x47: {  	_ = 	snop;
	(pc) =	sbr.rel @p0 .LBB2_2-.Ltmp0, $3  }
0x48: {  	_ =	sdelay $0x1  }
0x49: {  	[sflag:s14] =	ssyncset.done $0x0  }
0x4a: {  	s25 =	sadd.s32 $0x2, s25;
	[sflag:s14] =	ssyncadd.s32 $0xFFFFC000;
	s28 =	sadd.s32 $0x100, s24  }
0x4b: {  	_ =	swait.ge [sflag:s19], $0x80;
	s29 =	sadd.s32 $0xFFFFFFFF, s25  }
0x4c: {  	[sflag:s19] =	ssyncset.done $0x0;
	p0 =	slt.u32 s29, s8  }
0x4d: {  	[sflag:s19] =	ssyncadd.s32 $0xFFFFFF80;
	s29 =	sand.u32 @p0 $0x7FFFFC00, s26  }
0x4e: {  	[tilespmem:s20], [sflag:$0x2] =	stream.indirect.gather [hbm4b:s5+s17], $0x80, s17, s17, $0xb8;
	[tilespmem:$0x1FD00] =	vst v63  }
0x4f: {  	s30 =	sand.u32 @p0 $0x300, s26;
	s29 =	sadd.s32 @p0 s4, s29  }
0x50: {  	_ =	swait.ge [sflag:s21], $0x4000;
	s29 =	sor.u32 @p0 s30, s29  }
0x51: {  	[sflag:s21] =	ssyncset.done $0x0;
	s29 =	sshrl.u32 @p0 s29, $0x3  }
0x52: {  	s30 =	simm.s32 @p0 $0x0;
	[sflag:s21] =	ssyncadd.s32 $0xFFFFC000;
	s29 =	sadd.s32 @p0 s6, s29  }
0x53: {  	[tilespmem:s30], [sflag:$0x3] =	stream.linear.gather @p0 [hbm4b:s29+s30], $0x80, $0x38;
	[tilespmem:$0x1FD00] =	vst v63  }
0x54: {  	s31 =	simm.s32 @p0 $0x4100;
	s0 =	simm.s32 @p0 $0x5;
	s29 =	simm.s32 @p0 $0x80  }
0x55: {  	[spmem:s2] =	stream.indirect.scatter.add.f32 @p0 [tilespmem:s31], [sflag:$0x5], $0x80, s28, s29, $0xb8;
	[tilespmem:$0x1FD00] =	vst v63  }
0x56: {  	_ =	swait.ge @p0 [sflag:s0], $0x4000  }
0x57: {  	[sflag:s0] =	ssyncset.done @p0 $0x0  }
0x58: {  	[sflag:s0] =	ssyncadd.s32 @p0 $0xFFFFC000;
	s0 =	simm.s32 @p0 $0x3  }
0x59: {  	_ =	swait.ge @p0 [sflag:s0], $0x80  }
0x5a: {  	[sflag:s0] =	ssyncset.done @p0 $0x0  }
0x5b: {  	[sflag:s0] =	ssyncadd.s32 @p0 $0xFFFFFF80  }
0x5c: {  	[tilespmem:s31], [sflag:$0x1] =	stream.indirect.gather @p0 [hbm4b:s5+s29], $0x80, s30, s29, $0xb8;
	[tilespmem:$0x1FD00] =	vst v63  }
0x5d: {  	s0 =	simm.s32 @!p0 $0x80;
	s29 =	simm.s32 @!p0 $0x4100  }
0x5e: {  	[spmem:s2] =	stream.indirect.scatter.add.f32 @!p0 [tilespmem:s29], [sflag:$0x5], $0x80, s28, s0, $0xb8;
	[tilespmem:$0x1FD00] =	vst v63  }
0x5f: {  	s0 =	simm.s32 @!p0 $0x5  }
0x60: {  	p1 =	sge.u32 s25, s8;
	_ =	swait.ge @!p0 [sflag:s0], $0x4000  }
0x61: {  	s25 =	sadd.s32 @!p1 $0x80, s26;
	[sflag:s0] =	ssyncset.done @!p0 $0x0  }
0x62: {  	[sflag:s0] =	ssyncadd.s32 @!p0 $0xFFFFC000;
	s0 =	sand.u32 @!p1 $0x7FFFFC00, s25  }
0x63: {  	s25 =	sand.u32 @!p1 $0x380, s25;
	s0 =	sadd.s32 @!p1 s4, s0  }
0x64: {  	_ =	swait.ge [sflag:s22], $0x4000;
	s0 =	sor.u32 @!p1 s25, s0  }
0x65: {  	s26 =	simm.s32 @!p1 $0x80;
	[sflag:s22] =	ssyncset.done $0x0;
	s0 =	sshrl.u32 @!p1 s0, $0x3  }
0x66: {  	s25 =	simm.s32 @!p1 $0x0;
	[sflag:s22] =	ssyncadd.s32 $0xFFFFC000;
	s0 =	sadd.s32 @!p1 s6, s0  }
0x67: {  	[tilespmem:s26], [sflag:$0x4] =	stream.linear.gather @!p1 [hbm4b:s0+s25], $0x80, $0x38;
	[tilespmem:$0x1FD00] =	vst v63  }
0x68: {  	s31 =	sadd.s32 $0x180, s24  }
0x69: {  	[spmem:s2] =	stream.indirect.scatter.add.f32 [tilespmem:s20], [sflag:$0x5], $0x80, s31, s17, $0xb8;
	[tilespmem:$0x1FD00] =	vst v63  }
0x6a: {  	_ =	swait.ge [sflag:s14], $0x4000  }
0x6b: {  	s23 =	sadd.s32 $0x1, s23;
	[sflag:s14] =	ssyncset.done $0x0  }
0x6c: {  	p0 =	sne.s32 s23, s12;
	[sflag:s14] =	ssyncadd.s32 $0xFFFFC000  }
.Ltmp1:
0x6d: {  	[bflag:$0x0] =	sbarrier.arrive $0xFFFF;
	(pc) =	sbr.rel @p0 .LBB2_1-.Ltmp1, $4  }
0x6e: {  	[hbm:s13], [sflag:s15] =	dma.local [spmem:s16], $0x2780  }
0x6f: {  	_ =	swait.ge [sflag:s14], $0x2780  }
0x70: {  	[sflag:s14] =	ssyncset.done $0x0  }
0x71: {  	[sflag:s14] =	ssyncadd.s32 $0xFFFFD880  }
0x72: {  	_ =	sfence.sel $0x180000  }
0x73: {  	[bflag:$0x0] =	sbarrier.arrive $0xFFFF  }
0x74: {  	_ =	strace $0x9000004D  }
0x75: {  	[bflag:$0x2] =	sbarrier.arrive $0xFFFF  }
0x76: {  	p0 =	sne.s32 s1, $0x0;
	s0 =	rddreg [dreg:$0x2]  }
0x77: {  	s0 =	sadd.s32 @!p0 $0x100000, s0  }
0x78: {  	[sflag:s0] =	ssyncadd.tile.s32 @!p0 $0x1;
	_ =	shalt  }
.Lfunc_end2:
_tile_overlayer_lowered:
.L_overlay_start_2:
0x79: {  	(tag) =	ssettag $0x2  }
0x7a: {  	s0 =	rddreg [dreg:$0x0];
	s2 =	stileid.u32  }
0x7b: {  	s1 =	rddreg [dreg:$0x1];
	p0 =	sne.s32 s2, $0x0  }
0x7c: {  	s3 =	rddreg [dreg:$0x2];
	[bflag:$0x3] =	sbarrier.arrive $0xFFFF;
	s2 =	simm.s32 @!p0 $0x1C05  }
0x7d: {  	[timem:s3], [sflag:s2] =	dma.local @!p0 [hbm:s0], s1  }
0x7e: {  	s0 =	simm.s32 @!p0 $0x5  }
0x7f: {  	_ =	swait.ge @!p0 [sflag:s0], s1  }
0x80: {  	s1 =	ssub.s32 @!p0 $0x0, s1;
	[sflag:s0] =	ssyncset.done @!p0 $0x0  }
0x81: {  	[sflag:s0] =	ssyncadd.s32 @!p0 s1  }
0x82: {  	[bflag:$0x3] =	sbarrier.arrive $0xFFFF  }
0x83: {  	_ =	shalt  }

// kernel: kernel.9.cloned.1.call-start
scs
__scs_entry_jumppad:
0x0: {  	(pc) =	sbr.rel $0x88, $3  }
0x1: {  	(tag) =	ssettag $0x0;
	lr =	simm.s32 $0x1  }
0x2: {  	[smem:$0x3F92] =	sst lr;
	_ =	strace $0xD0000000  }
0x3: {  	_ = 	snop  }
0x4: {  	_ = 	snop  }
0x5: {  	_ = 	snop  }
0x6: {  	_ = 	snop  }
0x7: {  	_ = 	snop  }
__scs_overlays_trampoline_lowered:
0x8: {  	[smem:$0x3FA1] =	sst s0  }
0x9: {  	[smem:$0x3FA2] =	sst s1  }
0xa: {  	[smem:$0x3FA3] =	sst s2  }
0xb: {  	[smem:$0x3FA4] =	sst s3  }
0xc: {  	[smem:$0x3FA5] =	sst s4  }
0xd: {  	[smem:$0x3FA6] =	sst s5  }
0xe: {  	[smem:$0x3FA7] =	sst s6  }
0xf: {  	[smem:$0x3FA8] =	sst s7  }
0x10: {  	[smem:$0x3FA9] =	sst s8  }
0x11: {  	[smem:$0x3FAA] =	sst s9;
	s0 =	simm.s32 @!p0 $0x0  }
0x12: {  	s1 =	sld [smem:$0x3F90];
	s0 =	simm.s32 @p0 $0x1  }
0x13: {  	[smem:$0x3FAB] =	sst s0;
	s0 =	simm.s32 @!p1 $0x0  }
0x14: {  	s2 =	sld [smem:$0x3F8F];
	s0 =	simm.s32 @p1 $0x1  }
0x15: {  	[smem:$0x3FAC] =	sst s0;
	s0 =	simm.s32 @!p2 $0x0  }
0x16: {  	s3 =	sld [smem:$0x3FDB];
	s0 =	simm.s32 @p2 $0x1  }
0x17: {  	s4 =	simm.s32 $0x1BF5;
	[smem:$0x3FAE] =	sst s0  }
0x18: {  	s0 =	sld [smem:$0x3F91];
	_ =	swait.ge [sflag:s4], $0x0  }
0x19: {  	s7 =	sld [smem:$0x3F92]  }
0x1a: {  	s8 =	sadd.s32 $0xFFFFE003, lr  }
0x1b: {  	s9 =	sadd.s32 $0xFFFFFEF7, lr;
	s5 =	simm.s32 $0xFFFFFFFF;
	p2 =	slt.u32 s8, $0xFFFFF086  }
0x1c: {  	p1 =	slt.u32 s9, $0xF7A;
	s5 =	simm.s32 @!p2 $0x0  }
0x1d: {  	s5 =	simm.s32 @p1 $0x1;
	p0 =	seq.s32 s7, s2  }
0x1e: {  	s7 =	smul.u32 @!p0 $0xF7A, s2;
	p2 =	seq.s32 @!p0 s5, $0x0  }
0x1f: {  	s9 =	smul.u32 $0xF7A, s1;
	s8 =	simm.s32 @!p0 $0x1BF5;
	p2 =	por !p2, p0  }
0x20: {  	[sflag:s8] =	ssyncset.s32 @!p0 $0xFFFFF086;
	s6 =	sadd.s32 @!p0 s3, s7;
	s7 =	simm.s32 @!p0 $0x108  }
0x21: {  	s3 =	sadd.s32 s3, s9;
	s6 =	sadd.s32 @!p0 $0x88, s6;
	s7 =	simm.s32 @p2 $0x1082  }
0x22: {  	[simem:s7], [sflag:s8] =	dma.local @!p0 [hbm:s6], $0xF7A  }
0x23: {  	s9 =	sor.u32 $0xD0000000, s2;
	s6 =	simm.s32 $0x108;
	_ =	swait.ge @!p0 [sflag:s8], $0x0  }
0x24: {  	s3 =	sadd.s32 $0x88, s3;
	s6 =	simm.s32 @!p1 $0x1082;
	[sflag:s4] =	ssyncset.s32 $0xFFFFF086  }
0x25: {  	[simem:s6], [sflag:s4] =	dma.local [hbm:s3], $0xF7A  }
0x26: {  	[smem:$0x3F92] =	sst s1;
	(tag) =	ssettag s2;
	_ =	strace s9  }
0x27: {  	s1 =	sld [smem:$0x3FA2]  }
0x28: {  	s2 =	sld [smem:$0x3FA3]  }
0x29: {  	s4 =	sld [smem:$0x3FA5]  }
0x2a: {  	p0 =	seq.s32 s5, $0x0;
	s5 =	sld [smem:$0x3FA6]  }
0x2b: {  	s6 =	sld [smem:$0x3FA7]  }
0x2c: {  	s7 =	sld [smem:$0x3FA8]  }
0x2d: {  	s3 =	simm.s32 $0x108;
	s8 =	sld [smem:$0x3FA9]  }
0x2e: {  	s3 =	simm.s32 @!p0 $0x1082;
	s9 =	sld [smem:$0x3FAA]  }
0x2f: {  	lr =	sadd.s32 s0, s3;
	s0 =	sld [smem:$0x3FA1]  }
0x30: {  	s3 =	sld [smem:$0x3FA4]  }
0x31: {  	[smem:$0x3FAD] =	sst s10  }
0x32: {  	s10 =	sld [smem:$0x3FAB];
	_ =	sdelay $0x3  }
0x33: {  	p0 =	seq.s32 s10, $0x1;
	s10 =	sld [smem:$0x3FAD];
	_ =	sdelay $0x3  }
0x34: {  	[smem:$0x3FAD] =	sst s10  }
0x35: {  	s10 =	sld [smem:$0x3FAC];
	_ =	sdelay $0x3  }
0x36: {  	p1 =	seq.s32 s10, $0x1;
	s10 =	sld [smem:$0x3FAD];
	_ =	sdelay $0x3  }
0x37: {  	[smem:$0x3FAD] =	sst s10  }
0x38: {  	s10 =	sld [smem:$0x3FAE]  }
0x39: {  	_ = 	snop;
	(pc) =	sbr.ind lr, $3  }
0x3a: {  	_ = 	snop  }
0x3b: {  	_ = 	snop  }
0x3c: {  	p2 =	seq.s32 s10, $0x1;
	s10 =	sld [smem:$0x3FAD]  }
0x3d: {  	_ =	shalt  }
0x3e: {  	_ =	shalt  }
0x3f: {  	_ =	shalt  }
0x40: {  	_ =	shalt  }
0x41: {  	_ =	shalt  }
0x42: {  	_ =	shalt  }
0x43: {  	_ =	shalt  }
0x44: {  	_ =	shalt  }
0x45: {  	_ =	shalt  }
0x46: {  	_ =	shalt  }
0x47: {  	_ =	shalt  }
0x48: {  	_ =	shalt  }
0x49: {  	_ =	shalt  }
0x4a: {  	_ =	shalt  }
0x4b: {  	_ =	shalt  }
0x4c: {  	_ =	shalt  }
0x4d: {  	_ =	shalt  }
0x4e: {  	_ =	shalt  }
0x4f: {  	_ =	shalt  }
0x50: {  	_ =	shalt  }
0x51: {  	_ =	shalt  }
0x52: {  	_ =	shalt  }
0x53: {  	_ =	shalt  }
0x54: {  	_ =	shalt  }
0x55: {  	_ =	shalt  }
0x56: {  	_ =	shalt  }
0x57: {  	_ =	shalt  }
0x58: {  	_ =	shalt  }
0x59: {  	_ =	shalt  }
0x5a: {  	_ =	shalt  }
0x5b: {  	_ =	shalt  }
0x5c: {  	_ =	shalt  }
0x5d: {  	_ =	shalt  }
0x5e: {  	_ =	shalt  }
0x5f: {  	_ =	shalt  }
0x60: {  	_ =	shalt  }
0x61: {  	_ =	shalt  }
0x62: {  	_ =	shalt  }
0x63: {  	_ =	shalt  }
0x64: {  	_ =	shalt  }
0x65: {  	_ =	shalt  }
0x66: {  	_ =	shalt  }
0x67: {  	_ =	shalt  }
0x68: {  	_ =	shalt  }
0x69: {  	_ =	shalt  }
0x6a: {  	_ =	shalt  }
0x6b: {  	_ =	shalt  }
0x6c: {  	_ =	shalt  }
0x6d: {  	_ =	shalt  }
0x6e: {  	_ =	shalt  }
0x6f: {  	_ =	shalt  }
0x70: {  	_ =	shalt  }
0x71: {  	_ =	shalt  }
0x72: {  	_ =	shalt  }
0x73: {  	_ =	shalt  }
0x74: {  	_ =	shalt  }
0x75: {  	_ =	shalt  }
0x76: {  	_ =	shalt  }
0x77: {  	_ =	shalt  }
0x78: {  	_ =	shalt  }
0x79: {  	_ =	shalt  }
0x7a: {  	_ =	shalt  }
0x7b: {  	_ =	shalt  }
0x7c: {  	_ =	shalt  }
0x7d: {  	_ =	shalt  }
0x7e: {  	_ =	shalt  }
0x7f: {  	_ =	shalt  }
0x80: {  	_ =	shalt  }
0x81: {  	_ =	shalt  }
0x82: {  	_ =	shalt  }
0x83: {  	_ =	shalt  }
0x84: {  	_ =	shalt  }
0x85: {  	_ =	shalt  }
0x86: {  	_ =	shalt  }
0x87: {  	_ =	shalt  }
.Lfunc_end0:
.L_simem_size_0:
called_computation_lowered:
.L_overlay_start_0:
0x88: {  	s2 =	sld [smem:$0x3FD9]  }
0x89: {  	s3 =	sld [smem:$0x3FFE];
	_ =	sdelay $0x1  }
0x8a: {  	s1 =	srdreg.scid  }
0x8b: {  	s0 =	sand.u32 $0x1, s1  }
0x8c: {  	s17 =	sshll.u32 s0, $0xA;
	s2 =	sadd.s32 s3, s2  }
0x8d: {  	s2 =	sadd.s32 s2, s17  }
0x8e: {  	[smem:$0x3FB9] =	sst s2  }
0x8f: {  	_ = 	snop  }
0x90: {  	s2 =	sld [smem:$0x3FC9];
	(tm) =	ssettm $0x1  }
0x91: {  	s18 =	sld [smem:$0x3FFB];
	_ =	sdelay $0x3  }
0x92: {  	_ =	strace s18  }
0x93: {  	s3 =	sld [smem:$0x3FFC];
	_ =	sdelay $0x3  }
0x94: {  	_ =	strace s3  }
0x95: {  	s3 =	sld [smem:$0x3FFD];
	_ =	sdelay $0x3  }
0x96: {  	_ =	strace s3  }
0x97: {  	_ =	strace $0x8FFFFFFF  }
0x98: {  	s19 =	sld [smem:$0x3FDB];
	_ =	sdelay $0x1  }
0x99: {  	s4 =	simm.s32 $_scs_section_size  }
0x9a: {  	s5 =	simm.s32 $_size__tile_overlayer_lowered;
	s6 =	simm.s32 $_tile_overlayer_lowered  }
0x9b: {  	s22 =	simm.s32 $0x1BFF;
	s21 =	sshll.u32 s6, $0x1;
	s3 =	sadd.s32 s4, s19  }
0x9c: {  	s7 =	simm.s32 $0x0;
	s20 =	sshll.u32 s5, $0x1;
	s5 =	sadd.s32 s21, s3  }
0x9d: {  	[timem:s7], [sflag:s22] =	dma.local [hbm:s5], s20  }
0x9e: {  	_ =	swait.ge [sflag:s22], s20  }
0x9f: {  	s4 =	ssub.s32 $0x0, s20;
	[sflag:s22] =	ssyncset.done $0x0  }
0xa0: {  	[sflag:s22] =	ssyncadd.s32 s4;
	_ =	sdelay $0x1  }
0xa1: {  	s23 =	simm.s32 $0x1B8B  }
0xa2: {  	_ =	swait.ge [sflag:s23], $0x1  }
0xa3: {  	[sflag:s23] =	ssyncset.done $0x0  }
0xa4: {  	s25 =	simm.s32 $0x1B8E;
	s24 =	sld [smem:$0x3FFE];
	[sflag:s23] =	ssyncadd.s32 $0xFFFFFFFF  }
0xa5: {  	s26 =	simm.s32 $execute0_lowered;
	[smem:$0x3FD2] =	sst s25  }
0xa6: {  	s5 =	sshll.u32 s26, $0x1;
	_ =	strace $0x80000046;
	[dreg:$0x1] =	wrdreg $0xFFFFFFFF  }
0xa7: {  	s28 =	simm.s32 $_size_execute0_lowered;
	s3 =	sadd.s32 s3, s5;
	[dreg:$0x0] =	wrdreg $0x0  }
0xa8: {  	s5 =	sshll.u32 s28, $0x1;
	[dreg:$0x2] =	wrdreg s3  }
0xa9: {  	[dreg:$0x3] =	wrdreg s5  }
0xaa: {  	[dreg:$0x4] =	wrdreg $0xC0  }
0xab: {  	_ =	task [dreg:s7], $0x5FFFF  }
0xac: {  	[dreg:$0x1] =	wrdreg $0xFFFFFFFF  }
0xad: {  	[dreg:$0x0] =	wrdreg $0x60  }
0xae: {  	[dreg:$0x2] =	wrdreg s2  }
0xaf: {  	[dreg:$0x3] =	wrdreg s24  }
0xb0: {  	[dreg:$0x4] =	wrdreg $0xC1000  }
0xb1: {  	[dreg:$0x5] =	wrdreg $0x9  }
0xb2: {  	_ =	task.clear_ibuf [dreg:s7], $0x6FFFF;
	_ =	strace $0x90000046  }
0xb3: {  	s29 =	simm.s32 $0x9;
	_ =	strace $0x80000048  }
0xb4: {  	_ =	swait.ge [sflag:s29], $0x1  }
0xb5: {  	[sflag:s29] =	ssyncadd.s32 $0xFFFFFFFF  }
0xb6: {  	_ =	strace $0x90000048  }
0xb7: {  	_ =	sfence  }
0xb8: {  	s30 =	sld [smem:$0x0];
	_ =	sdelay $0x2  }
0xb9: {  	s31 =	sshll.u32 s1, $0xD;
	s1 =	sshrl.u32 s1, $0x2  }
0xba: {  	s3 =	sand.u32 $0x4000, s31;
	s1 =	sadd.s32 s1, s30  }
0xbb: {  	s0 =	sor.u32 s3, s0;
	s1 =	sshll.u32 s1, $0x11  }
0xbc: {  	s0 =	sor.u32 s1, s0  }
0xbd: {  	s0 =	sadd.s32 $0x8F2B, s0  }
0xbe: {  	[sflag:s0] =	ssyncadd.remote.s32 $0x1  }
0xbf: {  	_ =	sfence.sel $0xFFFF  }
0xc0: {  	[dreg:$0x0] =	wrdreg $0xFFFFFFFF;
	(pc) =	sbr.abs _section_cstart, $3  }
0xc1: {  	[dreg:$0x1] =	wrdreg $0xFFFFFFFF  }
0xc2: {  	_ =	task.clear_ibuf [dreg:s7], $0x2FFFF;
	_ =	strace $0x9FFFFFFF  }
0xc3: {  	(tm) =	ssettm $0x7FFFFFFF  }
tec
execute0_lowered:
.L_overlay_start_1:
0x0: {  	(tag) =	ssettag $0x1  }
0x1: {  	s1 =	rddreg [dreg:$0x0]  }
0x2: {  	s8 =	rddreg [dreg:$0x1]  }
0x3: {  	s3 =	rddreg [dreg:$0x2]  }
0x4: {  	s4 =	srdreg.scid;
	s2 =	stileid.u32  }
0x5: {  	s17 =	simm.s32 $0x80;
	s18 =	simm.s32 $0x4100;
	s19 =	simm.s32 $0x4  }
0x6: {  	s20 =	simm.s32 $0x8100;
	s21 =	simm.s32 $0x1;
	s22 =	simm.s32 $0x2  }
0x7: {  	s23 =	simm.s32 $0x0;
	s9 =	sand.u32 $0x1, s4;
	s4 =	simm.s32 $0x0  }
0x8: {  	s6 =	sshll.u32 s2, $0xE;
	s7 =	sadd.s32 $0x24E00, s8;
	s16 =	smul.u32 $0x4F000, s2  }
0x9: {  	s13 =	sadd.s32 $0x27600, s8;
	s14 =	sadd.s32 $0x4EE00, s8;
	s29 =	smul.u32 $0x2780, s2  }
0xa: {  	s31 =	sshll.u32 s2, $0x6;
	s5 =	sshll.u32 s9, $0x12;
	[smem:$0x7FF] =	sst s4  }
0xb: {  	s12 =	ssub.s32 $0x2, s9;
	p0 =	seq.s32 s9, $0x0;
	s5 =	sor.u32 s6, s5  }
0xc: {  	_ =	strace $0x80000047;
	s6 =	sadd.s32 $0x14E00, s8;
	s15 =	sshrl.u32 s12, $0x1  }
0xd: {  	s28 =	sshrl.u32 s16, $0x2;
	s14 =	smov.u32 @p0 s13;
	s10 =	sshrl.u32 s5, $0x3  }
0xe: {  	s12 =	ssub.s32 s12, s15;
	s16 =	sadd.s32 s28, s3;
	s13 =	sadd.s32 s14, s29  }
0xf: {  	s14 =	simm.s32 $0x5;
	s11 =	sadd.s32 s10, s8;
	s8 =	simm.s32 $0x7C  }
0x10: {  	s15 =	sor.u32 $0x1C05, s31;
	s10 =	sadd.s32 s6, s10;
	s8 =	simm.s32 @!p0 $0x22  }
0x11: {  	s12 =	smax.u32 s12, $0x1;
	s16 =	sshrl.u32 s16, $0x3;
	s30 =	sshll.u32 s8, $0x7  }
0x12: {  	s9 =	sadd.s32 $0x4E00, s11;
	s11 =	sadd.s32 $0x10, s10;
	[dreg:$0x4] =	wrdreg s30  }
.LBB2_1:
0x13: {  	s28 =	simm.s32 $0x100  }
0x14: {  	[tilespmem:s28], [sflag:$0x5] =	stream.linear.gather [hbm4b:s9+s4], $0x3E00, $0x38;
	[tilespmem:$0x1FD00] =	vst v63  }
0x15: {  	_ =	swait.ge [sflag:s14], $0x3E00  }
0x16: {  	[sflag:s14] =	ssyncset.done $0x0  }
0x17: {  	[sflag:s14] =	ssyncadd.s32 $0xFFFFC200  }
0x18: {  	[spmem:s16], [sflag:s15] =	dma.local [hbm:s7], $0x2780  }
0x19: {  	_ =	swait.ge [sflag:s14], $0x2780  }
0x1a: {  	[sflag:s14] =	ssyncset.done $0x0  }
0x1b: {  	[sflag:s14] =	ssyncadd.s32 $0xFFFFD880  }
0x1c: {  	[tilespmem:s4], [sflag:$0x3] =	stream.linear.gather [hbm4b:s10+s4], $0x80, $0x38;
	[tilespmem:$0x1FD00] =	vst v63  }
0x1d: {  	s25 =	simm.s32 $0x3  }
0x1e: {  	[tilespmem:s17], [sflag:$0x4] =	stream.linear.gather [hbm4b:s11+s4], $0x80, $0x38;
	[tilespmem:$0x1FD00] =	vst v63  }
0x1f: {  	_ =	swait.ge [sflag:s25], $0x80  }
0x20: {  	[sflag:s25] =	ssyncset.done $0x0  }
0x21: {  	[sflag:s25] =	ssyncadd.s32 $0xFFFFFF80  }
0x22: {  	[tilespmem:s18], [sflag:$0x1] =	stream.indirect.gather [hbm4b:s1+s17], $0x80, s4, s17, $0xb8;
	[tilespmem:$0x1FD00] =	vst v63  }
0x23: {  	s26 =	simm.s32 $0x100;
	[bflag:$0x0] =	sbarrier.arrive $0xFFFF  }
.LBB2_2:
0x24: {  	_ =	swait.ge [sflag:s19], $0x80  }
0x25: {  	[sflag:s19] =	ssyncset.done $0x0  }
0x26: {  	[sflag:s19] =	ssyncadd.s32 $0xFFFFFF80  }
0x27: {  	[tilespmem:s20], [sflag:$0x2] =	stream.indirect.gather [hbm4b:s1+s17], $0x80, s17, s17, $0xb8;
	[tilespmem:$0x1FD00] =	vst v63  }
0x28: {  	s24 =	sadd.s32 $0xFFFFFFFF, s25;
	_ =	swait.ge [sflag:s21], $0x4000  }
0x29: {  	p0 =	sge.u32 s24, s8;
	s24 =	smov.u32 s28;
	[sflag:s21] =	ssyncset.done $0x0  }
0x2a: {  	s28 =	simm.s32 @p0 $0x80;
	s29 =	simm.s32 @p0 $0x4100;
	[sflag:s21] =	ssyncadd.s32 $0xFFFFC000  }
0x2b: {  	[spmem:s3] =	stream.indirect.scatter.add.f32 @p0 [tilespmem:s29], [sflag:$0x5], $0x80, s24, s28, $0xb8;
	[tilespmem:$0x1FD00] =	vst v63  }
0x2c: {  	s28 =	sand.u32 @!p0 $0x7FFFFC00, s26  }
0x2d: {  	s30 =	sand.u32 @!p0 $0x300, s26;
	s29 =	simm.s32 @p0 $0x5;
	s28 =	sadd.s32 @!p0 s5, s28  }
0x2e: {  	_ =	swait.ge @p0 [sflag:s29], $0x4000;
	s28 =	sor.u32 @!p0 s30, s28  }
0x2f: {  	[sflag:s29] =	ssyncset.done @p0 $0x0;
	s28 =	sshrl.u32 @!p0 s28, $0x3  }
0x30: {  	[sflag:s29] =	ssyncadd.s32 @p0 $0xFFFFC000;
	s29 =	simm.s32 @!p0 $0x0;
	s28 =	sadd.s32 @!p0 s6, s28  }
0x31: {  	[tilespmem:s29], [sflag:$0x3] =	stream.linear.gather @!p0 [hbm4b:s28+s29], $0x80, $0x38;
	[tilespmem:$0x1FD00] =	vst v63  }
0x32: {  	s31 =	simm.s32 @!p0 $0x5;
	s30 =	simm.s32 @!p0 $0x4100;
	s28 =	simm.s32 @!p0 $0x80  }
0x33: {  	[spmem:s3] =	stream.indirect.scatter.add.f32 @!p0 [tilespmem:s30], [sflag:$0x5], $0x80, s24, s28, $0xb8;
	[tilespmem:$0x1FD00] =	vst v63  }
0x34: {  	_ =	swait.ge @!p0 [sflag:s31], $0x4000  }
0x35: {  	[sflag:s31] =	ssyncset.done @!p0 $0x0  }
0x36: {  	[sflag:s31] =	ssyncadd.s32 @!p0 $0xFFFFC000;
	s31 =	simm.s32 @!p0 $0x3  }
0x37: {  	_ =	swait.ge @!p0 [sflag:s31], $0x80  }
0x38: {  	[sflag:s31] =	ssyncset.done @!p0 $0x0  }
0x39: {  	[sflag:s31] =	ssyncadd.s32 @!p0 $0xFFFFFF80  }
0x3a: {  	[tilespmem:s30], [sflag:$0x1] =	stream.indirect.gather @!p0 [hbm4b:s1+s28], $0x80, s29, s28, $0xb8;
	[tilespmem:$0x1FD00] =	vst v63  }
0x3b: {  	p0 =	sge.u32 s25, s8  }
0x3c: {  	s28 =	sadd.s32 @!p0 $0x80, s26  }
0x3d: {  	s29 =	sand.u32 @!p0 $0x7FFFFC00, s28  }
0x3e: {  	s28 =	sand.u32 @!p0 $0x380, s28;
	s29 =	sadd.s32 @!p0 s5, s29  }
0x3f: {  	_ =	swait.ge [sflag:s22], $0x4000;
	s28 =	sor.u32 @!p0 s28, s29  }
0x40: {  	s30 =	simm.s32 @!p0 $0x80;
	[sflag:s22] =	ssyncset.done $0x0;
	s28 =	sshrl.u32 @!p0 s28, $0x3  }
0x41: {  	[sflag:s22] =	ssyncadd.s32 $0xFFFFC000;
	s29 =	simm.s32 @!p0 $0x0;
	s28 =	sadd.s32 @!p0 s6, s28  }
0x42: {  	[tilespmem:s30], [sflag:$0x4] =	stream.linear.gather @!p0 [hbm4b:s28+s29], $0x80, $0x38;
	[tilespmem:$0x1FD00] =	vst v63  }
0x43: {  	s28 =	sadd.s32 $0x80, s24  }
0x44: {  	[spmem:s3] =	stream.indirect.scatter.add.f32 [tilespmem:s20], [sflag:$0x5], $0x80, s28, s17, $0xb8;
	[tilespmem:$0x1FD00] =	vst v63  }
0x45: {  	_ =	swait.ge [sflag:s14], $0x4000  }
0x46: {  	s26 =	sadd.s32 $0x100, s26;
	s28 =	rddreg [dreg:$0x4]  }
0x47: {  	p0 =	sne.s32 s28, s26  }
.Ltmp0:
0x48: {  	_ = 	snop;
	(pc) =	sbr.rel @p0 .LBB2_2-.Ltmp0, $3  }
0x49: {  	_ =	sdelay $0x1  }
0x4a: {  	[sflag:s14] =	ssyncset.done $0x0  }
0x4b: {  	s25 =	sadd.s32 $0x2, s25;
	[sflag:s14] =	ssyncadd.s32 $0xFFFFC000;
	s28 =	sadd.s32 $0x100, s24  }
0x4c: {  	_ =	swait.ge [sflag:s19], $0x80;
	s29 =	sadd.s32 $0xFFFFFFFF, s25  }
0x4d: {  	[sflag:s19] =	ssyncset.done $0x0;
	p0 =	slt.u32 s29, s8  }
0x4e: {  	[sflag:s19] =	ssyncadd.s32 $0xFFFFFF80;
	s29 =	sand.u32 @p0 $0x7FFFFC00, s26  }
0x4f: {  	[tilespmem:s20], [sflag:$0x2] =	stream.indirect.gather [hbm4b:s1+s17], $0x80, s17, s17, $0xb8;
	[tilespmem:$0x1FD00] =	vst v63  }
0x50: {  	s30 =	sand.u32 @p0 $0x300, s26;
	s29 =	sadd.s32 @p0 s5, s29  }
0x51: {  	_ =	swait.ge [sflag:s21], $0x4000;
	s29 =	sor.u32 @p0 s30, s29  }
0x52: {  	[sflag:s21] =	ssyncset.done $0x0;
	s29 =	sshrl.u32 @p0 s29, $0x3  }
0x53: {  	s30 =	simm.s32 @p0 $0x0;
	[sflag:s21] =	ssyncadd.s32 $0xFFFFC000;
	s29 =	sadd.s32 @p0 s6, s29  }
0x54: {  	[tilespmem:s30], [sflag:$0x3] =	stream.linear.gather @p0 [hbm4b:s29+s30], $0x80, $0x38;
	[tilespmem:$0x1FD00] =	vst v63  }
0x55: {  	s31 =	simm.s32 @p0 $0x4100;
	s0 =	simm.s32 @p0 $0x5;
	s29 =	simm.s32 @p0 $0x80  }
0x56: {  	[spmem:s3] =	stream.indirect.scatter.add.f32 @p0 [tilespmem:s31], [sflag:$0x5], $0x80, s28, s29, $0xb8;
	[tilespmem:$0x1FD00] =	vst v63  }
0x57: {  	_ =	swait.ge @p0 [sflag:s0], $0x4000  }
0x58: {  	[sflag:s0] =	ssyncset.done @p0 $0x0  }
0x59: {  	[sflag:s0] =	ssyncadd.s32 @p0 $0xFFFFC000;
	s0 =	simm.s32 @p0 $0x3  }
0x5a: {  	_ =	swait.ge @p0 [sflag:s0], $0x80  }
0x5b: {  	[sflag:s0] =	ssyncset.done @p0 $0x0  }
0x5c: {  	[sflag:s0] =	ssyncadd.s32 @p0 $0xFFFFFF80  }
0x5d: {  	[tilespmem:s31], [sflag:$0x1] =	stream.indirect.gather @p0 [hbm4b:s1+s29], $0x80, s30, s29, $0xb8;
	[tilespmem:$0x1FD00] =	vst v63  }
0x5e: {  	s0 =	simm.s32 @!p0 $0x80;
	s29 =	simm.s32 @!p0 $0x4100  }
0x5f: {  	[spmem:s3] =	stream.indirect.scatter.add.f32 @!p0 [tilespmem:s29], [sflag:$0x5], $0x80, s28, s0, $0xb8;
	[tilespmem:$0x1FD00] =	vst v63  }
0x60: {  	s0 =	simm.s32 @!p0 $0x5  }
0x61: {  	p1 =	sge.u32 s25, s8;
	_ =	swait.ge @!p0 [sflag:s0], $0x4000  }
0x62: {  	s25 =	sadd.s32 @!p1 $0x80, s26;
	[sflag:s0] =	ssyncset.done @!p0 $0x0  }
0x63: {  	[sflag:s0] =	ssyncadd.s32 @!p0 $0xFFFFC000;
	s0 =	sand.u32 @!p1 $0x7FFFFC00, s25  }
0x64: {  	s25 =	sand.u32 @!p1 $0x380, s25;
	s0 =	sadd.s32 @!p1 s5, s0  }
0x65: {  	_ =	swait.ge [sflag:s22], $0x4000;
	s0 =	sor.u32 @!p1 s25, s0  }
0x66: {  	s26 =	simm.s32 @!p1 $0x80;
	[sflag:s22] =	ssyncset.done $0x0;
	s0 =	sshrl.u32 @!p1 s0, $0x3  }
0x67: {  	s25 =	simm.s32 @!p1 $0x0;
	[sflag:s22] =	ssyncadd.s32 $0xFFFFC000;
	s0 =	sadd.s32 @!p1 s6, s0  }
0x68: {  	[tilespmem:s26], [sflag:$0x4] =	stream.linear.gather @!p1 [hbm4b:s0+s25], $0x80, $0x38;
	[tilespmem:$0x1FD00] =	vst v63  }
0x69: {  	s31 =	sadd.s32 $0x180, s24  }
0x6a: {  	[spmem:s3] =	stream.indirect.scatter.add.f32 [tilespmem:s20], [sflag:$0x5], $0x80, s31, s17, $0xb8;
	[tilespmem:$0x1FD00] =	vst v63  }
0x6b: {  	_ =	swait.ge [sflag:s14], $0x4000  }
0x6c: {  	s23 =	sadd.s32 $0x1, s23;
	[sflag:s14] =	ssyncset.done $0x0  }
0x6d: {  	p0 =	sne.s32 s23, s12;
	[sflag:s14] =	ssyncadd.s32 $0xFFFFC000  }
.Ltmp1:
0x6e: {  	[bflag:$0x0] =	sbarrier.arrive $0xFFFF;
	(pc) =	sbr.rel @p0 .LBB2_1-.Ltmp1, $4  }
0x6f: {  	[hbm:s13], [sflag:s15] =	dma.local [spmem:s16], $0x2780  }
0x70: {  	_ =	swait.ge [sflag:s14], $0x2780  }
0x71: {  	[sflag:s14] =	ssyncset.done $0x0  }
0x72: {  	[sflag:s14] =	ssyncadd.s32 $0xFFFFD880  }
0x73: {  	_ =	sfence.sel $0x180000  }
0x74: {  	[bflag:$0x0] =	sbarrier.arrive $0xFFFF  }
0x75: {  	_ =	strace $0x90000047  }
0x76: {  	[bflag:$0x2] =	sbarrier.arrive $0xFFFF  }
0x77: {  	p0 =	sne.s32 s2, $0x0;
	s0 =	rddreg [dreg:$0x3]  }
0x78: {  	s0 =	sadd.s32 @!p0 $0x100000, s0  }
0x79: {  	[sflag:s0] =	ssyncadd.tile.s32 @!p0 $0x1;
	_ =	shalt  }
.Lfunc_end2:
_tile_overlayer_lowered:
.L_overlay_start_2:
0x7a: {  	(tag) =	ssettag $0x2  }
0x7b: {  	s0 =	rddreg [dreg:$0x0];
	s2 =	stileid.u32  }
0x7c: {  	s1 =	rddreg [dreg:$0x1];
	p0 =	sne.s32 s2, $0x0  }
0x7d: {  	s3 =	rddreg [dreg:$0x2];
	[bflag:$0x3] =	sbarrier.arrive $0xFFFF;
	s2 =	simm.s32 @!p0 $0x1C05  }
0x7e: {  	[timem:s3], [sflag:s2] =	dma.local @!p0 [hbm:s0], s1  }
0x7f: {  	s0 =	simm.s32 @!p0 $0x5  }
0x80: {  	_ =	swait.ge @!p0 [sflag:s0], s1  }
0x81: {  	s1 =	ssub.s32 @!p0 $0x0, s1;
	[sflag:s0] =	ssyncset.done @!p0 $0x0  }
0x82: {  	[sflag:s0] =	ssyncadd.s32 @!p0 s1  }
0x83: {  	[bflag:$0x3] =	sbarrier.arrive $0xFFFF  }
0x84: {  	_ =	shalt  }

</sc_bundles>
